<compile_context>
chip_gen: v7x
topology: tpu7x:2x2x1
jax: 0.10.2.dev20260603
libtpu: 0.0.44.dev20260713+nightly
codegen_flags: <defaults>
</compile_context>

<pallas_src>
import functools

import jax
import jax.numpy as jnp
from jax import lax
from jax.experimental import pallas as pl
from jax.experimental.pallas import tpu as pltpu
from jax.experimental.pallas import tpu_sc as plsc

E = 160000
T = 320000
D = 128
NR = 6
NS = 7
NB = 8

TE = 2000
TT = 2000


def _swish(v):
    return v * jax.nn.sigmoid(v)



def _ka_body(x_ref, rbf_ref, wkj_ref, bkj_ref, wrbf_ref, out_ref):
    xk = _swish(jnp.dot(x_ref[...], wkj_ref[...],
                        preferred_element_type=jnp.float32) + bkj_ref[...])
    rbe = jnp.dot(rbf_ref[...], wrbf_ref[...], preferred_element_type=jnp.float32)
    out_ref[...] = xk * rbe


def _kernel_a(x, rbf, W_kj, b_kj, W_rbf):
    grid = (E // TE,)
    return pl.pallas_call(
        _ka_body,
        grid=grid,
        in_specs=[
            pl.BlockSpec((TE, D), lambda i: (i, 0)),
            pl.BlockSpec((TE, NR), lambda i: (i, 0)),
            pl.BlockSpec((D, D), lambda i: (0, 0)),
            pl.BlockSpec((1, D), lambda i: (0, 0)),
            pl.BlockSpec((NR, D), lambda i: (0, 0)),
        ],
        out_specs=pl.BlockSpec((TE, D), lambda i: (i, 0)),
        out_shape=jax.ShapeDtypeStruct((E, D), jnp.float32),
    )(x, rbf, W_kj, b_kj.reshape(1, D), W_rbf)



def _kc_body(g_ref, sbf_ref, wsbf_ref, wb_ref, lo_ref, hi_ref):
    sb = jnp.dot(sbf_ref[...], wsbf_ref[...], preferred_element_type=jnp.float32)
    g = g_ref[...]
    acc = jnp.zeros((TT, D), jnp.float32)
    for b in range(NB):
        acc = acc + sb[:, b:b + 1] * jnp.dot(g, wb_ref[b],
                                             preferred_element_type=jnp.float32)
    lo_ref[...] = acc[:, :D // 2]
    hi_ref[...] = acc[:, D // 2:]


def _kernel_c(g, sbf, W_sbf, Wb_r):
    grid = (T // TT,)
    return pl.pallas_call(
        _kc_body,
        grid=grid,
        in_specs=[
            pl.BlockSpec((TT, D), lambda i: (i, 0)),
            pl.BlockSpec((TT, NS * NR), lambda i: (i, 0)),
            pl.BlockSpec((NS * NR, NB), lambda i: (0, 0)),
            pl.BlockSpec((NB, D, D), lambda i: (0, 0, 0)),
        ],
        out_specs=[pl.BlockSpec((TT, D // 2), lambda i: (i, 0)),
                   pl.BlockSpec((TT, D // 2), lambda i: (i, 0))],
        out_shape=[jax.ShapeDtypeStruct((T, D // 2), jnp.float32),
                   jax.ShapeDtypeStruct((T, D // 2), jnp.float32)],
    )(g, sbf, W_sbf, Wb_r)



def _kd_body(x_ref, alo_ref, ahi_ref, wji_ref, bji_ref,
             r1w1_ref, r1b1_ref, r1w2_ref, r1b2_ref,
             dkw_ref, dkb_ref,
             r2w1_ref, r2b1_ref, r2w2_ref, r2b2_ref,
             r3w1_ref, r3b1_ref, r3w2_ref, r3b2_ref,
             out_ref):
    def dot(a, w):
        return jnp.dot(a, w[...], preferred_element_type=jnp.float32)

    def res(h, w1, b1, w2, b2):
        return h + _swish(dot(_swish(dot(h, w1) + b1[...]), w2) + b2[...])

    x = x_ref[...]
    agg = jnp.concatenate([alo_ref[...], ahi_ref[...]], axis=1)
    h = _swish(dot(x, wji_ref) + bji_ref[...]) + agg
    h = res(h, r1w1_ref, r1b1_ref, r1w2_ref, r1b2_ref)
    h = _swish(dot(h, dkw_ref) + dkb_ref[...]) + x
    h = res(h, r2w1_ref, r2b1_ref, r2w2_ref, r2b2_ref)
    h = res(h, r3w1_ref, r3b1_ref, r3w2_ref, r3b2_ref)
    out_ref[...] = h


def _kernel_d(x, agg_lo, agg_hi, W_ji, b_ji, Rb1_W1, Rb1_b1, Rb1_W2, Rb1_b2, Dk_W, Dk_b,
              Rb2_W1, Rb2_b1, Rb2_W2, Rb2_b2, Rb3_W1, Rb3_b1, Rb3_W2, Rb3_b2):
    grid = (E // TE,)
    mat = pl.BlockSpec((D, D), lambda i: (0, 0))
    vec = pl.BlockSpec((1, D), lambda i: (0, 0))
    return pl.pallas_call(
        _kd_body,
        grid=grid,
        in_specs=[
            pl.BlockSpec((TE, D), lambda i: (i, 0)),
            pl.BlockSpec((TE, D // 2), lambda i: (i, 0)),
            pl.BlockSpec((TE, D // 2), lambda i: (i, 0)),
            mat, vec, mat, vec, mat, vec, mat, vec,
            mat, vec, mat, vec, mat, vec, mat, vec,
        ],
        out_specs=pl.BlockSpec((TE, D), lambda i: (i, 0)),
        out_shape=jax.ShapeDtypeStruct((E, D), jnp.float32),
    )(x, agg_lo, agg_hi, W_ji, b_ji.reshape(1, D),
      Rb1_W1, Rb1_b1.reshape(1, D), Rb1_W2, Rb1_b2.reshape(1, D),
      Dk_W, Dk_b.reshape(1, D),
      Rb2_W1, Rb2_b1.reshape(1, D), Rb2_W2, Rb2_b2.reshape(1, D),
      Rb3_W1, Rb3_b1.reshape(1, D), Rb3_W2, Rb3_b2.reshape(1, D))



NWORK = 32
ROWS_W = T // NWORK
GW = 80
NWIN = ROWS_W // GW


def _sc_gather(xk, idx1d):
    mesh = plsc.VectorSubcoreMesh(core_axis_name="c", subcore_axis_name="s")

    @functools.partial(
        pl.kernel, mesh=mesh,
        out_type=jax.ShapeDtypeStruct((T, D), jnp.float32),
        scratch_types=[
            pltpu.VMEM((GW,), jnp.int32),
            pltpu.VMEM((GW, D), jnp.float32),
            pltpu.SemaphoreType.DMA,
        ],
    )
    def k(xk_hbm, idx_hbm, out_hbm, idxw, buf, sem):
        wid = lax.axis_index("s") * 2 + lax.axis_index("c")
        base = wid * ROWS_W

        def body(w, _):
            off = base + w * GW
            pltpu.sync_copy(idx_hbm.at[pl.ds(off, GW)], idxw)
            pltpu.async_copy(xk_hbm.at[idxw], buf, sem).wait()
            pltpu.sync_copy(buf, out_hbm.at[pl.ds(off, GW)])
            return 0

        lax.fori_loop(0, NWIN, body, 0)

    return k(xk, idx1d)



CHUNK = 16000
NCHUNK = E // CHUNK
COL = D // 2
JROWS = 128
TPW = T // 16
SW = 80
NSWIN = TPW // SW
ZR = 40
RPT = CHUNK // 16


def _sc_scatter(bil_lo, bil_hi, idx):
    mesh = plsc.VectorSubcoreMesh(core_axis_name="c", subcore_axis_name="s")

    @functools.partial(
        pl.kernel, mesh=mesh,
        out_type=[jax.ShapeDtypeStruct((E, COL), jnp.float32),
                  jax.ShapeDtypeStruct((E, COL), jnp.float32)],
        scratch_types=[
            pltpu.VMEM((TPW,), jnp.int32),
            pltpu.VMEM((SW,), jnp.int32),
            pltpu.VMEM((SW, COL), jnp.float32),
            pltpu.VMEM((ZR, COL), jnp.float32),
            pltpu.VMEM((ZR, COL), jnp.float32),
            pltpu.VMEM_SHARED((CHUNK + JROWS, COL), jnp.float32),
            pltpu.SemaphoreType.DMA,
        ],
    )
    def k(lo_hbm, hi_hbm, idx_hbm, alo_hbm, ahi_hbm,
          idx_v, dwin, bilwin, zeros, bounce, acc, sem):
        cid = lax.axis_index("c")
        sid = lax.axis_index("s")
        tbase = sid * TPW
        lane = jax.lax.iota(jnp.int32, 16)

        zvec = jnp.zeros((16,), jnp.float32)

        def zrow(r, _):
            def zcol(q, _):
                zeros[r, pl.ds(q * 16, 16)] = zvec
                return 0
            lax.fori_loop(0, COL // 16, zcol, 0)
            return 0

        lax.fori_loop(0, ZR, zrow, 0)

        def dinit(q, _):
            dwin[pl.ds(q * 16, 16)] = CHUNK + lane
            return 0

        lax.fori_loop(0, SW // 16, dinit, 0)

        pltpu.sync_copy(idx_hbm.at[pl.ds(tbase, TPW)], idx_v)

        row_lo = sid * RPT

        def chunk_body(i, _):
            chunk_lo = i * CHUNK

            def zcp(z, _):
                pltpu.sync_copy(zeros, acc.at[pl.ds(row_lo + z * ZR, ZR)])
                return 0
            lax.fori_loop(0, RPT // ZR, zcp, 0)
            pass

            def win(w, _):
                off = w * SW
                def fill(q, _):
                    v = idx_v[pl.ds(off + q * 16, 16)]
                    local = v - chunk_lo
                    inb = (local >= 0) & (local < CHUNK)
                    junk = CHUNK + ((q * 16 + w) & (JROWS - 1)) + lane
                    junk = junk - jnp.where(junk >= CHUNK + JROWS, JROWS, 0)
                    dv = jnp.where(inb, local, junk)
                    dwin[pl.ds(q * 16, 16)] = dv
                    return 0

                lax.fori_loop(0, SW // 16, fill, 0)

                @pl.when(cid == 0)
                def _():
                    pltpu.sync_copy(lo_hbm.at[pl.ds(tbase + off, SW)], bilwin)

                @pl.when(cid == 1)
                def _():
                    pltpu.sync_copy(hi_hbm.at[pl.ds(tbase + off, SW)], bilwin)

                pltpu.sync_copy(bilwin, acc.at[dwin], add=True)
                return 0

            lax.fori_loop(0, NSWIN, win, 0)
            pass

            def cout(z, _):
                pltpu.sync_copy(acc.at[pl.ds(row_lo + z * ZR, ZR)], bounce)

                @pl.when(cid == 0)
                def _():
                    pltpu.sync_copy(
                        bounce,
                        alo_hbm.at[pl.ds(chunk_lo + row_lo + z * ZR, ZR)])

                @pl.when(cid == 1)
                def _():
                    pltpu.sync_copy(
                        bounce,
                        ahi_hbm.at[pl.ds(chunk_lo + row_lo + z * ZR, ZR)])

                return 0

            lax.fori_loop(0, RPT // ZR, cout, 0)
            pass
            return 0

        lax.fori_loop(0, NCHUNK, chunk_body, 0)

    return k(bil_lo, bil_hi, idx)



def kernel(x, rbf, sbf, edge_idx_kj, edge_idx_ji, W_rbf, W_sbf, W_kj, b_kj,
           W_ji, b_ji, Wb, Rb1_W1, Rb1_b1, Rb1_W2, Rb1_b2, Dk_W, Dk_b,
           Rb2_W1, Rb2_b1, Rb2_W2, Rb2_b2, Rb3_W1, Rb3_b1, Rb3_W2, Rb3_b2):
    xk = _kernel_a(x, rbf, W_kj, b_kj, W_rbf)
    g = _sc_gather(xk, edge_idx_kj)
    Wb_r = jnp.transpose(Wb, (1, 2, 0))
    bil_lo, bil_hi = _kernel_c(g, sbf, W_sbf, Wb_r)
    agg_lo = jax.ops.segment_sum(bil_lo, edge_idx_ji, num_segments=E)
    agg_hi = jax.ops.segment_sum(bil_hi, edge_idx_ji, num_segments=E)
    return _kernel_d(x, agg_lo, agg_hi, W_ji, b_ji, Rb1_W1, Rb1_b1, Rb1_W2, Rb1_b2,
                     Dk_W, Dk_b, Rb2_W1, Rb2_b1, Rb2_W2, Rb2_b2,
                     Rb3_W1, Rb3_b1, Rb3_W2, Rb3_b2)

# --- scband reference (transcript-rebuilt; emitter-appended) ---
"""Pipeline reference for scband-dim-net-interaction-49941879718143 (READ-ONLY COPY).

The authoritative reference and input builder live on the scoring server;
editing this copy changes nothing except your own understanding.
"""

import jax, jax.numpy as jnp
import numpy as np

E = 160000
T = 320000
D = 128
NR = 6
NS = 7
NB = 8


def swish(x):
    return x * jax.nn.sigmoid(x)


def _residual(h, W1, b1, W2, b2):
    # PyG-style DimeNet ResidualLayer: x + act(lin2(act(lin1(x))))
    return h + swish(swish(h @ W1 + b1) @ W2 + b2)


def setup_inputs(seed: int = 0) -> dict:
    key = jax.random.key(seed)
    ks = jax.random.split(key, 32)

    def w(k, shape):
        return (jax.random.normal(k, shape, dtype=jnp.float32) / np.sqrt(shape[0])).astype(jnp.float32)

    inp = {}
    inp["x"] = jax.random.normal(ks[0], (E, D), dtype=jnp.float32)
    inp["rbf"] = jax.random.normal(ks[1], (E, NR), dtype=jnp.float32)
    inp["sbf"] = jax.random.normal(ks[2], (T, NS * NR), dtype=jnp.float32)
    inp["edge_idx_kj"] = jax.random.randint(ks[3], (T,), 0, E, dtype=jnp.int32)
    inp["edge_idx_ji"] = jax.random.randint(ks[4], (T,), 0, E, dtype=jnp.int32)
    # learned parameters (weights stored as (in, out); y = x @ W + b)
    inp["W_rbf"] = w(ks[5], (NR, D))
    inp["W_sbf"] = w(ks[6], (NS * NR, NB))
    inp["W_kj"] = w(ks[7], (D, D))
    inp["b_kj"] = jnp.zeros((D,), jnp.float32)
    inp["W_ji"] = w(ks[8], (D, D))
    inp["b_ji"] = jnp.zeros((D,), jnp.float32)
    # nn.Bilinear weight (out, in1, in2) with std 2/out per reset_parameters
    inp["Wb"] = (jax.random.normal(ks[9], (D, NB, D), dtype=jnp.float32) * (2.0 / D)).astype(jnp.float32)
    # res_before_skip: ResidualBlock (lin1, lin2) + Dense + act
    inp["Rb1_W1"] = w(ks[10], (D, D)); inp["Rb1_b1"] = jnp.zeros((D,), jnp.float32)
    inp["Rb1_W2"] = w(ks[11], (D, D)); inp["Rb1_b2"] = jnp.zeros((D,), jnp.float32)
    inp["Dk_W"] = w(ks[12], (D, D)); inp["Dk_b"] = jnp.zeros((D,), jnp.float32)
    # res_after_skip: two ResidualBlocks
    inp["Rb2_W1"] = w(ks[13], (D, D)); inp["Rb2_b1"] = jnp.zeros((D,), jnp.float32)
    inp["Rb2_W2"] = w(ks[14], (D, D)); inp["Rb2_b2"] = jnp.zeros((D,), jnp.float32)
    inp["Rb3_W1"] = w(ks[15], (D, D)); inp["Rb3_b1"] = jnp.zeros((D,), jnp.float32)
    inp["Rb3_W2"] = w(ks[16], (D, D)); inp["Rb3_b2"] = jnp.zeros((D,), jnp.float32)
    return inp


def reference(x, rbf, sbf, edge_idx_kj, edge_idx_ji, W_rbf, W_sbf, W_kj, b_kj, W_ji, b_ji, Wb,
              Rb1_W1, Rb1_b1, Rb1_W2, Rb1_b2, Dk_W, Dk_b,
              Rb2_W1, Rb2_b1, Rb2_W2, Rb2_b2, Rb3_W1, Rb3_b1, Rb3_W2, Rb3_b2):
    rbf_e = rbf @ W_rbf                       # (E, D)
    sbf_t = sbf @ W_sbf                       # (T, NB)
    x_ji = swish(x @ W_ji + b_ji)             # (E, D)
    x_kj = swish(x @ W_kj + b_kj)             # (E, D)
    x_kj = x_kj * rbf_e                       # (E, D)
    gathered = jnp.take(x_kj, edge_idx_kj, axis=0)   # (T, D) gather
    # nn.Bilinear(sbf_t, gathered): out[t,o] = sum_{b,d} sbf_t[t,b] Wb[o,b,d] gathered[t,d]
    tmp = jnp.einsum('td,obd->tob', gathered, Wb)    # (T, D, NB) bounded intermediate
    bil = jnp.einsum('tob,tb->to', tmp, sbf_t)       # (T, D)
    agg = jax.ops.segment_sum(bil, edge_idx_ji, num_segments=x.shape[0])  # scatter-add (E, D)
    h = x_ji + agg
    h = _residual(h, Rb1_W1, Rb1_b1, Rb1_W2, Rb1_b2)
    h = swish(h @ Dk_W + Dk_b)
    h = h + x                                  # skip connection
    h = _residual(h, Rb2_W1, Rb2_b1, Rb2_W2, Rb2_b2)
    h = _residual(h, Rb3_W1, Rb3_b1, Rb3_W2, Rb3_b2)
    return h

if __name__ == "__main__":
    import jax
    _d = setup_inputs()
    print(jax.jit(kernel)(*tuple(_d.values())))

</pallas_src>

<mosaic_0001>
#map = affine_map<(d0, d1) -> (0, 0)>
#map1 = affine_map<(d0, d1) -> (0)>
module attributes {stable_mosaic.version = 14 : i64} {
  func.func @k(%arg0: i32, %arg1: i32, %arg2: memref<160000x128xf32, #tpu.memory_space<hbm>>, %arg3: memref<320000xi32, #tpu.memory_space<hbm>>, %arg4: memref<320000x128xf32, #tpu.memory_space<hbm>>, %arg5: memref<80xi32, #tpu.memory_space<vmem>>, %arg6: memref<80x128xf32, #tpu.memory_space<vmem>>, %arg7: memref<!tpu.dma_semaphore, #tpu.memory_space<semaphore_mem>>) attributes {dimension_semantics = [#tpu.dimension_semantics<core_parallel>, #tpu.dimension_semantics<subcore_parallel>], iteration_bounds = array<i64: 2, 16>, scalar_prefetch = 0 : i64, scratch_operands = 3 : i64, tpu.core_type = #tpu.core_type<sc_vector_subcore>, window_params = [{transform_indices = #map}, {transform_indices = #map1}, {transform_indices = #map}]} {
    %mul3A = arith.constant 2 : i32
    %mul3A_0 = arith.muli %arg1, %mul3A : i32
    %add3A = arith.addi %mul3A_0, %arg0 : i32
    %mul3A_1 = arith.constant 10000 : i32
    %mul3A_2 = arith.muli %add3A, %mul3A_1 : i32
    %scan3A = arith.constant 0 : i32
    %scan3A_3 = arith.constant 0 : i32
    %scan3A_4 = arith.constant 125 : i32
    %scan3A_5 = arith.addi %scan3A_3, %scan3A_4 : i32
    %scan3A_6 = arith.constant 1 : i32
    %scan3A_7 = scf.for %scan3A_9 = %scan3A_3 to %scan3A_5 step %scan3A_6 iter_args(%scan3A_10 = %scan3A) -> (i32)  : i32 {
      %mul3A_11 = arith.constant 80 : i32
      %mul3A_12 = arith.muli %scan3A_9, %mul3A_11 : i32
      %add3A_13 = arith.addi %mul3A_2, %mul3A_12 : i32
      "tpu.region"() ({
        %run_scoped3A = tpu.sem_alloc : memref<!tpu.dma_semaphore, #tpu.memory_space<semaphore_mem>>
        %dma_start3A_19 = tpu.memref_slice %arg3[%add3A_13] : memref<320000xi32, #tpu.memory_space<hbm>> -> memref<80xi32, #tpu.memory_space<hbm>>
        %dma_start3A_20 = tpu.memref_slice %arg3[%add3A_13] : memref<320000xi32, #tpu.memory_space<hbm>> -> memref<80xi32, #tpu.memory_space<hbm>>
        tpu.enqueue_dma source(%dma_start3A_20 : memref<80xi32, #tpu.memory_space<hbm>>) target(%arg5 : memref<80xi32, #tpu.memory_space<vmem>>) target_semaphore(%run_scoped3A : memref<!tpu.dma_semaphore, #tpu.memory_space<semaphore_mem>>)
        %dma_wait3A_21 = tpu.memref_slice %arg3[%add3A_13] : memref<320000xi32, #tpu.memory_space<hbm>> -> memref<80xi32, #tpu.memory_space<hbm>>
        %dma_wait3A_22 = tpu.memref_slice %arg3[%add3A_13] : memref<320000xi32, #tpu.memory_space<hbm>> -> memref<80xi32, #tpu.memory_space<hbm>>
        tpu.wait_dma2 semaphore(%run_scoped3A : memref<!tpu.dma_semaphore, #tpu.memory_space<semaphore_mem>>) src(%dma_wait3A_22 : memref<80xi32, #tpu.memory_space<hbm>>) dst(%arg5 : memref<80xi32, #tpu.memory_space<vmem>>)
        tpu.yield
      }) : () -> ()
      %dma_start3A = arith.constant 0 : i32
      %dma_start3A_14 = arith.constant 0 : i32
      %dma_start3A_15 = tpu.memref_slice %arg2[%dma_start3A, %dma_start3A_14] : memref<160000x128xf32, #tpu.memory_space<hbm>> -> memref<160000x128xf32, #tpu.memory_space<hbm>>
      tpu.enqueue_indirect_dma source(%dma_start3A_15 : memref<160000x128xf32, #tpu.memory_space<hbm>>) target(%arg6 : memref<80x128xf32, #tpu.memory_space<vmem>>) offsets(%arg5 : memref<80xi32, #tpu.memory_space<vmem>>) semaphore(%arg7 : memref<!tpu.dma_semaphore, #tpu.memory_space<semaphore_mem>>)
      %dma_wait3A = arith.constant 0 : i32
      %dma_wait3A_16 = arith.constant 0 : i32
      %dma_wait3A_17 = tpu.memref_slice %arg2[%dma_wait3A, %dma_wait3A_16] : memref<160000x128xf32, #tpu.memory_space<hbm>> -> memref<160000x128xf32, #tpu.memory_space<hbm>>
      tpu.wait_indirect_dma semaphore(%arg7 : memref<!tpu.dma_semaphore, #tpu.memory_space<semaphore_mem>>) src(%dma_wait3A_17 : memref<160000x128xf32, #tpu.memory_space<hbm>>) dst(%arg6 : memref<80x128xf32, #tpu.memory_space<vmem>>)
      "tpu.region"() ({
        %run_scoped3A = tpu.sem_alloc : memref<!tpu.dma_semaphore, #tpu.memory_space<semaphore_mem>>
        %dma_start3A_19 = arith.constant 0 : i32
        %dma_start3A_20 = tpu.memref_slice %arg4[%add3A_13, %dma_start3A_19] : memref<320000x128xf32, #tpu.memory_space<hbm>> -> memref<80x128xf32, #tpu.memory_space<hbm>>
        %dma_start3A_21 = arith.constant 0 : i32
        %dma_start3A_22 = tpu.memref_slice %arg4[%add3A_13, %dma_start3A_21] : memref<320000x128xf32, #tpu.memory_space<hbm>> -> memref<80x128xf32, #tpu.memory_space<hbm>>
        tpu.enqueue_dma source(%arg6 : memref<80x128xf32, #tpu.memory_space<vmem>>) target(%dma_start3A_22 : memref<80x128xf32, #tpu.memory_space<hbm>>) target_semaphore(%run_scoped3A : memref<!tpu.dma_semaphore, #tpu.memory_space<semaphore_mem>>)
        %dma_wait3A_23 = arith.constant 0 : i32
        %dma_wait3A_24 = tpu.memref_slice %arg4[%add3A_13, %dma_wait3A_23] : memref<320000x128xf32, #tpu.memory_space<hbm>> -> memref<80x128xf32, #tpu.memory_space<hbm>>
        %dma_wait3A_25 = arith.constant 0 : i32
        %dma_wait3A_26 = tpu.memref_slice %arg4[%add3A_13, %dma_wait3A_25] : memref<320000x128xf32, #tpu.memory_space<hbm>> -> memref<80x128xf32, #tpu.memory_space<hbm>>
        tpu.wait_dma2 semaphore(%run_scoped3A : memref<!tpu.dma_semaphore, #tpu.memory_space<semaphore_mem>>) src(%arg6 : memref<80x128xf32, #tpu.memory_space<vmem>>) dst(%dma_wait3A_26 : memref<80x128xf32, #tpu.memory_space<hbm>>)
        tpu.yield
      }) : () -> ()
      %scan3A_18 = arith.constant 0 : i32
      scf.yield %scan3A_18 : i32
    }
    %scan3A_8 = arith.constant 125 : i32
    return
  }
}

module attributes {stable_mosaic.version = 14 : i64} {
  func.func @_ka_body(%arg0: i32, %arg1: memref<2000x128xf32, #tpu.memory_space<vmem>>, %arg2: memref<2000x6xf32, #tpu.memory_space<vmem>>, %arg3: memref<128x128xf32, #tpu.memory_space<vmem>>, %arg4: memref<1x128xf32, #tpu.memory_space<vmem>>, %arg5: memref<6x128xf32, #tpu.memory_space<vmem>>, %arg6: memref<2000x128xf32, #tpu.memory_space<vmem>>) attributes {dimension_semantics = [#tpu.dimension_semantics<arbitrary>], iteration_bounds = array<i64: 80>, scalar_prefetch = 0 : i64, scratch_operands = 0 : i64, tpu.core_type = #tpu.core_type<tc>, window_params = [{transform_indices = @transform_0, window_bounds = array<i64: 2000, 128>}, {transform_indices = @transform_1, window_bounds = array<i64: 2000, 6>}, {pipeline_mode = #tpu.pipeline_mode<synchronous>, transform_indices = @transform_2, window_bounds = array<i64: 128, 128>}, {pipeline_mode = #tpu.pipeline_mode<synchronous>, transform_indices = @transform_3, window_bounds = array<i64: 1, 128>}, {pipeline_mode = #tpu.pipeline_mode<synchronous>, transform_indices = @transform_4, window_bounds = array<i64: 6, 128>}, {transform_indices = @transform_5, window_bounds = array<i64: 2000, 128>}]} {
    %get3A = arith.constant 0 : index
    %get3A_0 = arith.constant 0 : index
    %get3A_1 = vector.load %arg1[%get3A, %get3A_0] : memref<2000x128xf32, #tpu.memory_space<vmem>>, vector<2000x128xf32>
    %get3A_2 = arith.constant 0 : index
    %get3A_3 = arith.constant 0 : index
    %get3A_4 = vector.load %arg3[%get3A_2, %get3A_3] : memref<128x128xf32, #tpu.memory_space<vmem>>, vector<128x128xf32>
    %dot_general3A = arith.constant dense<0.000000e+00> : vector<2000x128xf32>
    %dot_general3A_5 = tpu.matmul %get3A_1, %get3A_4, %dot_general3A {dimension_numbers = #tpu.dot_dimension_numbers<[1], [0], [0], [1], [0, 0, 1, 1], [], []>, transpose_lhs_hint = false} : vector<2000x128xf32>, vector<128x128xf32>, vector<2000x128xf32> -> vector<2000x128xf32>
    %get3A_6 = arith.constant 0 : index
    %get3A_7 = arith.constant 0 : index
    %get3A_8 = vector.load %arg4[%get3A_6, %get3A_7] : memref<1x128xf32, #tpu.memory_space<vmem>>, vector<1x128xf32>
    %add3A = vector.broadcast %get3A_8 : vector<1x128xf32> to vector<2000x128xf32>
    %add3A_9 = arith.addf %dot_general3A_5, %add3A : vector<2000x128xf32>
    %logistic3A = arith.negf %add3A_9 : vector<2000x128xf32>
    %logistic3A_10 = math.exp %logistic3A : vector<2000x128xf32>
    %logistic3A_11 = arith.constant 1.000000e+00 : f32
    %logistic3A_12 = vector.broadcast %logistic3A_11 : f32 to vector<2000x128xf32>
    %logistic3A_13 = arith.addf %logistic3A_12, %logistic3A_10 : vector<2000x128xf32>
    %logistic3A_14 = arith.divf %logistic3A_12, %logistic3A_13 : vector<2000x128xf32>
    %mul3A = arith.mulf %add3A_9, %logistic3A_14 : vector<2000x128xf32>
    %get3A_15 = arith.constant 0 : index
    %get3A_16 = arith.constant 0 : index
    %get3A_17 = vector.load %arg2[%get3A_15, %get3A_16] : memref<2000x6xf32, #tpu.memory_space<vmem>>, vector<2000x6xf32>
    %get3A_18 = arith.constant 0 : index
    %get3A_19 = arith.constant 0 : index
    %get3A_20 = vector.load %arg5[%get3A_18, %get3A_19] : memref<6x128xf32, #tpu.memory_space<vmem>>, vector<6x128xf32>
    %dot_general3A_21 = arith.constant dense<0.000000e+00> : vector<2000x128xf32>
    %dot_general3A_22 = tpu.matmul %get3A_17, %get3A_20, %dot_general3A_21 {dimension_numbers = #tpu.dot_dimension_numbers<[1], [0], [0], [1], [0, 0, 1, 1], [], []>, transpose_lhs_hint = false} : vector<2000x6xf32>, vector<6x128xf32>, vector<2000x128xf32> -> vector<2000x128xf32>
    %mul3A_23 = arith.mulf %mul3A, %dot_general3A_22 : vector<2000x128xf32>
    %swap3A = arith.constant 0 : index
    %swap3A_24 = arith.constant 0 : index
    %swap3A_25 = vector.load %arg6[%swap3A, %swap3A_24] : memref<2000x128xf32, #tpu.memory_space<vmem>>, vector<2000x128xf32>
    tpu.vector_store %arg6[%swap3A, %swap3A_24], %mul3A_23 {strides = array<i32>} : memref<2000x128xf32, #tpu.memory_space<vmem>>, vector<2000x128xf32>,
    return
  }
  func.func @transform_0(%arg0: i32) -> (i32, i32) {
    %c0_i32 = arith.constant 0 : i32
    %c0_i32_0 = arith.constant 0 : i32
    return %arg0, %c0_i32 : i32, i32
  }
  func.func @transform_1(%arg0: i32) -> (i32, i32) {
    %c0_i32 = arith.constant 0 : i32
    %c0_i32_0 = arith.constant 0 : i32
    return %arg0, %c0_i32 : i32, i32
  }
  func.func @transform_2(%arg0: i32) -> (i32, i32) {
    %c0_i32 = arith.constant 0 : i32
    %c0_i32_0 = arith.constant 0 : i32
    %c0_i32_1 = arith.constant 0 : i32
    return %c0_i32, %c0_i32_0 : i32, i32
  }
  func.func @transform_3(%arg0: i32) -> (i32, i32) {
    %c0_i32 = arith.constant 0 : i32
    %c0_i32_0 = arith.constant 0 : i32
    %c0_i32_1 = arith.constant 0 : i32
    return %c0_i32, %c0_i32_0 : i32, i32
  }
  func.func @transform_4(%arg0: i32) -> (i32, i32) {
    %c0_i32 = arith.constant 0 : i32
    %c0_i32_0 = arith.constant 0 : i32
    %c0_i32_1 = arith.constant 0 : i32
    return %c0_i32, %c0_i32_0 : i32, i32
  }
  func.func @transform_5(%arg0: i32) -> (i32, i32) {
    %c0_i32 = arith.constant 0 : i32
    %c0_i32_0 = arith.constant 0 : i32
    return %arg0, %c0_i32 : i32, i32
  }
}

module attributes {stable_mosaic.version = 14 : i64} {
  func.func @_kc_body(%arg0: i32, %arg1: memref<2000x128xf32, #tpu.memory_space<vmem>>, %arg2: memref<2000x42xf32, #tpu.memory_space<vmem>>, %arg3: memref<42x8xf32, #tpu.memory_space<vmem>>, %arg4: memref<8x128x128xf32, #tpu.memory_space<vmem>>, %arg5: memref<2000x64xf32, #tpu.memory_space<vmem>>, %arg6: memref<2000x64xf32, #tpu.memory_space<vmem>>) attributes {dimension_semantics = [#tpu.dimension_semantics<arbitrary>], iteration_bounds = array<i64: 160>, scalar_prefetch = 0 : i64, scratch_operands = 0 : i64, tpu.core_type = #tpu.core_type<tc>, window_params = [{transform_indices = @transform_0, window_bounds = array<i64: 2000, 128>}, {transform_indices = @transform_1, window_bounds = array<i64: 2000, 42>}, {pipeline_mode = #tpu.pipeline_mode<synchronous>, transform_indices = @transform_2, window_bounds = array<i64: 42, 8>}, {pipeline_mode = #tpu.pipeline_mode<synchronous>, transform_indices = @transform_3, window_bounds = array<i64: 8, 128, 128>}, {transform_indices = @transform_4, window_bounds = array<i64: 2000, 64>}, {transform_indices = @transform_5, window_bounds = array<i64: 2000, 64>}]} {
    %get3A = arith.constant 0 : index
    %get3A_0 = arith.constant 0 : index
    %get3A_1 = vector.load %arg2[%get3A, %get3A_0] : memref<2000x42xf32, #tpu.memory_space<vmem>>, vector<2000x42xf32>
    %get3A_2 = arith.constant 0 : index
    %get3A_3 = arith.constant 0 : index
    %get3A_4 = vector.load %arg3[%get3A_2, %get3A_3] : memref<42x8xf32, #tpu.memory_space<vmem>>, vector<42x8xf32>
    %dot_general3A = arith.constant dense<0.000000e+00> : vector<2000x8xf32>
    %dot_general3A_5 = tpu.matmul %get3A_1, %get3A_4, %dot_general3A {dimension_numbers = #tpu.dot_dimension_numbers<[1], [0], [0], [1], [0, 0, 1, 1], [], []>, transpose_lhs_hint = false} : vector<2000x42xf32>, vector<42x8xf32>, vector<2000x8xf32> -> vector<2000x8xf32>
    %get3A_6 = arith.constant 0 : index
    %get3A_7 = arith.constant 0 : index
    %get3A_8 = vector.load %arg1[%get3A_6, %get3A_7] : memref<2000x128xf32, #tpu.memory_space<vmem>>, vector<2000x128xf32>
    %broadcast_in_dim3A = arith.constant 0.000000e+00 : f32
    %broadcast_in_dim3A_9 = vector.broadcast %broadcast_in_dim3A : f32 to vector<2000x128xf32>
    %slice3A = vector.extract_strided_slice %dot_general3A_5 {offsets = [0, 0], sizes = [2000, 1], strides = [1, 1]} : vector<2000x8xf32> to vector<2000x1xf32>
    %get3A_10 = arith.constant 0 : index
    %get3A_11 = arith.constant 0 : index
    %get3A_12 = arith.constant 0 : index
    %get3A_13 = vector.load %arg4[%get3A_10, %get3A_11, %get3A_12] : memref<8x128x128xf32, #tpu.memory_space<vmem>>, vector<1x128x128xf32>
    %get3A_14 = vector.shape_cast %get3A_13 : vector<1x128x128xf32> to vector<128x128xf32>
    %dot_general3A_15 = arith.constant dense<0.000000e+00> : vector<2000x128xf32>
    %dot_general3A_16 = tpu.matmul %get3A_8, %get3A_14, %dot_general3A_15 {dimension_numbers = #tpu.dot_dimension_numbers<[1], [0], [0], [1], [0, 0, 1, 1], [], []>, transpose_lhs_hint = false} : vector<2000x128xf32>, vector<128x128xf32>, vector<2000x128xf32> -> vector<2000x128xf32>
    %mul3A = vector.broadcast %slice3A : vector<2000x1xf32> to vector<2000x128xf32>
    %mul3A_17 = arith.mulf %mul3A, %dot_general3A_16 : vector<2000x128xf32>
    %add3A = arith.addf %broadcast_in_dim3A_9, %mul3A_17 : vector<2000x128xf32>
    %slice3A_18 = vector.extract_strided_slice %dot_general3A_5 {offsets = [0, 1], sizes = [2000, 1], strides = [1, 1]} : vector<2000x8xf32> to vector<2000x1xf32>
    %get3A_19 = arith.constant 1 : index
    %get3A_20 = arith.constant 0 : index
    %get3A_21 = arith.constant 0 : index
    %get3A_22 = vector.load %arg4[%get3A_19, %get3A_20, %get3A_21] : memref<8x128x128xf32, #tpu.memory_space<vmem>>, vector<1x128x128xf32>
    %get3A_23 = vector.shape_cast %get3A_22 : vector<1x128x128xf32> to vector<128x128xf32>
    %dot_general3A_24 = arith.constant dense<0.000000e+00> : vector<2000x128xf32>
    %dot_general3A_25 = tpu.matmul %get3A_8, %get3A_23, %dot_general3A_24 {dimension_numbers = #tpu.dot_dimension_numbers<[1], [0], [0], [1], [0, 0, 1, 1], [], []>, transpose_lhs_hint = false} : vector<2000x128xf32>, vector<128x128xf32>, vector<2000x128xf32> -> vector<2000x128xf32>
    %mul3A_26 = vector.broadcast %slice3A_18 : vector<2000x1xf32> to vector<2000x128xf32>
    %mul3A_27 = arith.mulf %mul3A_26, %dot_general3A_25 : vector<2000x128xf32>
    %add3A_28 = arith.addf %add3A, %mul3A_27 : vector<2000x128xf32>
    %slice3A_29 = vector.extract_strided_slice %dot_general3A_5 {offsets = [0, 2], sizes = [2000, 1], strides = [1, 1]} : vector<2000x8xf32> to vector<2000x1xf32>
    %get3A_30 = arith.constant 2 : index
    %get3A_31 = arith.constant 0 : index
    %get3A_32 = arith.constant 0 : index
    %get3A_33 = vector.load %arg4[%get3A_30, %get3A_31, %get3A_32] : memref<8x128x128xf32, #tpu.memory_space<vmem>>, vector<1x128x128xf32>
    %get3A_34 = vector.shape_cast %get3A_33 : vector<1x128x128xf32> to vector<128x128xf32>
    %dot_general3A_35 = arith.constant dense<0.000000e+00> : vector<2000x128xf32>
    %dot_general3A_36 = tpu.matmul %get3A_8, %get3A_34, %dot_general3A_35 {dimension_numbers = #tpu.dot_dimension_numbers<[1], [0], [0], [1], [0, 0, 1, 1], [], []>, transpose_lhs_hint = false} : vector<2000x128xf32>, vector<128x128xf32>, vector<2000x128xf32> -> vector<2000x128xf32>
    %mul3A_37 = vector.broadcast %slice3A_29 : vector<2000x1xf32> to vector<2000x128xf32>
    %mul3A_38 = arith.mulf %mul3A_37, %dot_general3A_36 : vector<2000x128xf32>
    %add3A_39 = arith.addf %add3A_28, %mul3A_38 : vector<2000x128xf32>
    %slice3A_40 = vector.extract_strided_slice %dot_general3A_5 {offsets = [0, 3], sizes = [2000, 1], strides = [1, 1]} : vector<2000x8xf32> to vector<2000x1xf32>
    %get3A_41 = arith.constant 3 : index
    %get3A_42 = arith.constant 0 : index
    %get3A_43 = arith.constant 0 : index
    %get3A_44 = vector.load %arg4[%get3A_41, %get3A_42, %get3A_43] : memref<8x128x128xf32, #tpu.memory_space<vmem>>, vector<1x128x128xf32>
    %get3A_45 = vector.shape_cast %get3A_44 : vector<1x128x128xf32> to vector<128x128xf32>
    %dot_general3A_46 = arith.constant dense<0.000000e+00> : vector<2000x128xf32>
    %dot_general3A_47 = tpu.matmul %get3A_8, %get3A_45, %dot_general3A_46 {dimension_numbers = #tpu.dot_dimension_numbers<[1], [0], [0], [1], [0, 0, 1, 1], [], []>, transpose_lhs_hint = false} : vector<2000x128xf32>, vector<128x128xf32>, vector<2000x128xf32> -> vector<2000x128xf32>
    %mul3A_48 = vector.broadcast %slice3A_40 : vector<2000x1xf32> to vector<2000x128xf32>
    %mul3A_49 = arith.mulf %mul3A_48, %dot_general3A_47 : vector<2000x128xf32>
    %add3A_50 = arith.addf %add3A_39, %mul3A_49 : vector<2000x128xf32>
    %slice3A_51 = vector.extract_strided_slice %dot_general3A_5 {offsets = [0, 4], sizes = [2000, 1], strides = [1, 1]} : vector<2000x8xf32> to vector<2000x1xf32>
    %get3A_52 = arith.constant 4 : index
    %get3A_53 = arith.constant 0 : index
    %get3A_54 = arith.constant 0 : index
    %get3A_55 = vector.load %arg4[%get3A_52, %get3A_53, %get3A_54] : memref<8x128x128xf32, #tpu.memory_space<vmem>>, vector<1x128x128xf32>
    %get3A_56 = vector.shape_cast %get3A_55 : vector<1x128x128xf32> to vector<128x128xf32>
    %dot_general3A_57 = arith.constant dense<0.000000e+00> : vector<2000x128xf32>
    %dot_general3A_58 = tpu.matmul %get3A_8, %get3A_56, %dot_general3A_57 {dimension_numbers = #tpu.dot_dimension_numbers<[1], [0], [0], [1], [0, 0, 1, 1], [], []>, transpose_lhs_hint = false} : vector<2000x128xf32>, vector<128x128xf32>, vector<2000x128xf32> -> vector<2000x128xf32>
    %mul3A_59 = vector.broadcast %slice3A_51 : vector<2000x1xf32> to vector<2000x128xf32>
    %mul3A_60 = arith.mulf %mul3A_59, %dot_general3A_58 : vector<2000x128xf32>
    %add3A_61 = arith.addf %add3A_50, %mul3A_60 : vector<2000x128xf32>
    %slice3A_62 = vector.extract_strided_slice %dot_general3A_5 {offsets = [0, 5], sizes = [2000, 1], strides = [1, 1]} : vector<2000x8xf32> to vector<2000x1xf32>
    %get3A_63 = arith.constant 5 : index
    %get3A_64 = arith.constant 0 : index
    %get3A_65 = arith.constant 0 : index
    %get3A_66 = vector.load %arg4[%get3A_63, %get3A_64, %get3A_65] : memref<8x128x128xf32, #tpu.memory_space<vmem>>, vector<1x128x128xf32>
    %get3A_67 = vector.shape_cast %get3A_66 : vector<1x128x128xf32> to vector<128x128xf32>
    %dot_general3A_68 = arith.constant dense<0.000000e+00> : vector<2000x128xf32>
    %dot_general3A_69 = tpu.matmul %get3A_8, %get3A_67, %dot_general3A_68 {dimension_numbers = #tpu.dot_dimension_numbers<[1], [0], [0], [1], [0, 0, 1, 1], [], []>, transpose_lhs_hint = false} : vector<2000x128xf32>, vector<128x128xf32>, vector<2000x128xf32> -> vector<2000x128xf32>
    %mul3A_70 = vector.broadcast %slice3A_62 : vector<2000x1xf32> to vector<2000x128xf32>
    %mul3A_71 = arith.mulf %mul3A_70, %dot_general3A_69 : vector<2000x128xf32>
    %add3A_72 = arith.addf %add3A_61, %mul3A_71 : vector<2000x128xf32>
    %slice3A_73 = vector.extract_strided_slice %dot_general3A_5 {offsets = [0, 6], sizes = [2000, 1], strides = [1, 1]} : vector<2000x8xf32> to vector<2000x1xf32>
    %get3A_74 = arith.constant 6 : index
    %get3A_75 = arith.constant 0 : index
    %get3A_76 = arith.constant 0 : index
    %get3A_77 = vector.load %arg4[%get3A_74, %get3A_75, %get3A_76] : memref<8x128x128xf32, #tpu.memory_space<vmem>>, vector<1x128x128xf32>
    %get3A_78 = vector.shape_cast %get3A_77 : vector<1x128x128xf32> to vector<128x128xf32>
    %dot_general3A_79 = arith.constant dense<0.000000e+00> : vector<2000x128xf32>
    %dot_general3A_80 = tpu.matmul %get3A_8, %get3A_78, %dot_general3A_79 {dimension_numbers = #tpu.dot_dimension_numbers<[1], [0], [0], [1], [0, 0, 1, 1], [], []>, transpose_lhs_hint = false} : vector<2000x128xf32>, vector<128x128xf32>, vector<2000x128xf32> -> vector<2000x128xf32>
    %mul3A_81 = vector.broadcast %slice3A_73 : vector<2000x1xf32> to vector<2000x128xf32>
    %mul3A_82 = arith.mulf %mul3A_81, %dot_general3A_80 : vector<2000x128xf32>
    %add3A_83 = arith.addf %add3A_72, %mul3A_82 : vector<2000x128xf32>
    %slice3A_84 = vector.extract_strided_slice %dot_general3A_5 {offsets = [0, 7], sizes = [2000, 1], strides = [1, 1]} : vector<2000x8xf32> to vector<2000x1xf32>
    %get3A_85 = arith.constant 7 : index
    %get3A_86 = arith.constant 0 : index
    %get3A_87 = arith.constant 0 : index
    %get3A_88 = vector.load %arg4[%get3A_85, %get3A_86, %get3A_87] : memref<8x128x128xf32, #tpu.memory_space<vmem>>, vector<1x128x128xf32>
    %get3A_89 = vector.shape_cast %get3A_88 : vector<1x128x128xf32> to vector<128x128xf32>
    %dot_general3A_90 = arith.constant dense<0.000000e+00> : vector<2000x128xf32>
    %dot_general3A_91 = tpu.matmul %get3A_8, %get3A_89, %dot_general3A_90 {dimension_numbers = #tpu.dot_dimension_numbers<[1], [0], [0], [1], [0, 0, 1, 1], [], []>, transpose_lhs_hint = false} : vector<2000x128xf32>, vector<128x128xf32>, vector<2000x128xf32> -> vector<2000x128xf32>
    %mul3A_92 = vector.broadcast %slice3A_84 : vector<2000x1xf32> to vector<2000x128xf32>
    %mul3A_93 = arith.mulf %mul3A_92, %dot_general3A_91 : vector<2000x128xf32>
    %add3A_94 = arith.addf %add3A_83, %mul3A_93 : vector<2000x128xf32>
    %slice3A_95 = vector.extract_strided_slice %add3A_94 {offsets = [0, 0], sizes = [2000, 64], strides = [1, 1]} : vector<2000x128xf32> to vector<2000x64xf32>
    %swap3A = arith.constant 0 : index
    %swap3A_96 = arith.constant 0 : index
    %swap3A_97 = vector.load %arg5[%swap3A, %swap3A_96] : memref<2000x64xf32, #tpu.memory_space<vmem>>, vector<2000x64xf32>
    tpu.vector_store %arg5[%swap3A, %swap3A_96], %slice3A_95 {strides = array<i32>} : memref<2000x64xf32, #tpu.memory_space<vmem>>, vector<2000x64xf32>,
    %slice3A_98 = vector.extract_strided_slice %add3A_94 {offsets = [0, 64], sizes = [2000, 64], strides = [1, 1]} : vector<2000x128xf32> to vector<2000x64xf32>
    %swap3A_99 = arith.constant 0 : index
    %swap3A_100 = arith.constant 0 : index
    %swap3A_101 = vector.load %arg6[%swap3A_99, %swap3A_100] : memref<2000x64xf32, #tpu.memory_space<vmem>>, vector<2000x64xf32>
    tpu.vector_store %arg6[%swap3A_99, %swap3A_100], %slice3A_98 {strides = array<i32>} : memref<2000x64xf32, #tpu.memory_space<vmem>>, vector<2000x64xf32>,
    return
  }
  func.func @transform_0(%arg0: i32) -> (i32, i32) {
    %c0_i32 = arith.constant 0 : i32
    %c0_i32_0 = arith.constant 0 : i32
    return %arg0, %c0_i32 : i32, i32
  }
  func.func @transform_1(%arg0: i32) -> (i32, i32) {
    %c0_i32 = arith.constant 0 : i32
    %c0_i32_0 = arith.constant 0 : i32
    return %arg0, %c0_i32 : i32, i32
  }
  func.func @transform_2(%arg0: i32) -> (i32, i32) {
    %c0_i32 = arith.constant 0 : i32
    %c0_i32_0 = arith.constant 0 : i32
    %c0_i32_1 = arith.constant 0 : i32
    return %c0_i32, %c0_i32_0 : i32, i32
  }
  func.func @transform_3(%arg0: i32) -> (i32, i32, i32) {
    %c0_i32 = arith.constant 0 : i32
    %c0_i32_0 = arith.constant 0 : i32
    %c0_i32_1 = arith.constant 0 : i32
    %c0_i32_2 = arith.constant 0 : i32
    return %c0_i32, %c0_i32_0, %c0_i32_1 : i32, i32, i32
  }
  func.func @transform_4(%arg0: i32) -> (i32, i32) {
    %c0_i32 = arith.constant 0 : i32
    %c0_i32_0 = arith.constant 0 : i32
    return %arg0, %c0_i32 : i32, i32
  }
  func.func @transform_5(%arg0: i32) -> (i32, i32) {
    %c0_i32 = arith.constant 0 : i32
    %c0_i32_0 = arith.constant 0 : i32
    return %arg0, %c0_i32 : i32, i32
  }
}

module attributes {stable_mosaic.version = 14 : i64} {
  func.func @_kd_body(%arg0: i32, %arg1: memref<2000x128xf32, #tpu.memory_space<vmem>>, %arg2: memref<2000x64xf32, #tpu.memory_space<vmem>>, %arg3: memref<2000x64xf32, #tpu.memory_space<vmem>>, %arg4: memref<128x128xf32, #tpu.memory_space<vmem>>, %arg5: memref<1x128xf32, #tpu.memory_space<vmem>>, %arg6: memref<128x128xf32, #tpu.memory_space<vmem>>, %arg7: memref<1x128xf32, #tpu.memory_space<vmem>>, %arg8: memref<128x128xf32, #tpu.memory_space<vmem>>, %arg9: memref<1x128xf32, #tpu.memory_space<vmem>>, %arg10: memref<128x128xf32, #tpu.memory_space<vmem>>, %arg11: memref<1x128xf32, #tpu.memory_space<vmem>>, %arg12: memref<128x128xf32, #tpu.memory_space<vmem>>, %arg13: memref<1x128xf32, #tpu.memory_space<vmem>>, %arg14: memref<128x128xf32, #tpu.memory_space<vmem>>, %arg15: memref<1x128xf32, #tpu.memory_space<vmem>>, %arg16: memref<128x128xf32, #tpu.memory_space<vmem>>, %arg17: memref<1x128xf32, #tpu.memory_space<vmem>>, %arg18: memref<128x128xf32, #tpu.memory_space<vmem>>, %arg19: memref<1x128xf32, #tpu.memory_space<vmem>>, %arg20: memref<2000x128xf32, #tpu.memory_space<vmem>>) attributes {dimension_semantics = [#tpu.dimension_semantics<arbitrary>], iteration_bounds = array<i64: 80>, scalar_prefetch = 0 : i64, scratch_operands = 0 : i64, tpu.core_type = #tpu.core_type<tc>, window_params = [{transform_indices = @transform_0, window_bounds = array<i64: 2000, 128>}, {transform_indices = @transform_1, window_bounds = array<i64: 2000, 64>}, {transform_indices = @transform_2, window_bounds = array<i64: 2000, 64>}, {pipeline_mode = #tpu.pipeline_mode<synchronous>, transform_indices = @transform_3, window_bounds = array<i64: 128, 128>}, {pipeline_mode = #tpu.pipeline_mode<synchronous>, transform_indices = @transform_4, window_bounds = array<i64: 1, 128>}, {pipeline_mode = #tpu.pipeline_mode<synchronous>, transform_indices = @transform_5, window_bounds = array<i64: 128, 128>}, {pipeline_mode = #tpu.pipeline_mode<synchronous>, transform_indices = @transform_6, window_bounds = array<i64: 1, 128>}, {pipeline_mode = #tpu.pipeline_mode<synchronous>, transform_indices = @transform_7, window_bounds = array<i64: 128, 128>}, {pipeline_mode = #tpu.pipeline_mode<synchronous>, transform_indices = @transform_8, window_bounds = array<i64: 1, 128>}, {pipeline_mode = #tpu.pipeline_mode<synchronous>, transform_indices = @transform_9, window_bounds = array<i64: 128, 128>}, {pipeline_mode = #tpu.pipeline_mode<synchronous>, transform_indices = @transform_10, window_bounds = array<i64: 1, 128>}, {pipeline_mode = #tpu.pipeline_mode<synchronous>, transform_indices = @transform_11, window_bounds = array<i64: 128, 128>}, {pipeline_mode = #tpu.pipeline_mode<synchronous>, transform_indices = @transform_12, window_bounds = array<i64: 1, 128>}, {pipeline_mode = #tpu.pipeline_mode<synchronous>, transform_indices = @transform_13, window_bounds = array<i64: 128, 128>}, {pipeline_mode = #tpu.pipeline_mode<synchronous>, transform_indices = @transform_14, window_bounds = array<i64: 1, 128>}, {pipeline_mode = #tpu.pipeline_mode<synchronous>, transform_indices = @transform_15, window_bounds = array<i64: 128, 128>}, {pipeline_mode = #tpu.pipeline_mode<synchronous>, transform_indices = @transform_16, window_bounds = array<i64: 1, 128>}, {pipeline_mode = #tpu.pipeline_mode<synchronous>, transform_indices = @transform_17, window_bounds = array<i64: 128, 128>}, {pipeline_mode = #tpu.pipeline_mode<synchronous>, transform_indices = @transform_18, window_bounds = array<i64: 1, 128>}, {transform_indices = @transform_19, window_bounds = array<i64: 2000, 128>}]} {
    %get3A = arith.constant 0 : index
    %get3A_0 = arith.constant 0 : index
    %get3A_1 = vector.load %arg1[%get3A, %get3A_0] : memref<2000x128xf32, #tpu.memory_space<vmem>>, vector<2000x128xf32>
    %get3A_2 = arith.constant 0 : index
    %get3A_3 = arith.constant 0 : index
    %get3A_4 = vector.load %arg2[%get3A_2, %get3A_3] : memref<2000x64xf32, #tpu.memory_space<vmem>>, vector<2000x64xf32>
    %get3A_5 = arith.constant 0 : index
    %get3A_6 = arith.constant 0 : index
    %get3A_7 = vector.load %arg3[%get3A_5, %get3A_6] : memref<2000x64xf32, #tpu.memory_space<vmem>>, vector<2000x64xf32>
    %concatenate3A = tpu.concatenate %get3A_4, %get3A_7 in 1 : vector<2000x64xf32>, vector<2000x64xf32> -> vector<2000x128xf32>
    %get3A_8 = arith.constant 0 : index
    %get3A_9 = arith.constant 0 : index
    %get3A_10 = vector.load %arg4[%get3A_8, %get3A_9] : memref<128x128xf32, #tpu.memory_space<vmem>>, vector<128x128xf32>
    %dot_general3A = arith.constant dense<0.000000e+00> : vector<2000x128xf32>
    %dot_general3A_11 = tpu.matmul %get3A_1, %get3A_10, %dot_general3A {dimension_numbers = #tpu.dot_dimension_numbers<[1], [0], [0], [1], [0, 0, 1, 1], [], []>, transpose_lhs_hint = false} : vector<2000x128xf32>, vector<128x128xf32>, vector<2000x128xf32> -> vector<2000x128xf32>
    %get3A_12 = arith.constant 0 : index
    %get3A_13 = arith.constant 0 : index
    %get3A_14 = vector.load %arg5[%get3A_12, %get3A_13] : memref<1x128xf32, #tpu.memory_space<vmem>>, vector<1x128xf32>
    %add3A = vector.broadcast %get3A_14 : vector<1x128xf32> to vector<2000x128xf32>
    %add3A_15 = arith.addf %dot_general3A_11, %add3A : vector<2000x128xf32>
    %logistic3A = arith.negf %add3A_15 : vector<2000x128xf32>
    %logistic3A_16 = math.exp %logistic3A : vector<2000x128xf32>
    %logistic3A_17 = arith.constant 1.000000e+00 : f32
    %logistic3A_18 = vector.broadcast %logistic3A_17 : f32 to vector<2000x128xf32>
    %logistic3A_19 = arith.addf %logistic3A_18, %logistic3A_16 : vector<2000x128xf32>
    %logistic3A_20 = arith.divf %logistic3A_18, %logistic3A_19 : vector<2000x128xf32>
    %mul3A = arith.mulf %add3A_15, %logistic3A_20 : vector<2000x128xf32>
    %add3A_21 = arith.addf %mul3A, %concatenate3A : vector<2000x128xf32>
    %get3A_22 = arith.constant 0 : index
    %get3A_23 = arith.constant 0 : index
    %get3A_24 = vector.load %arg6[%get3A_22, %get3A_23] : memref<128x128xf32, #tpu.memory_space<vmem>>, vector<128x128xf32>
    %dot_general3A_25 = arith.constant dense<0.000000e+00> : vector<2000x128xf32>
    %dot_general3A_26 = tpu.matmul %add3A_21, %get3A_24, %dot_general3A_25 {dimension_numbers = #tpu.dot_dimension_numbers<[1], [0], [0], [1], [0, 0, 1, 1], [], []>, transpose_lhs_hint = false} : vector<2000x128xf32>, vector<128x128xf32>, vector<2000x128xf32> -> vector<2000x128xf32>
    %get3A_27 = arith.constant 0 : index
    %get3A_28 = arith.constant 0 : index
    %get3A_29 = vector.load %arg7[%get3A_27, %get3A_28] : memref<1x128xf32, #tpu.memory_space<vmem>>, vector<1x128xf32>
    %add3A_30 = vector.broadcast %get3A_29 : vector<1x128xf32> to vector<2000x128xf32>
    %add3A_31 = arith.addf %dot_general3A_26, %add3A_30 : vector<2000x128xf32>
    %logistic3A_32 = arith.negf %add3A_31 : vector<2000x128xf32>
    %logistic3A_33 = math.exp %logistic3A_32 : vector<2000x128xf32>
    %logistic3A_34 = arith.constant 1.000000e+00 : f32
    %logistic3A_35 = vector.broadcast %logistic3A_34 : f32 to vector<2000x128xf32>
    %logistic3A_36 = arith.addf %logistic3A_35, %logistic3A_33 : vector<2000x128xf32>
    %logistic3A_37 = arith.divf %logistic3A_35, %logistic3A_36 : vector<2000x128xf32>
    %mul3A_38 = arith.mulf %add3A_31, %logistic3A_37 : vector<2000x128xf32>
    %get3A_39 = arith.constant 0 : index
    %get3A_40 = arith.constant 0 : index
    %get3A_41 = vector.load %arg8[%get3A_39, %get3A_40] : memref<128x128xf32, #tpu.memory_space<vmem>>, vector<128x128xf32>
    %dot_general3A_42 = arith.constant dense<0.000000e+00> : vector<2000x128xf32>
    %dot_general3A_43 = tpu.matmul %mul3A_38, %get3A_41, %dot_general3A_42 {dimension_numbers = #tpu.dot_dimension_numbers<[1], [0], [0], [1], [0, 0, 1, 1], [], []>, transpose_lhs_hint = false} : vector<2000x128xf32>, vector<128x128xf32>, vector<2000x128xf32> -> vector<2000x128xf32>
    %get3A_44 = arith.constant 0 : index
    %get3A_45 = arith.constant 0 : index
    %get3A_46 = vector.load %arg9[%get3A_44, %get3A_45] : memref<1x128xf32, #tpu.memory_space<vmem>>, vector<1x128xf32>
    %add3A_47 = vector.broadcast %get3A_46 : vector<1x128xf32> to vector<2000x128xf32>
    %add3A_48 = arith.addf %dot_general3A_43, %add3A_47 : vector<2000x128xf32>
    %logistic3A_49 = arith.negf %add3A_48 : vector<2000x128xf32>
    %logistic3A_50 = math.exp %logistic3A_49 : vector<2000x128xf32>
    %logistic3A_51 = arith.constant 1.000000e+00 : f32
    %logistic3A_52 = vector.broadcast %logistic3A_51 : f32 to vector<2000x128xf32>
    %logistic3A_53 = arith.addf %logistic3A_52, %logistic3A_50 : vector<2000x128xf32>
    %logistic3A_54 = arith.divf %logistic3A_52, %logistic3A_53 : vector<2000x128xf32>
    %mul3A_55 = arith.mulf %add3A_48, %logistic3A_54 : vector<2000x128xf32>
    %add3A_56 = arith.addf %add3A_21, %mul3A_55 : vector<2000x128xf32>
    %get3A_57 = arith.constant 0 : index
    %get3A_58 = arith.constant 0 : index
    %get3A_59 = vector.load %arg10[%get3A_57, %get3A_58] : memref<128x128xf32, #tpu.memory_space<vmem>>, vector<128x128xf32>
    %dot_general3A_60 = arith.constant dense<0.000000e+00> : vector<2000x128xf32>
    %dot_general3A_61 = tpu.matmul %add3A_56, %get3A_59, %dot_general3A_60 {dimension_numbers = #tpu.dot_dimension_numbers<[1], [0], [0], [1], [0, 0, 1, 1], [], []>, transpose_lhs_hint = false} : vector<2000x128xf32>, vector<128x128xf32>, vector<2000x128xf32> -> vector<2000x128xf32>
    %get3A_62 = arith.constant 0 : index
    %get3A_63 = arith.constant 0 : index
    %get3A_64 = vector.load %arg11[%get3A_62, %get3A_63] : memref<1x128xf32, #tpu.memory_space<vmem>>, vector<1x128xf32>
    %add3A_65 = vector.broadcast %get3A_64 : vector<1x128xf32> to vector<2000x128xf32>
    %add3A_66 = arith.addf %dot_general3A_61, %add3A_65 : vector<2000x128xf32>
    %logistic3A_67 = arith.negf %add3A_66 : vector<2000x128xf32>
    %logistic3A_68 = math.exp %logistic3A_67 : vector<2000x128xf32>
    %logistic3A_69 = arith.constant 1.000000e+00 : f32
    %logistic3A_70 = vector.broadcast %logistic3A_69 : f32 to vector<2000x128xf32>
    %logistic3A_71 = arith.addf %logistic3A_70, %logistic3A_68 : vector<2000x128xf32>
    %logistic3A_72 = arith.divf %logistic3A_70, %logistic3A_71 : vector<2000x128xf32>
    %mul3A_73 = arith.mulf %add3A_66, %logistic3A_72 : vector<2000x128xf32>
    %add3A_74 = arith.addf %mul3A_73, %get3A_1 : vector<2000x128xf32>
    %get3A_75 = arith.constant 0 : index
    %get3A_76 = arith.constant 0 : index
    %get3A_77 = vector.load %arg12[%get3A_75, %get3A_76] : memref<128x128xf32, #tpu.memory_space<vmem>>, vector<128x128xf32>
    %dot_general3A_78 = arith.constant dense<0.000000e+00> : vector<2000x128xf32>
    %dot_general3A_79 = tpu.matmul %add3A_74, %get3A_77, %dot_general3A_78 {dimension_numbers = #tpu.dot_dimension_numbers<[1], [0], [0], [1], [0, 0, 1, 1], [], []>, transpose_lhs_hint = false} : vector<2000x128xf32>, vector<128x128xf32>, vector<2000x128xf32> -> vector<2000x128xf32>
    %get3A_80 = arith.constant 0 : index
    %get3A_81 = arith.constant 0 : index
    %get3A_82 = vector.load %arg13[%get3A_80, %get3A_81] : memref<1x128xf32, #tpu.memory_space<vmem>>, vector<1x128xf32>
    %add3A_83 = vector.broadcast %get3A_82 : vector<1x128xf32> to vector<2000x128xf32>
    %add3A_84 = arith.addf %dot_general3A_79, %add3A_83 : vector<2000x128xf32>
    %logistic3A_85 = arith.negf %add3A_84 : vector<2000x128xf32>
    %logistic3A_86 = math.exp %logistic3A_85 : vector<2000x128xf32>
    %logistic3A_87 = arith.constant 1.000000e+00 : f32
    %logistic3A_88 = vector.broadcast %logistic3A_87 : f32 to vector<2000x128xf32>
    %logistic3A_89 = arith.addf %logistic3A_88, %logistic3A_86 : vector<2000x128xf32>
    %logistic3A_90 = arith.divf %logistic3A_88, %logistic3A_89 : vector<2000x128xf32>
    %mul3A_91 = arith.mulf %add3A_84, %logistic3A_90 : vector<2000x128xf32>
    %get3A_92 = arith.constant 0 : index
    %get3A_93 = arith.constant 0 : index
    %get3A_94 = vector.load %arg14[%get3A_92, %get3A_93] : memref<128x128xf32, #tpu.memory_space<vmem>>, vector<128x128xf32>
    %dot_general3A_95 = arith.constant dense<0.000000e+00> : vector<2000x128xf32>
    %dot_general3A_96 = tpu.matmul %mul3A_91, %get3A_94, %dot_general3A_95 {dimension_numbers = #tpu.dot_dimension_numbers<[1], [0], [0], [1], [0, 0, 1, 1], [], []>, transpose_lhs_hint = false} : vector<2000x128xf32>, vector<128x128xf32>, vector<2000x128xf32> -> vector<2000x128xf32>
    %get3A_97 = arith.constant 0 : index
    %get3A_98 = arith.constant 0 : index
    %get3A_99 = vector.load %arg15[%get3A_97, %get3A_98] : memref<1x128xf32, #tpu.memory_space<vmem>>, vector<1x128xf32>
    %add3A_100 = vector.broadcast %get3A_99 : vector<1x128xf32> to vector<2000x128xf32>
    %add3A_101 = arith.addf %dot_general3A_96, %add3A_100 : vector<2000x128xf32>
    %logistic3A_102 = arith.negf %add3A_101 : vector<2000x128xf32>
    %logistic3A_103 = math.exp %logistic3A_102 : vector<2000x128xf32>
    %logistic3A_104 = arith.constant 1.000000e+00 : f32
    %logistic3A_105 = vector.broadcast %logistic3A_104 : f32 to vector<2000x128xf32>
    %logistic3A_106 = arith.addf %logistic3A_105, %logistic3A_103 : vector<2000x128xf32>
    %logistic3A_107 = arith.divf %logistic3A_105, %logistic3A_106 : vector<2000x128xf32>
    %mul3A_108 = arith.mulf %add3A_101, %logistic3A_107 : vector<2000x128xf32>
    %add3A_109 = arith.addf %add3A_74, %mul3A_108 : vector<2000x128xf32>
    %get3A_110 = arith.constant 0 : index
    %get3A_111 = arith.constant 0 : index
    %get3A_112 = vector.load %arg16[%get3A_110, %get3A_111] : memref<128x128xf32, #tpu.memory_space<vmem>>, vector<128x128xf32>
    %dot_general3A_113 = arith.constant dense<0.000000e+00> : vector<2000x128xf32>
    %dot_general3A_114 = tpu.matmul %add3A_109, %get3A_112, %dot_general3A_113 {dimension_numbers = #tpu.dot_dimension_numbers<[1], [0], [0], [1], [0, 0, 1, 1], [], []>, transpose_lhs_hint = false} : vector<2000x128xf32>, vector<128x128xf32>, vector<2000x128xf32> -> vector<2000x128xf32>
    %get3A_115 = arith.constant 0 : index
    %get3A_116 = arith.constant 0 : index
    %get3A_117 = vector.load %arg17[%get3A_115, %get3A_116] : memref<1x128xf32, #tpu.memory_space<vmem>>, vector<1x128xf32>
    %add3A_118 = vector.broadcast %get3A_117 : vector<1x128xf32> to vector<2000x128xf32>
    %add3A_119 = arith.addf %dot_general3A_114, %add3A_118 : vector<2000x128xf32>
    %logistic3A_120 = arith.negf %add3A_119 : vector<2000x128xf32>
    %logistic3A_121 = math.exp %logistic3A_120 : vector<2000x128xf32>
    %logistic3A_122 = arith.constant 1.000000e+00 : f32
    %logistic3A_123 = vector.broadcast %logistic3A_122 : f32 to vector<2000x128xf32>
    %logistic3A_124 = arith.addf %logistic3A_123, %logistic3A_121 : vector<2000x128xf32>
    %logistic3A_125 = arith.divf %logistic3A_123, %logistic3A_124 : vector<2000x128xf32>
    %mul3A_126 = arith.mulf %add3A_119, %logistic3A_125 : vector<2000x128xf32>
    %get3A_127 = arith.constant 0 : index
    %get3A_128 = arith.constant 0 : index
    %get3A_129 = vector.load %arg18[%get3A_127, %get3A_128] : memref<128x128xf32, #tpu.memory_space<vmem>>, vector<128x128xf32>
    %dot_general3A_130 = arith.constant dense<0.000000e+00> : vector<2000x128xf32>
    %dot_general3A_131 = tpu.matmul %mul3A_126, %get3A_129, %dot_general3A_130 {dimension_numbers = #tpu.dot_dimension_numbers<[1], [0], [0], [1], [0, 0, 1, 1], [], []>, transpose_lhs_hint = false} : vector<2000x128xf32>, vector<128x128xf32>, vector<2000x128xf32> -> vector<2000x128xf32>
    %get3A_132 = arith.constant 0 : index
    %get3A_133 = arith.constant 0 : index
    %get3A_134 = vector.load %arg19[%get3A_132, %get3A_133] : memref<1x128xf32, #tpu.memory_space<vmem>>, vector<1x128xf32>
    %add3A_135 = vector.broadcast %get3A_134 : vector<1x128xf32> to vector<2000x128xf32>
    %add3A_136 = arith.addf %dot_general3A_131, %add3A_135 : vector<2000x128xf32>
    %logistic3A_137 = arith.negf %add3A_136 : vector<2000x128xf32>
    %logistic3A_138 = math.exp %logistic3A_137 : vector<2000x128xf32>
    %logistic3A_139 = arith.constant 1.000000e+00 : f32
    %logistic3A_140 = vector.broadcast %logistic3A_139 : f32 to vector<2000x128xf32>
    %logistic3A_141 = arith.addf %logistic3A_140, %logistic3A_138 : vector<2000x128xf32>
    %logistic3A_142 = arith.divf %logistic3A_140, %logistic3A_141 : vector<2000x128xf32>
    %mul3A_143 = arith.mulf %add3A_136, %logistic3A_142 : vector<2000x128xf32>
    %add3A_144 = arith.addf %add3A_109, %mul3A_143 : vector<2000x128xf32>
    %swap3A = arith.constant 0 : index
    %swap3A_145 = arith.constant 0 : index
    %swap3A_146 = vector.load %arg20[%swap3A, %swap3A_145] : memref<2000x128xf32, #tpu.memory_space<vmem>>, vector<2000x128xf32>
    tpu.vector_store %arg20[%swap3A, %swap3A_145], %add3A_144 {strides = array<i32>} : memref<2000x128xf32, #tpu.memory_space<vmem>>, vector<2000x128xf32>,
    return
  }
  func.func @transform_0(%arg0: i32) -> (i32, i32) {
    %c0_i32 = arith.constant 0 : i32
    %c0_i32_0 = arith.constant 0 : i32
    return %arg0, %c0_i32 : i32, i32
  }
  func.func @transform_1(%arg0: i32) -> (i32, i32) {
    %c0_i32 = arith.constant 0 : i32
    %c0_i32_0 = arith.constant 0 : i32
    return %arg0, %c0_i32 : i32, i32
  }
  func.func @transform_2(%arg0: i32) -> (i32, i32) {
    %c0_i32 = arith.constant 0 : i32
    %c0_i32_0 = arith.constant 0 : i32
    return %arg0, %c0_i32 : i32, i32
  }
  func.func @transform_3(%arg0: i32) -> (i32, i32) {
    %c0_i32 = arith.constant 0 : i32
    %c0_i32_0 = arith.constant 0 : i32
    %c0_i32_1 = arith.constant 0 : i32
    return %c0_i32, %c0_i32_0 : i32, i32
  }
  func.func @transform_4(%arg0: i32) -> (i32, i32) {
    %c0_i32 = arith.constant 0 : i32
    %c0_i32_0 = arith.constant 0 : i32
    %c0_i32_1 = arith.constant 0 : i32
    return %c0_i32, %c0_i32_0 : i32, i32
  }
  func.func @transform_5(%arg0: i32) -> (i32, i32) {
    %c0_i32 = arith.constant 0 : i32
    %c0_i32_0 = arith.constant 0 : i32
    %c0_i32_1 = arith.constant 0 : i32
    return %c0_i32, %c0_i32_0 : i32, i32
  }
  func.func @transform_6(%arg0: i32) -> (i32, i32) {
    %c0_i32 = arith.constant 0 : i32
    %c0_i32_0 = arith.constant 0 : i32
    %c0_i32_1 = arith.constant 0 : i32
    return %c0_i32, %c0_i32_0 : i32, i32
  }
  func.func @transform_7(%arg0: i32) -> (i32, i32) {
    %c0_i32 = arith.constant 0 : i32
    %c0_i32_0 = arith.constant 0 : i32
    %c0_i32_1 = arith.constant 0 : i32
    return %c0_i32, %c0_i32_0 : i32, i32
  }
  func.func @transform_8(%arg0: i32) -> (i32, i32) {
    %c0_i32 = arith.constant 0 : i32
    %c0_i32_0 = arith.constant 0 : i32
    %c0_i32_1 = arith.constant 0 : i32
    return %c0_i32, %c0_i32_0 : i32, i32
  }
  func.func @transform_9(%arg0: i32) -> (i32, i32) {
    %c0_i32 = arith.constant 0 : i32
    %c0_i32_0 = arith.constant 0 : i32
    %c0_i32_1 = arith.constant 0 : i32
    return %c0_i32, %c0_i32_0 : i32, i32
  }
  func.func @transform_10(%arg0: i32) -> (i32, i32) {
    %c0_i32 = arith.constant 0 : i32
    %c0_i32_0 = arith.constant 0 : i32
    %c0_i32_1 = arith.constant 0 : i32
    return %c0_i32, %c0_i32_0 : i32, i32
  }
  func.func @transform_11(%arg0: i32) -> (i32, i32) {
    %c0_i32 = arith.constant 0 : i32
    %c0_i32_0 = arith.constant 0 : i32
    %c0_i32_1 = arith.constant 0 : i32
    return %c0_i32, %c0_i32_0 : i32, i32
  }
  func.func @transform_12(%arg0: i32) -> (i32, i32) {
    %c0_i32 = arith.constant 0 : i32
    %c0_i32_0 = arith.constant 0 : i32
    %c0_i32_1 = arith.constant 0 : i32
    return %c0_i32, %c0_i32_0 : i32, i32
  }
  func.func @transform_13(%arg0: i32) -> (i32, i32) {
    %c0_i32 = arith.constant 0 : i32
    %c0_i32_0 = arith.constant 0 : i32
    %c0_i32_1 = arith.constant 0 : i32
    return %c0_i32, %c0_i32_0 : i32, i32
  }
  func.func @transform_14(%arg0: i32) -> (i32, i32) {
    %c0_i32 = arith.constant 0 : i32
    %c0_i32_0 = arith.constant 0 : i32
    %c0_i32_1 = arith.constant 0 : i32
    return %c0_i32, %c0_i32_0 : i32, i32
  }
  func.func @transform_15(%arg0: i32) -> (i32, i32) {
    %c0_i32 = arith.constant 0 : i32
    %c0_i32_0 = arith.constant 0 : i32
    %c0_i32_1 = arith.constant 0 : i32
    return %c0_i32, %c0_i32_0 : i32, i32
  }
  func.func @transform_16(%arg0: i32) -> (i32, i32) {
    %c0_i32 = arith.constant 0 : i32
    %c0_i32_0 = arith.constant 0 : i32
    %c0_i32_1 = arith.constant 0 : i32
    return %c0_i32, %c0_i32_0 : i32, i32
  }
  func.func @transform_17(%arg0: i32) -> (i32, i32) {
    %c0_i32 = arith.constant 0 : i32
    %c0_i32_0 = arith.constant 0 : i32
    %c0_i32_1 = arith.constant 0 : i32
    return %c0_i32, %c0_i32_0 : i32, i32
  }
  func.func @transform_18(%arg0: i32) -> (i32, i32) {
    %c0_i32 = arith.constant 0 : i32
    %c0_i32_0 = arith.constant 0 : i32
    %c0_i32_1 = arith.constant 0 : i32
    return %c0_i32, %c0_i32_0 : i32, i32
  }
  func.func @transform_19(%arg0: i32) -> (i32, i32) {
    %c0_i32 = arith.constant 0 : i32
    %c0_i32_0 = arith.constant 0 : i32
    return %arg0, %c0_i32 : i32, i32
  }
}

</mosaic_0001>

<sc_bundles>
// kernel: kernel.6.cloned.1.call-start
scs
__scs_entry_jumppad:
0x0: {  	(pc) =	sbr.rel $0x88, $3  }
0x1: {  	(tag) =	ssettag $0x0;
	lr =	simm.s32 $0x1  }
0x2: {  	[smem:$0x3F87] =	sst lr;
	_ =	strace $0xD0000000  }
0x3: {  	_ = 	snop  }
0x4: {  	_ = 	snop  }
0x5: {  	_ = 	snop  }
0x6: {  	_ = 	snop  }
0x7: {  	_ = 	snop  }
__scs_overlays_trampoline_lowered:
0x8: {  	[smem:$0x3F96] =	sst s0  }
0x9: {  	[smem:$0x3F97] =	sst s1  }
0xa: {  	[smem:$0x3F98] =	sst s2  }
0xb: {  	[smem:$0x3F99] =	sst s3  }
0xc: {  	[smem:$0x3F9A] =	sst s4  }
0xd: {  	[smem:$0x3F9B] =	sst s5  }
0xe: {  	[smem:$0x3F9C] =	sst s6  }
0xf: {  	[smem:$0x3F9D] =	sst s7  }
0x10: {  	[smem:$0x3F9E] =	sst s8  }
0x11: {  	[smem:$0x3F9F] =	sst s9;
	s0 =	simm.s32 @!p0 $0x0  }
0x12: {  	s1 =	sld [smem:$0x3F85];
	s0 =	simm.s32 @p0 $0x1  }
0x13: {  	[smem:$0x3FA0] =	sst s0;
	s0 =	simm.s32 @!p1 $0x0  }
0x14: {  	s2 =	sld [smem:$0x3F84];
	s0 =	simm.s32 @p1 $0x1  }
0x15: {  	[smem:$0x3FA1] =	sst s0;
	s0 =	simm.s32 @!p2 $0x0  }
0x16: {  	s3 =	sld [smem:$0x3FDB];
	s0 =	simm.s32 @p2 $0x1  }
0x17: {  	s4 =	simm.s32 $0x1BF5;
	[smem:$0x3FA3] =	sst s0  }
0x18: {  	s0 =	sld [smem:$0x3F86];
	_ =	swait.ge [sflag:s4], $0x0  }
0x19: {  	s7 =	sld [smem:$0x3F87]  }
0x1a: {  	s8 =	sadd.s32 $0xFFFFE003, lr  }
0x1b: {  	s9 =	sadd.s32 $0xFFFFFEF7, lr;
	s5 =	simm.s32 $0xFFFFFFFF;
	p2 =	slt.u32 s8, $0xFFFFF086  }
0x1c: {  	p1 =	slt.u32 s9, $0xF7A;
	s5 =	simm.s32 @!p2 $0x0  }
0x1d: {  	s5 =	simm.s32 @p1 $0x1;
	p0 =	seq.s32 s7, s2  }
0x1e: {  	s7 =	smul.u32 @!p0 $0xF7A, s2;
	p2 =	seq.s32 @!p0 s5, $0x0  }
0x1f: {  	s9 =	smul.u32 $0xF7A, s1;
	s8 =	simm.s32 @!p0 $0x1BF5;
	p2 =	por !p2, p0  }
0x20: {  	[sflag:s8] =	ssyncset.s32 @!p0 $0xFFFFF086;
	s6 =	sadd.s32 @!p0 s3, s7;
	s7 =	simm.s32 @!p0 $0x108  }
0x21: {  	s3 =	sadd.s32 s3, s9;
	s6 =	sadd.s32 @!p0 $0x88, s6;
	s7 =	simm.s32 @p2 $0x1082  }
0x22: {  	[simem:s7], [sflag:s8] =	dma.local @!p0 [hbm:s6], $0xF7A  }
0x23: {  	s9 =	sor.u32 $0xD0000000, s2;
	s6 =	simm.s32 $0x108;
	_ =	swait.ge @!p0 [sflag:s8], $0x0  }
0x24: {  	s3 =	sadd.s32 $0x88, s3;
	s6 =	simm.s32 @!p1 $0x1082;
	[sflag:s4] =	ssyncset.s32 $0xFFFFF086  }
0x25: {  	[simem:s6], [sflag:s4] =	dma.local [hbm:s3], $0xF7A  }
0x26: {  	[smem:$0x3F87] =	sst s1;
	(tag) =	ssettag s2;
	_ =	strace s9  }
0x27: {  	s1 =	sld [smem:$0x3F97]  }
0x28: {  	s2 =	sld [smem:$0x3F98]  }
0x29: {  	s4 =	sld [smem:$0x3F9A]  }
0x2a: {  	p0 =	seq.s32 s5, $0x0;
	s5 =	sld [smem:$0x3F9B]  }
0x2b: {  	s6 =	sld [smem:$0x3F9C]  }
0x2c: {  	s7 =	sld [smem:$0x3F9D]  }
0x2d: {  	s3 =	simm.s32 $0x108;
	s8 =	sld [smem:$0x3F9E]  }
0x2e: {  	s3 =	simm.s32 @!p0 $0x1082;
	s9 =	sld [smem:$0x3F9F]  }
0x2f: {  	lr =	sadd.s32 s0, s3;
	s0 =	sld [smem:$0x3F96]  }
0x30: {  	s3 =	sld [smem:$0x3F99]  }
0x31: {  	[smem:$0x3FA2] =	sst s10  }
0x32: {  	s10 =	sld [smem:$0x3FA0];
	_ =	sdelay $0x3  }
0x33: {  	p0 =	seq.s32 s10, $0x1;
	s10 =	sld [smem:$0x3FA2];
	_ =	sdelay $0x3  }
0x34: {  	[smem:$0x3FA2] =	sst s10  }
0x35: {  	s10 =	sld [smem:$0x3FA1];
	_ =	sdelay $0x3  }
0x36: {  	p1 =	seq.s32 s10, $0x1;
	s10 =	sld [smem:$0x3FA2];
	_ =	sdelay $0x3  }
0x37: {  	[smem:$0x3FA2] =	sst s10  }
0x38: {  	s10 =	sld [smem:$0x3FA3]  }
0x39: {  	_ = 	snop;
	(pc) =	sbr.ind lr, $3  }
0x3a: {  	_ = 	snop  }
0x3b: {  	_ = 	snop  }
0x3c: {  	p2 =	seq.s32 s10, $0x1;
	s10 =	sld [smem:$0x3FA2]  }
0x3d: {  	_ =	shalt  }
0x3e: {  	_ =	shalt  }
0x3f: {  	_ =	shalt  }
0x40: {  	_ =	shalt  }
0x41: {  	_ =	shalt  }
0x42: {  	_ =	shalt  }
0x43: {  	_ =	shalt  }
0x44: {  	_ =	shalt  }
0x45: {  	_ =	shalt  }
0x46: {  	_ =	shalt  }
0x47: {  	_ =	shalt  }
0x48: {  	_ =	shalt  }
0x49: {  	_ =	shalt  }
0x4a: {  	_ =	shalt  }
0x4b: {  	_ =	shalt  }
0x4c: {  	_ =	shalt  }
0x4d: {  	_ =	shalt  }
0x4e: {  	_ =	shalt  }
0x4f: {  	_ =	shalt  }
0x50: {  	_ =	shalt  }
0x51: {  	_ =	shalt  }
0x52: {  	_ =	shalt  }
0x53: {  	_ =	shalt  }
0x54: {  	_ =	shalt  }
0x55: {  	_ =	shalt  }
0x56: {  	_ =	shalt  }
0x57: {  	_ =	shalt  }
0x58: {  	_ =	shalt  }
0x59: {  	_ =	shalt  }
0x5a: {  	_ =	shalt  }
0x5b: {  	_ =	shalt  }
0x5c: {  	_ =	shalt  }
0x5d: {  	_ =	shalt  }
0x5e: {  	_ =	shalt  }
0x5f: {  	_ =	shalt  }
0x60: {  	_ =	shalt  }
0x61: {  	_ =	shalt  }
0x62: {  	_ =	shalt  }
0x63: {  	_ =	shalt  }
0x64: {  	_ =	shalt  }
0x65: {  	_ =	shalt  }
0x66: {  	_ =	shalt  }
0x67: {  	_ =	shalt  }
0x68: {  	_ =	shalt  }
0x69: {  	_ =	shalt  }
0x6a: {  	_ =	shalt  }
0x6b: {  	_ =	shalt  }
0x6c: {  	_ =	shalt  }
0x6d: {  	_ =	shalt  }
0x6e: {  	_ =	shalt  }
0x6f: {  	_ =	shalt  }
0x70: {  	_ =	shalt  }
0x71: {  	_ =	shalt  }
0x72: {  	_ =	shalt  }
0x73: {  	_ =	shalt  }
0x74: {  	_ =	shalt  }
0x75: {  	_ =	shalt  }
0x76: {  	_ =	shalt  }
0x77: {  	_ =	shalt  }
0x78: {  	_ =	shalt  }
0x79: {  	_ =	shalt  }
0x7a: {  	_ =	shalt  }
0x7b: {  	_ =	shalt  }
0x7c: {  	_ =	shalt  }
0x7d: {  	_ =	shalt  }
0x7e: {  	_ =	shalt  }
0x7f: {  	_ =	shalt  }
0x80: {  	_ =	shalt  }
0x81: {  	_ =	shalt  }
0x82: {  	_ =	shalt  }
0x83: {  	_ =	shalt  }
0x84: {  	_ =	shalt  }
0x85: {  	_ =	shalt  }
0x86: {  	_ =	shalt  }
0x87: {  	_ =	shalt  }
.Lfunc_end0:
.L_simem_size_0:
called_computation.2_lowered:
.L_overlay_start_0:
0x88: {  	s2 =	sld [smem:$0x3FD9]  }
0x89: {  	s3 =	sld [smem:$0x3FFE];
	_ =	sdelay $0x1  }
0x8a: {  	s1 =	srdreg.scid  }
0x8b: {  	s0 =	sand.u32 $0x1, s1  }
0x8c: {  	s17 =	sshll.u32 s0, $0xA;
	s2 =	sadd.s32 s3, s2  }
0x8d: {  	s2 =	sadd.s32 s2, s17  }
0x8e: {  	[smem:$0x3FAE] =	sst s2  }
0x8f: {  	_ = 	snop  }
0x90: {  	s2 =	sld [smem:$0x3FC6];
	(tm) =	ssettm $0x1  }
0x91: {  	s18 =	sld [smem:$0x3FFB];
	_ =	sdelay $0x3  }
0x92: {  	_ =	strace s18  }
0x93: {  	s3 =	sld [smem:$0x3FFC];
	_ =	sdelay $0x3  }
0x94: {  	_ =	strace s3  }
0x95: {  	s3 =	sld [smem:$0x3FFD];
	_ =	sdelay $0x3  }
0x96: {  	_ =	strace s3  }
0x97: {  	_ =	strace $0x8FFFFFFF  }
0x98: {  	s19 =	sld [smem:$0x3FDB];
	_ =	sdelay $0x1  }
0x99: {  	s4 =	simm.s32 $_scs_section_size  }
0x9a: {  	s5 =	simm.s32 $_size__tile_overlayer_lowered;
	s6 =	simm.s32 $_tile_overlayer_lowered  }
0x9b: {  	s22 =	simm.s32 $0x1BFF;
	s21 =	sshll.u32 s6, $0x1;
	s3 =	sadd.s32 s4, s19  }
0x9c: {  	s7 =	simm.s32 $0x0;
	s20 =	sshll.u32 s5, $0x1;
	s5 =	sadd.s32 s21, s3  }
0x9d: {  	[timem:s7], [sflag:s22] =	dma.local [hbm:s5], s20  }
0x9e: {  	_ =	swait.ge [sflag:s22], s20  }
0x9f: {  	s4 =	ssub.s32 $0x0, s20;
	[sflag:s22] =	ssyncset.done $0x0  }
0xa0: {  	[sflag:s22] =	ssyncadd.s32 s4;
	_ =	sdelay $0x1  }
0xa1: {  	s23 =	simm.s32 $0x1B8B  }
0xa2: {  	_ =	swait.ge [sflag:s23], $0x1  }
0xa3: {  	[sflag:s23] =	ssyncset.done $0x0  }
0xa4: {  	s25 =	simm.s32 $0x1B8E;
	s24 =	sld [smem:$0x3FFE];
	[sflag:s23] =	ssyncadd.s32 $0xFFFFFFFF  }
0xa5: {  	s26 =	simm.s32 $execute0_lowered;
	[smem:$0x3FD2] =	sst s25  }
0xa6: {  	s5 =	sshll.u32 s26, $0x1;
	_ =	strace $0x80000046;
	[dreg:$0x1] =	wrdreg $0xFFFFFFFF  }
0xa7: {  	s28 =	simm.s32 $_size_execute0_lowered;
	s3 =	sadd.s32 s3, s5;
	[dreg:$0x0] =	wrdreg $0x0  }
0xa8: {  	s5 =	sshll.u32 s28, $0x1;
	[dreg:$0x2] =	wrdreg s3  }
0xa9: {  	[dreg:$0x3] =	wrdreg s5  }
0xaa: {  	[dreg:$0x4] =	wrdreg $0xC0  }
0xab: {  	_ =	task [dreg:s7], $0x5FFFF  }
0xac: {  	[dreg:$0x1] =	wrdreg $0xFFFFFFFF  }
0xad: {  	[dreg:$0x0] =	wrdreg $0x60  }
0xae: {  	[dreg:$0x2] =	wrdreg s24  }
0xaf: {  	[dreg:$0x3] =	wrdreg s2  }
0xb0: {  	[dreg:$0x4] =	wrdreg $0x9  }
0xb1: {  	_ =	task.clear_ibuf [dreg:s7], $0x5FFFF;
	_ =	strace $0x90000046  }
0xb2: {  	s29 =	simm.s32 $0x9;
	_ =	strace $0x80000048  }
0xb3: {  	_ =	swait.ge [sflag:s29], $0x1  }
0xb4: {  	[sflag:s29] =	ssyncadd.s32 $0xFFFFFFFF  }
0xb5: {  	_ =	strace $0x90000048  }
0xb6: {  	_ =	sfence  }
0xb7: {  	s30 =	sld [smem:$0x0];
	_ =	sdelay $0x2  }
0xb8: {  	s31 =	sshll.u32 s1, $0xD;
	s1 =	sshrl.u32 s1, $0x2  }
0xb9: {  	s3 =	sand.u32 $0x4000, s31;
	s1 =	sadd.s32 s1, s30  }
0xba: {  	s0 =	sor.u32 s3, s0;
	s1 =	sshll.u32 s1, $0x11  }
0xbb: {  	s0 =	sor.u32 s1, s0  }
0xbc: {  	s0 =	sadd.s32 $0x8F2B, s0  }
0xbd: {  	[sflag:s0] =	ssyncadd.remote.s32 $0x1  }
0xbe: {  	_ =	sfence.sel $0xFFFF  }
0xbf: {  	[dreg:$0x0] =	wrdreg $0xFFFFFFFF;
	(pc) =	sbr.abs _section_cstart, $3  }
0xc0: {  	[dreg:$0x1] =	wrdreg $0xFFFFFFFF  }
0xc1: {  	_ =	task.clear_ibuf [dreg:s7], $0x2FFFF;
	_ =	strace $0x9FFFFFFF  }
0xc2: {  	(tm) =	ssettm $0x7FFFFFFF  }
0xc3: {  	_ =	shalt  }
tec
execute0_lowered:
.L_overlay_start_1:
0x0: {  	(tag) =	ssettag $0x1  }
0x1: {  	s4 =	rddreg [dreg:$0x0]  }
0x2: {  	s0 =	stileid.u32;
	s1 =	srdreg.scid  }
0x3: {  	s6 =	rddreg [dreg:$0x1];
	s5 =	smul.u32 $0x4E200, s0  }
0x4: {  	s2 =	simm.s32 $0x0;
	s3 =	sand.u32 $0x1, s1;
	s8 =	smul.u32 $0x4E20, s0  }
0x5: {  	s11 =	simm.s32 $0x0;
	s1 =	rddreg [dreg:$0x2];
	s7 =	smul.u32 $0x27100, s3  }
0x6: {  	[smem:$0x7FF] =	sst s2;
	s9 =	ssub.s32 $0x2, s3;
	s10 =	smul.u32 $0x2710, s3  }
0x7: {  	s3 =	sadd.s32 $0x2200, s4;
	s4 =	sadd.s32 s5, s4;
	s30 =	sshrl.u32 s9, $0x1  }
0x8: {  	_ =	strace $0x80000047;
	s5 =	ssub.s32 s9, s30;
	s7 =	sadd.s32 s7, s4  }
0x9: {  	s8 =	sadd.s32 s10, s8;
	s9 =	simm.s32 $0x80;
	s10 =	simm.s32 $0x1  }
0xa: {  	s4 =	smax.u32 s5, $0x1;
	s5 =	sadd.s32 $0x273200, s7;
	s31 =	sshrl.u32 s8, $0x3  }
0xb: {  	s7 =	simm.s32 $0x2;
	s8 =	simm.s32 $0x50;
	s6 =	sadd.s32 s31, s6  }
.LBB2_1:
0xc: {  	s12 =	sadd.s32 $0x0, s6  }
0xd: {  	[tilespmem:s2], [sflag:$0x2] =	stream.linear.gather [hbm4b:s12+s2], $0x50, $0x38;
	[tilespmem:$0x2880] =	vst v63  }
0xe: {  	_ =	swait.ge [sflag:s7], $0x50  }
0xf: {  	[sflag:s7] =	ssyncset.done $0x0  }
0x10: {  	[sflag:s7] =	ssyncadd.s32 $0xFFFFFFB0  }
0x11: {  	[tilespmem:s9], [sflag:$0x1] =	stream.indirect.gather [hbm4b:s3+s8], $0x80, s2, s8, $0xb8;
	[tilespmem:$0x2880] =	vst v63  }
0x12: {  	_ =	swait.ge [sflag:s10], $0x2800  }
0x13: {  	[sflag:s10] =	ssyncset.done $0x0  }
0x14: {  	[sflag:s10] =	ssyncadd.s32 $0xFFFFD800  }
0x15: {  	[hbm4b:s5+s2] =	stream.linear.scatter [tilespmem:s9], [sflag:$0x2], $0x2800, $0x38;
	[tilespmem:$0x2880] =	vst v63  }
0x16: {  	s13 =	simm.s32 $0xA;
	_ =	swait.ge [sflag:s7], $0x2800  }
0x17: {  	s14 =	simm.s32 $0x14;
	s12 =	sadd.s32 $0x500, s5;
	[sflag:s7] =	ssyncset.done $0x0  }
.LBB2_2:
0x18: {  	s15 =	sadd.s32 s13, s6  }
0x19: {  	[sflag:s7] =	ssyncadd.s32 $0xFFFFD800;
	s13 =	smov.u32 s14;
	s16 =	sadd.s32 $0xA, s14  }
0x1a: {  	[tilespmem:s2], [sflag:$0x2] =	stream.linear.gather [hbm4b:s15+s2], $0x50, $0x38;
	[tilespmem:$0x2880] =	vst v63  }
0x1b: {  	p0 =	sne.s32 s14, $0x4D8;
	_ =	swait.ge [sflag:s7], $0x50  }
0x1c: {  	[sflag:s7] =	ssyncset.done $0x0  }
0x1d: {  	[sflag:s7] =	ssyncadd.s32 $0xFFFFFFB0  }
0x1e: {  	[tilespmem:s9], [sflag:$0x1] =	stream.indirect.gather [hbm4b:s3+s8], $0x80, s2, s8, $0xb8;
	[tilespmem:$0x2880] =	vst v63  }
0x1f: {  	_ =	swait.ge [sflag:s10], $0x2800  }
.Ltmp0:
0x20: {  	[sflag:s10] =	ssyncset.done $0x0;
	(pc) =	sbr.rel @p0 .LBB2_2-.Ltmp0, $4  }
0x21: {  	[sflag:s10] =	ssyncadd.s32 $0xFFFFD800  }
0x22: {  	[hbm4b:s12+s2] =	stream.linear.scatter [tilespmem:s9], [sflag:$0x2], $0x2800, $0x38;
	[tilespmem:$0x2880] =	vst v63  }
0x23: {  	_ =	swait.ge [sflag:s7], $0x2800  }
0x24: {  	s14 =	smov.u32 s16;
	s12 =	sadd.s32 $0x500, s12;
	[sflag:s7] =	ssyncset.done $0x0  }
0x25: {  	s13 =	sadd.s32 s13, s6;
	[sflag:s7] =	ssyncadd.s32 $0xFFFFD800  }
0x26: {  	[tilespmem:s2], [sflag:$0x2] =	stream.linear.gather [hbm4b:s13+s2], $0x50, $0x38;
	[tilespmem:$0x2880] =	vst v63  }
0x27: {  	_ =	swait.ge [sflag:s7], $0x50  }
0x28: {  	[sflag:s7] =	ssyncset.done $0x0  }
0x29: {  	[sflag:s7] =	ssyncadd.s32 $0xFFFFFFB0  }
0x2a: {  	[tilespmem:s9], [sflag:$0x1] =	stream.indirect.gather [hbm4b:s3+s8], $0x80, s2, s8, $0xb8;
	[tilespmem:$0x2880] =	vst v63  }
0x2b: {  	s11 =	sadd.s32 $0x1, s11;
	_ =	swait.ge [sflag:s10], $0x2800  }
0x2c: {  	p0 =	sne.s32 s11, s4;
	[sflag:s10] =	ssyncset.done $0x0  }
.Ltmp1:
0x2d: {  	[sflag:s10] =	ssyncadd.s32 $0xFFFFD800;
	(pc) =	sbr.rel @p0 .LBB2_1-.Ltmp1, $4  }
0x2e: {  	[hbm4b:s12+s2] =	stream.linear.scatter [tilespmem:s9], [sflag:$0x2], $0x2800, $0x38;
	[tilespmem:$0x2880] =	vst v63  }
0x2f: {  	_ =	swait.ge [sflag:s7], $0x2800  }
0x30: {  	[sflag:s7] =	ssyncset.done $0x0  }
0x31: {  	[sflag:s7] =	ssyncadd.s32 $0xFFFFD800  }
0x32: {  	_ =	sfence.sel $0x180000  }
0x33: {  	[bflag:$0x0] =	sbarrier.arrive $0xFFFF  }
0x34: {  	p0 =	sne.s32 s0, $0x0;
	_ =	strace $0x90000047  }
0x35: {  	s0 =	sadd.s32 @!p0 $0x100000, s1;
	[bflag:$0x2] =	sbarrier.arrive $0xFFFF  }
0x36: {  	[sflag:s0] =	ssyncadd.tile.s32 @!p0 $0x1;
	_ =	shalt  }
.Lfunc_end2:
_tile_overlayer_lowered:
.L_overlay_start_2:
0x37: {  	(tag) =	ssettag $0x2  }
0x38: {  	s0 =	rddreg [dreg:$0x0];
	s2 =	stileid.u32  }
0x39: {  	s1 =	rddreg [dreg:$0x1];
	p0 =	sne.s32 s2, $0x0  }
0x3a: {  	s3 =	rddreg [dreg:$0x2];
	[bflag:$0x3] =	sbarrier.arrive $0xFFFF;
	s2 =	simm.s32 @!p0 $0x1C02  }
0x3b: {  	[timem:s3], [sflag:s2] =	dma.local @!p0 [hbm:s0], s1  }
0x3c: {  	s0 =	simm.s32 @!p0 $0x2  }
0x3d: {  	_ =	swait.ge @!p0 [sflag:s0], s1  }
0x3e: {  	s1 =	ssub.s32 @!p0 $0x0, s1;
	[sflag:s0] =	ssyncset.done @!p0 $0x0  }
0x3f: {  	[sflag:s0] =	ssyncadd.s32 @!p0 s1  }
0x40: {  	[bflag:$0x3] =	sbarrier.arrive $0xFFFF  }
0x41: {  	_ =	shalt  }

// kernel: scatter_offload_async_start.1
scs
__scs_entry_jumppad:
0x0: {  	(pc) =	sbr.rel $0x88, $3  }
0x1: {  	(tag) =	ssettag $0x0;
	lr =	simm.s32 $0x1  }
0x2: {  	[smem:$0x3F87] =	sst lr;
	_ =	strace $0xD0000000  }
0x3: {  	_ = 	snop  }
0x4: {  	_ = 	snop  }
0x5: {  	_ = 	snop  }
0x6: {  	_ = 	snop  }
0x7: {  	_ = 	snop  }
__scs_overlays_trampoline_lowered:
0x8: {  	[smem:$0x3F96] =	sst s0  }
0x9: {  	[smem:$0x3F97] =	sst s1  }
0xa: {  	[smem:$0x3F98] =	sst s2  }
0xb: {  	[smem:$0x3F99] =	sst s3  }
0xc: {  	[smem:$0x3F9A] =	sst s4  }
0xd: {  	[smem:$0x3F9B] =	sst s5  }
0xe: {  	[smem:$0x3F9C] =	sst s6  }
0xf: {  	[smem:$0x3F9D] =	sst s7  }
0x10: {  	[smem:$0x3F9E] =	sst s8  }
0x11: {  	[smem:$0x3F9F] =	sst s9;
	s0 =	simm.s32 @!p0 $0x0  }
0x12: {  	s1 =	sld [smem:$0x3F85];
	s0 =	simm.s32 @p0 $0x1  }
0x13: {  	[smem:$0x3FA0] =	sst s0;
	s0 =	simm.s32 @!p1 $0x0  }
0x14: {  	s2 =	sld [smem:$0x3F84];
	s0 =	simm.s32 @p1 $0x1  }
0x15: {  	[smem:$0x3FA1] =	sst s0;
	s0 =	simm.s32 @!p2 $0x0  }
0x16: {  	s3 =	sld [smem:$0x3FDB];
	s0 =	simm.s32 @p2 $0x1  }
0x17: {  	s4 =	simm.s32 $0x1BF5;
	[smem:$0x3FA3] =	sst s0  }
0x18: {  	s0 =	sld [smem:$0x3F86];
	_ =	swait.ge [sflag:s4], $0x0  }
0x19: {  	s7 =	sld [smem:$0x3F87]  }
0x1a: {  	s8 =	sadd.s32 $0xFFFFE003, lr  }
0x1b: {  	s9 =	sadd.s32 $0xFFFFFEF7, lr;
	s5 =	simm.s32 $0xFFFFFFFF;
	p2 =	slt.u32 s8, $0xFFFFF086  }
0x1c: {  	p1 =	slt.u32 s9, $0xF7A;
	s5 =	simm.s32 @!p2 $0x0  }
0x1d: {  	s5 =	simm.s32 @p1 $0x1;
	p0 =	seq.s32 s7, s2  }
0x1e: {  	s7 =	smul.u32 @!p0 $0xF7A, s2;
	p2 =	seq.s32 @!p0 s5, $0x0  }
0x1f: {  	s9 =	smul.u32 $0xF7A, s1;
	s8 =	simm.s32 @!p0 $0x1BF5;
	p2 =	por !p2, p0  }
0x20: {  	[sflag:s8] =	ssyncset.s32 @!p0 $0xFFFFF086;
	s6 =	sadd.s32 @!p0 s3, s7;
	s7 =	simm.s32 @!p0 $0x108  }
0x21: {  	s3 =	sadd.s32 s3, s9;
	s6 =	sadd.s32 @!p0 $0x88, s6;
	s7 =	simm.s32 @p2 $0x1082  }
0x22: {  	[simem:s7], [sflag:s8] =	dma.local @!p0 [hbm:s6], $0xF7A  }
0x23: {  	s9 =	sor.u32 $0xD0000000, s2;
	s6 =	simm.s32 $0x108;
	_ =	swait.ge @!p0 [sflag:s8], $0x0  }
0x24: {  	s3 =	sadd.s32 $0x88, s3;
	s6 =	simm.s32 @!p1 $0x1082;
	[sflag:s4] =	ssyncset.s32 $0xFFFFF086  }
0x25: {  	[simem:s6], [sflag:s4] =	dma.local [hbm:s3], $0xF7A  }
0x26: {  	[smem:$0x3F87] =	sst s1;
	(tag) =	ssettag s2;
	_ =	strace s9  }
0x27: {  	s1 =	sld [smem:$0x3F97]  }
0x28: {  	s2 =	sld [smem:$0x3F98]  }
0x29: {  	s4 =	sld [smem:$0x3F9A]  }
0x2a: {  	p0 =	seq.s32 s5, $0x0;
	s5 =	sld [smem:$0x3F9B]  }
0x2b: {  	s6 =	sld [smem:$0x3F9C]  }
0x2c: {  	s7 =	sld [smem:$0x3F9D]  }
0x2d: {  	s3 =	simm.s32 $0x108;
	s8 =	sld [smem:$0x3F9E]  }
0x2e: {  	s3 =	simm.s32 @!p0 $0x1082;
	s9 =	sld [smem:$0x3F9F]  }
0x2f: {  	lr =	sadd.s32 s0, s3;
	s0 =	sld [smem:$0x3F96]  }
0x30: {  	s3 =	sld [smem:$0x3F99]  }
0x31: {  	[smem:$0x3FA2] =	sst s10  }
0x32: {  	s10 =	sld [smem:$0x3FA0];
	_ =	sdelay $0x3  }
0x33: {  	p0 =	seq.s32 s10, $0x1;
	s10 =	sld [smem:$0x3FA2];
	_ =	sdelay $0x3  }
0x34: {  	[smem:$0x3FA2] =	sst s10  }
0x35: {  	s10 =	sld [smem:$0x3FA1];
	_ =	sdelay $0x3  }
0x36: {  	p1 =	seq.s32 s10, $0x1;
	s10 =	sld [smem:$0x3FA2];
	_ =	sdelay $0x3  }
0x37: {  	[smem:$0x3FA2] =	sst s10  }
0x38: {  	s10 =	sld [smem:$0x3FA3]  }
0x39: {  	_ = 	snop;
	(pc) =	sbr.ind lr, $3  }
0x3a: {  	_ = 	snop  }
0x3b: {  	_ = 	snop  }
0x3c: {  	p2 =	seq.s32 s10, $0x1;
	s10 =	sld [smem:$0x3FA2]  }
0x3d: {  	_ =	shalt  }
0x3e: {  	_ =	shalt  }
0x3f: {  	_ =	shalt  }
0x40: {  	_ =	shalt  }
0x41: {  	_ =	shalt  }
0x42: {  	_ =	shalt  }
0x43: {  	_ =	shalt  }
0x44: {  	_ =	shalt  }
0x45: {  	_ =	shalt  }
0x46: {  	_ =	shalt  }
0x47: {  	_ =	shalt  }
0x48: {  	_ =	shalt  }
0x49: {  	_ =	shalt  }
0x4a: {  	_ =	shalt  }
0x4b: {  	_ =	shalt  }
0x4c: {  	_ =	shalt  }
0x4d: {  	_ =	shalt  }
0x4e: {  	_ =	shalt  }
0x4f: {  	_ =	shalt  }
0x50: {  	_ =	shalt  }
0x51: {  	_ =	shalt  }
0x52: {  	_ =	shalt  }
0x53: {  	_ =	shalt  }
0x54: {  	_ =	shalt  }
0x55: {  	_ =	shalt  }
0x56: {  	_ =	shalt  }
0x57: {  	_ =	shalt  }
0x58: {  	_ =	shalt  }
0x59: {  	_ =	shalt  }
0x5a: {  	_ =	shalt  }
0x5b: {  	_ =	shalt  }
0x5c: {  	_ =	shalt  }
0x5d: {  	_ =	shalt  }
0x5e: {  	_ =	shalt  }
0x5f: {  	_ =	shalt  }
0x60: {  	_ =	shalt  }
0x61: {  	_ =	shalt  }
0x62: {  	_ =	shalt  }
0x63: {  	_ =	shalt  }
0x64: {  	_ =	shalt  }
0x65: {  	_ =	shalt  }
0x66: {  	_ =	shalt  }
0x67: {  	_ =	shalt  }
0x68: {  	_ =	shalt  }
0x69: {  	_ =	shalt  }
0x6a: {  	_ =	shalt  }
0x6b: {  	_ =	shalt  }
0x6c: {  	_ =	shalt  }
0x6d: {  	_ =	shalt  }
0x6e: {  	_ =	shalt  }
0x6f: {  	_ =	shalt  }
0x70: {  	_ =	shalt  }
0x71: {  	_ =	shalt  }
0x72: {  	_ =	shalt  }
0x73: {  	_ =	shalt  }
0x74: {  	_ =	shalt  }
0x75: {  	_ =	shalt  }
0x76: {  	_ =	shalt  }
0x77: {  	_ =	shalt  }
0x78: {  	_ =	shalt  }
0x79: {  	_ =	shalt  }
0x7a: {  	_ =	shalt  }
0x7b: {  	_ =	shalt  }
0x7c: {  	_ =	shalt  }
0x7d: {  	_ =	shalt  }
0x7e: {  	_ =	shalt  }
0x7f: {  	_ =	shalt  }
0x80: {  	_ =	shalt  }
0x81: {  	_ =	shalt  }
0x82: {  	_ =	shalt  }
0x83: {  	_ =	shalt  }
0x84: {  	_ =	shalt  }
0x85: {  	_ =	shalt  }
0x86: {  	_ =	shalt  }
0x87: {  	_ =	shalt  }
.Lfunc_end0:
.L_simem_size_0:
called_computation.1_lowered:
.L_overlay_start_0:
0x88: {  	s2 =	sld [smem:$0x3FD9]  }
0x89: {  	s3 =	sld [smem:$0x3FFE];
	_ =	sdelay $0x1  }
0x8a: {  	s1 =	srdreg.scid  }
0x8b: {  	s0 =	sand.u32 $0x1, s1  }
0x8c: {  	s15 =	sshll.u32 s0, $0xA;
	s2 =	sadd.s32 s3, s2  }
0x8d: {  	s2 =	sadd.s32 s2, s15  }
0x8e: {  	[smem:$0x3FAE] =	sst s2  }
0x8f: {  	_ = 	snop  }
0x90: {  	s16 =	sld [smem:$0x3FD0];
	(tm) =	ssettm $0x1  }
0x91: {  	s17 =	sld [smem:$0x3FFB];
	_ =	sdelay $0x3  }
0x92: {  	_ =	strace s17  }
0x93: {  	s2 =	sld [smem:$0x3FFC];
	_ =	sdelay $0x3  }
0x94: {  	_ =	strace s2  }
0x95: {  	s2 =	sld [smem:$0x3FFD];
	_ =	sdelay $0x3  }
0x96: {  	_ =	strace s2  }
0x97: {  	_ =	strace $0x8FFFFFFF  }
0x98: {  	s18 =	sld [smem:$0x3FDB];
	_ =	sdelay $0x1  }
0x99: {  	s4 =	simm.s32 $_scs_section_size  }
0x9a: {  	s5 =	simm.s32 $_size__tile_overlayer_lowered;
	s6 =	simm.s32 $_tile_overlayer_lowered  }
0x9b: {  	s7 =	simm.s32 $0x1BFF;
	s19 =	sshll.u32 s6, $0x1;
	s4 =	sadd.s32 s4, s18  }
0x9c: {  	s20 =	simm.s32 $0x0;
	s5 =	sshll.u32 s5, $0x1;
	s6 =	sadd.s32 s19, s4  }
0x9d: {  	[timem:s20], [sflag:s7] =	dma.local [hbm:s6], s5  }
0x9e: {  	_ =	swait.ge [sflag:s7], s5  }
0x9f: {  	s5 =	ssub.s32 $0x0, s5;
	[sflag:s7] =	ssyncset.done $0x0  }
0xa0: {  	[sflag:s7] =	ssyncadd.s32 s5;
	_ =	sdelay $0x1  }
0xa1: {  	s21 =	simm.s32 $0x1B8B  }
0xa2: {  	_ =	swait.ge [sflag:s21], $0x1  }
0xa3: {  	[sflag:s21] =	ssyncset.done $0x0  }
0xa4: {  	s22 =	sld [smem:$0x3FFE];
	[sflag:s21] =	ssyncadd.s32 $0xFFFFFFFF  }
0xa5: {  	s24 =	simm.s32 $0x1B8E;
	s23 =	sld [smem:$0x0]  }
0xa6: {  	s25 =	simm.s32 $execute0_lowered;
	[smem:$0x3FD2] =	sst s24  }
0xa7: {  	s7 =	sshll.u32 s25, $0x1;
	_ =	strace $0x80000049;
	[dreg:$0x1] =	wrdreg $0xFFFFFFFF  }
0xa8: {  	s8 =	simm.s32 $_size_execute0_lowered;
	s7 =	sadd.s32 s4, s7;
	[dreg:$0x0] =	wrdreg $0x0  }
0xa9: {  	s8 =	sshll.u32 s8, $0x1;
	[dreg:$0x2] =	wrdreg s7  }
0xaa: {  	[dreg:$0x3] =	wrdreg s8  }
0xab: {  	[dreg:$0x4] =	wrdreg $0xC0  }
0xac: {  	s26 =	simm.s32 $execute1_lowered;
	_ =	task [dreg:s20], $0x5FFFF  }
0xad: {  	s7 =	sshll.u32 s26, $0x1;
	[dreg:$0x1] =	wrdreg $0xFFFFFFFF  }
0xae: {  	s4 =	sadd.s32 s4, s7;
	[dreg:$0x0] =	wrdreg $0x60  }
0xaf: {  	[dreg:$0x2] =	wrdreg s4  }
0xb0: {  	[dreg:$0x3] =	wrdreg s16  }
0xb1: {  	[dreg:$0x4] =	wrdreg s22  }
0xb2: {  	[dreg:$0x5] =	wrdreg $0xB  }
0xb3: {  	_ =	task.clear_ibuf [dreg:s20], $0x6FFFF;
	_ =	strace $0x90000049  }
0xb4: {  	s28 =	simm.s32 $0xB;
	_ =	strace $0x8000004B  }
0xb5: {  	_ =	swait.ge [sflag:s28], $0x1  }
0xb6: {  	[sflag:s28] =	ssyncadd.s32 $0xFFFFFFFF  }
0xb7: {  	_ =	strace $0x9000004B  }
0xb8: {  	s3 =	sld [smem:$0x0]  }
0xb9: {  	s4 =	sand.u32 $0xFFFFFFFE, s1  }
0xba: {  	p0 =	sne.s32 s1, s4  }
0xbb: {  	s4 =	sshll.u32 @p0 s4, $0xE  }
0xbc: {  	s4 =	sadd.s32 @p0 $0x11BF3, s4;
	s7 =	sshll.u32 @p0 s3, $0x11  }
0xbd: {  	s4 =	sor.u32 @p0 s7, s4  }
0xbe: {  	[sflag:s4] =	ssyncadd.remote.s32 @p0 $0x1;
	_ =	sdelay $0x1  }
0xbf: {  	s4 =	simm.s32 @p0 $0x1BF3  }
0xc0: {  	_ =	swait.eq @p0 [sflag:s4], $0x1  }
0xc1: {  	[sflag:s4] =	ssyncadd.s32 @p0 $0xFFFFFFFF  }
0xc2: {  	s7 =	sshll.u32 @!p0 s1, $0xE  }
0xc3: {  	s7 =	sor.u32 @!p0 $0x4000, s7;
	s4 =	simm.s32 @!p0 $0x1BF3  }
0xc4: {  	s3 =	sshll.u32 @!p0 s3, $0x11;
	s7 =	sadd.s32 @!p0 $0x11BF3, s7;
	_ =	swait.eq @!p0 [sflag:s4], $0x1  }
0xc5: {  	s3 =	sor.u32 @!p0 s3, s7;
	[sflag:s4] =	ssyncadd.s32 @!p0 $0xFFFFFFFF  }
0xc6: {  	[sflag:s3] =	ssyncadd.remote.s32 @!p0 $0x1  }
0xc7: {  	_ =	strace $0x8000004C;
	[dreg:$0x1] =	wrdreg $0xFFFFFFFF  }
0xc8: {  	[dreg:$0x0] =	wrdreg $0x2030  }
0xc9: {  	[dreg:$0x2] =	wrdreg s22  }
0xca: {  	[dreg:$0x3] =	wrdreg s1  }
0xcb: {  	[dreg:$0x4] =	wrdreg s23  }
0xcc: {  	[dreg:$0x5] =	wrdreg $0xC  }
0xcd: {  	_ =	task.clear_ibuf [dreg:s20], $0x6FFFF;
	_ =	strace $0x9000004C  }
0xce: {  	s29 =	simm.s32 $0xC;
	_ =	strace $0x8000004E  }
0xcf: {  	_ =	swait.ge [sflag:s29], $0x1  }
0xd0: {  	[sflag:s29] =	ssyncadd.s32 $0xFFFFFFFF  }
0xd1: {  	_ =	strace $0x9000004E  }
0xd2: {  	_ =	sfence  }
0xd3: {  	s30 =	sld [smem:$0x0];
	_ =	sdelay $0x2  }
0xd4: {  	s31 =	sshll.u32 s1, $0xD;
	s1 =	sshrl.u32 s1, $0x2  }
0xd5: {  	s4 =	sand.u32 $0x4000, s31;
	s1 =	sadd.s32 s1, s30  }
0xd6: {  	s0 =	sor.u32 s4, s0;
	s1 =	sshll.u32 s1, $0x11  }
0xd7: {  	s0 =	sor.u32 s1, s0  }
0xd8: {  	s0 =	sadd.s32 $0x8F2B, s0  }
0xd9: {  	[sflag:s0] =	ssyncadd.remote.s32 $0x1  }
0xda: {  	_ =	sfence.sel $0xFFFF  }
0xdb: {  	[dreg:$0x0] =	wrdreg $0xFFFFFFFF;
	(pc) =	sbr.abs _section_cstart, $3  }
0xdc: {  	[dreg:$0x1] =	wrdreg $0xFFFFFFFF  }
0xdd: {  	_ =	task.clear_ibuf [dreg:s20], $0x2FFFF;
	_ =	strace $0x9FFFFFFF  }
0xde: {  	(tm) =	ssettm $0x7FFFFFFF  }
0xdf: {  	_ =	shalt  }
tec
execute0_lowered:
.L_overlay_start_1:
0x0: {  	(tag) =	ssettag $0x1  }
0x1: {  	s3 =	rddreg [dreg:$0x0]  }
0x2: {  	s2 =	rddreg [dreg:$0x1]  }
0x3: {  	s5 =	rddreg [dreg:$0x2]  }
0x4: {  	s0 =	rddreg [dreg:$0x3];
	s4 =	stileid.u32;
	[bflag:$0x3] =	sbarrier.arrive $0xFFFF  }
0x5: {  	s1 =	simm.s32 $_size_execute1_lowered;
	s29 =	srdreg.scid;
	p0 =	sne.s32 s4, $0x0  }
0x6: {  	s1 =	sshll.u32 s1, $0x1;
	s6 =	simm.s32 @!p0 $0x1C3F;
	s7 =	simm.s32 @!p0 $0x4060  }
0x7: {  	[timem:s7], [sflag:s6] =	dma.local @!p0 [hbm:s3], s1  }
0x8: {  	s3 =	sshll.u32 s29, $0x8  }
0x9: {  	s8 =	simm.s32 $0x2;
	s4 =	sshll.u32 s4, $0x9;
	s3 =	sand.u32 $0x100, s3  }
0xa: {  	s13 =	simm.s32 $0x0;
	s9 =	simm.s32 $0x80;
	s3 =	sor.u32 s4, s3  }
0xb: {  	s10 =	simm.s32 $0x0;
	s12 =	simm.s32 $0x0;
	s30 =	ssub.s32 $0x27100, s3  }
.Ltmp0:
0xc: {  	s5 =	sadd.s32 $0x2200, s5;
	s31 =	sand.u32 $0x1F00, s30;
	(pc) =	sbr.rel .LBB2_1-.Ltmp0, $4  }
0xd: {  	s7 =	simm.s32 $0x1;
	_ =	strace $0x8000004A;
	p1 =	sne.s32 s31, $0x0  }
0xe: {  	s4 =	simm.s32 $0x1;
	s6 =	sshrl.u32 s30, $0xD;
	s7 =	simm.s32 @!p1 $0x0  }
0xf: {  	[sflag:s4] =	ssyncpa.u1 $0x0;
	s11 =	smov.u32 s3;
	s6 =	sadd.s32 s7, s6  }
0x10: {  	[sflag:s8] =	ssyncpa.u1 $0x0;
	s8 =	simm.s32 $0x40;
	s7 =	sadd.s32 $0x1, s6  }
.LBB2_4:
0x11: {  	s13 =	sand.u32 $0x1FFFFFF, s13  }
0x12: {  	s16 =	smulhi.u32 $0x1A36E2F, s13;
	_ =	sdelay $0x1  }
0x13: {  	s16 =	sshrl.u32 s16, $0xA  }
0x14: {  	s16 =	smul.u32 $0x27100, s16  }
0x15: {  	[tilespmem:v2+s14+$0x30 ss:$0x1] =	vst.idx.msk $0xffff, v1  }
0x16: {  	[tilespmem:v2+s14+$0x0 ss:$0x1] =	vst.idx.msk $0xffff, v3;
	s13 =	ssub.s32 s13, s16  }
0x17: {  	[tilespmem:v2+s14+$0x10 ss:$0x1] =	vst.idx.msk $0xffff, v4;
	s13 =	sshll.u32 s13, $0x4  }
0x18: {  	[tilespmem:v2+s14+$0x20 ss:$0x1] =	vst.idx.msk $0xffff, v5;
	s13 =	sadd.s32 s5, s13  }
0x19: {  	[hbm4b:s13+s8] =	stream.strided.scatter [tilespmem:s15], [sflag:$0x2], $0x4000, s9, s8, $0x38;
	[tilespmem:$0x10000] =	vst v63  }
.LBB2_5:
0x1a: {  	s15 =	sadd.s32 $0x2000, s11  }
0x1b: {  	p2 =	sgt.s32 s15, $0x270FF  }
0x1c: {  	s15 =	smov.u32 @p2 s3;
	p2 =	sne.s32 s12, s7  }
.Ltmp1:
0x1d: {  	p1 =	slt.u32 s12, $0x2;
	(pc) =	sbr.rel @!p2 .LBB2_6-.Ltmp1, $4  }
0x1e: {  	s14 =	simm.s32 @!p1 $0x2  }
0x1f: {  	s16 =	sadd.s32 $0x1, s12;
	_ =	swait.ge @!p1 [sflag:s14], $0x4000  }
0x20: {  	s13 =	smov.u32 s11;
	s10 =	sadd.s32 $0x4000, s10;
	[sflag:s14] =	ssyncset.done @!p1 $0x0  }
0x21: {  	s12 =	smov.u32 s16;
	s11 =	smov.u32 s15;
	[sflag:s14] =	ssyncadd.s32 @!p1 $0xFFFFC000  }
.LBB2_1:
0x22: {  	p1 =	sge.u32 s12, s6  }
0x23: {  	s14 =	sand.u32 @!p1 $0x1FFFFFF, s11  }
0x24: {  	s15 =	smulhi.u32 @!p1 $0x1A36E2F, s14;
	_ =	sdelay $0x1  }
0x25: {  	s15 =	sshrl.u32 @!p1 s15, $0xA  }
0x26: {  	s15 =	smul.u32 @!p1 $0x27100, s15;
	_ =	sdelay $0x1  }
0x27: {  	s31 =	sadd.s32 $0xFFFFFFFF, s12;
	s16 =	sxor.u32 @!p1 $0xFFFFFFFF, s12;
	s14 =	ssub.s32 @!p1 s14, s15  }
0x28: {  	s17 =	simm.s32 @!p1 $0x80;
	s16 =	sshll.u32 @!p1 s16, $0xE;
	s14 =	sshll.u32 @!p1 s14, $0x4  }
0x29: {  	s15 =	sand.u32 @!p1 $0x4000, s16;
	s16 =	simm.s32 @!p1 $0x40;
	s14 =	sadd.s32 @!p1 s2, s14  }
0x2a: {  	[tilespmem:s15], [sflag:$0x1] =	stream.strided.gather @!p1 [hbm4b:s14+s16], $0x4000, s17, s16, $0x38;
	[tilespmem:$0x10000] =	vst v63  }
0x2b: {  	p1 =	sge.u32 s31, s6  }
.Ltmp2:
0x2c: {  	_ = 	snop;
	(pc) =	sbr.rel @p1 .LBB2_5-.Ltmp2, $1  }
0x2d: {  	_ =	sdelay $0x3  }
0x2e: {  	s15 =	sand.u32 $0x4000, s10  }
0x2f: {  	s14 =	sor.u32 $0x20, s15  }
0x30: {  	v0 =	vmov s14;
	_ =	sdelay $0x1  }
0x31: {  	_ =	swait.ge [sflag:s4], $0x4000  }
0x32: {  	[sflag:s4] =	ssyncset.done $0x0  }
0x33: {  	[sflag:s4] =	ssyncadd.s32 $0xFFFFC000;
	s14 =	simm.s32 $0x0  }
0x34: {  	s17 =	sor.u32 $0x8000, s15;
	v1 =	vld.idx.msk [tilespmem:v0+s14+$0x10 ss:$0x1], $0xffff  }
0x35: {  	s16 =	sshll.u32 s12, $0xE;
	v2 =	vmov s17;
	v3 =	vld.idx.msk [tilespmem:v0+s14+$0xFFFFFFE0 ss:$0x1], $0xffff  }
0x36: {  	s31 =	sand.u32 $0x4000, s16;
	v4 =	vld.idx.msk [tilespmem:v0+s14+$0xFFFFFFF0 ss:$0x1], $0xffff  }
0x37: {  	s16 =	simm.s32 $0x100;
	s15 =	sor.u32 $0x8000, s31;
	v5 =	vld.idx.msk [tilespmem:v0+s14+$0x0 ss:$0x1], $0xffff  }
.LBB2_3:
0x38: {  	p1 =	sne.s32 s16, $0xFF00  }
.Ltmp3:
0x39: {  	s17 =	sshra.s32 s16, $0x2;
	s16 =	sadd.s32 $0x100, s16;
	(pc) =	sbr.rel @p1 .LBB2_3-.Ltmp3, $4  }
0x3a: {  	[tilespmem:v2+s14+$0x30 ss:$0x1] =	vst.idx.msk $0xffff, v1;
	v1 =	vld.idx.msk [tilespmem:v0+s17+$0x10 ss:$0x1], $0xffff  }
0x3b: {  	[tilespmem:v2+s14+$0x0 ss:$0x1] =	vst.idx.msk $0xffff, v3;
	v3 =	vld.idx.msk [tilespmem:v0+s17+$0xFFFFFFE0 ss:$0x1], $0xffff  }
0x3c: {  	[tilespmem:v2+s14+$0x10 ss:$0x1] =	vst.idx.msk $0xffff, v4;
	v4 =	vld.idx.msk [tilespmem:v0+s17+$0xFFFFFFF0 ss:$0x1], $0xffff  }
0x3d: {  	[tilespmem:v2+s14+$0x20 ss:$0x1] =	vst.idx.msk $0xffff, v5;
	v5 =	vld.idx.msk [tilespmem:v0+s17+$0x0 ss:$0x1], $0xffff;
	s14 =	smov.u32 s17  }
.Ltmp4:
0x3e: {  	_ = 	snop;
	(pc) =	sbr.rel .LBB2_4-.Ltmp4, $1  }
0x3f: {  	_ =	sdelay $0x3  }
.LBB2_6:
0x40: {  	_ =	sfence.sel $0x180000  }
0x41: {  	s2 =	simm.s32 $0x1;
	[bflag:$0x0] =	sbarrier.arrive $0xFFFF  }
0x42: {  	s31 =	simm.s32 $0x2;
	[sflag:s2] =	ssyncpa.u1 $0x1  }
0x43: {  	[sflag:s31] =	ssyncpa.u1 $0x1  }
0x44: {  	_ =	strace $0x9000004A  }
0x45: {  	s0 =	sadd.s32 @!p0 $0x100000, s0;
	[bflag:$0x2] =	sbarrier.arrive $0xFFFF  }
0x46: {  	[sflag:s0] =	ssyncadd.tile.s32 @!p0 $0x1;
	s0 =	simm.s32 @!p0 $0x3F  }
0x47: {  	_ =	swait.ge @!p0 [sflag:s0], s1  }
0x48: {  	s1 =	ssub.s32 @!p0 $0x0, s1;
	[sflag:s0] =	ssyncset.done @!p0 $0x0  }
0x49: {  	[sflag:s0] =	ssyncadd.s32 @!p0 s1  }
0x4a: {  	[bflag:$0x3] =	sbarrier.arrive $0xFFFF  }
0x4b: {  	_ =	shalt  }
.Lfunc_end2:
execute1_lowered:
.L_overlay_start_2:
0x4c: {  	(tag) =	ssettag $0x2  }
0x4d: {  	s2 =	rddreg [dreg:$0x0]  }
0x4e: {  	s4 =	rddreg [dreg:$0x1];
	_ =	strace $0x8000004D;
	s0 =	simm.s32 $0x1  }
0x4f: {  	s3 =	simm.s32 $0x88;
	v0 =	vimm.s32 $0x0;
	[sflag:s0] =	ssyncpa.u1 $0x0  }
0x50: {  	s1 =	sadd.s32 $0x2200, s2;
	[tilespmem:s3+$0x30] =	vst v0  }
0x51: {  	s0 =	sadd.s32 $0xC37200, s2;
	s6 =	sadd.s32 $0xC4AE00, s2;
	[tilespmem:s3+$0x20] =	vst v0  }
0x52: {  	s2 =	sadd.s32 $0xC41000, s2;
	s7 =	sand.u32 $0x1, s4;
	s4 =	simm.s32 $0x40;
	[tilespmem:s3+$0x10] =	vst v0  }
.LBB3_1:
0x53: {  	s4 =	sadd.s32 $0x40, s4  }
0x54: {  	[tilespmem:s3+$0x0] =	vst v0;
	s3 =	sadd.s32 $0x40, s3;
	p0 =	slt.u32 s4, $0x5040  }
.Ltmp5:
0x55: {  	(pc) =	sbr.rel @p0 .LBB3_1-.Ltmp5, $4  }
0x56: {  	_ = 	snop  }
0x57: {  	[tilespmem:s3+$0x30] =	vst v0  }
0x58: {  	[tilespmem:s3+$0x20] =	vst v0  }
0x59: {  	[tilespmem:s3+$0x10] =	vst v0  }
0x5a: {  	s8 =	stileid.u32  }
0x5b: {  	s4 =	smul.u32 $0x1F, s8  }
0x5c: {  	s5 =	smin.u32 s8, $0x4  }
0x5d: {  	s4 =	sadd.s32 s5, s4  }
0x5e: {  	p0 =	slt.u32 s8, $0x4;
	s12 =	smul.u32 $0x140, s4;
	s4 =	simm.s32 $0x2800  }
0x5f: {  	s4 =	simm.s32 @!p0 $0x26C0  }
0x60: {  	s25 =	simm.s32 $0x2;
	s4 =	sadd.s32 s4, s12  }
0x61: {  	s28 =	simm.s32 $0x9;
	s9 =	simm.s32 $0xA;
	s14 =	smin.u32 s4, $0x27100  }
0x62: {  	s30 =	simm.s32 $0xB;
	[dreg:$0x4] =	wrdreg s7;
	s4 =	ssub.s32 s14, s12  }
0x63: {  	s31 =	smul.u32 $0x4E20, s7;
	s13 =	simm.s32 $0x1;
	p0 =	sgt.s32 s4, $0x0  }
0x64: {  	s19 =	simm.s32 $0x0;
	s20 =	simm.s32 $0xA808;
	s4 =	simm.s32 @!p0 $0x0  }
0x65: {  	s21 =	simm.s32 $0xFFFFFFFF;
	p1 =	por $0x0, $0x0;
	s26 =	smulhi.u32 $0x66666667, s4  }
0x66: {  	[tilespmem:s3+$0x0] =	vst v0;
	s23 =	simm.s32 $0x0;
	[sflag:s25] =	ssyncpa.u1 $0x0;
	s18 =	sshll.u32 s8, $0x7  }
0x67: {  	s0 =	sadd.s32 s31, s0;
	[dreg:$0xa] =	wrdreg s18;
	s3 =	sshrl.u32 s26, $0x7  }
0x68: {  	v0 =	vimm.s32 $0xFFFFFFFF;
	s17 =	sadd.s32 s31, s2;
	[dreg:$0x9] =	wrdreg s0;
	s29 =	smul.u32 $0x140, s3  }
0x69: {  	s25 =	simm.s32 $0x0;
	[tilespmem:$0xA108] =	vst v0;
	[sflag:s28] =	ssyncpa.u1 $0x0;
	[dreg:$0x8] =	wrdreg s17  }
.Ltmp6:
0x6a: {  	p0 =	sne.s32 s4, s29;
	s4 =	simm.s32 $0x1;
	(pc) =	sbr.rel .LBB3_3-.Ltmp6, $4  }
0x6b: {  	[sflag:s9] =	ssyncpa.u1 $0x0;
	[dreg:$0x5] =	wrdreg s12;
	s4 =	simm.s32 @!p0 $0x0  }
0x6c: {  	[sflag:s30] =	ssyncpa.u1 $0x0;
	[dreg:$0x6] =	wrdreg s14;
	s15 =	sadd.s32 s4, s3  }
0x6d: {  	s24 =	smov.u32 s12;
	s22 =	sadd.s32 $0x1, s15;
	[dreg:$0x7] =	wrdreg s15  }
0x6e: {  	v0 =	vlaneseq.u32;
	s26 =	simm.s32 $0x0;
	p0 =	por $0x1, $0x1;
	[dreg:$0xb] =	wrdreg s22  }
.LBB3_22:
0x6f: {  	s0 =	sshrl.u32 s3, $0x2  }
.LBB3_24:
0x70: {  	s3 =	simm.s32 $0xC  }
0x71: {  	_ =	swait.ge [sflag:s3], s0  }
0x72: {  	s31 =	ssub.s32 $0x0, s0;
	v1 =	vmov s4;
	vm0 =	veq.s32 v0, $0x0;
	[sflag:s3] =	ssyncset.done $0x0  }
0x73: {  	vm15 =	veq.s32 v0, $0x2;
	v1 =	vsel vm0, s2, v1;
	[sflag:s3] =	ssyncadd.s32 s31  }
0x74: {  	v1 =	vsel vm15, s26, v1;
	[sflag:s3] =	ssyncpa.u1 $0x1  }
0x75: {  	[tilespmem:$0xA108] =	vst v1  }
.LBB3_25:
0x76: {  	s0 =	sadd.s32 $0x140, s24  }
0x77: {  	s2 =	smov.u32 s12;
	p2 =	slt.s32 s0, s14  }
0x78: {  	s2 =	smov.u32 @p2 s0;
	p2 =	sne.s32 s25, s22  }
.Ltmp7:
0x79: {  	_ = 	snop;
	(pc) =	sbr.rel @!p2 .LBB3_26-.Ltmp7, $4  }
0x7a: {  	_ = 	snop  }
0x7b: {  	s26 =	smov.u32 s23;
	s31 =	sadd.s32 $0x1, s25;
	p0 =	por !p0, !p0  }
0x7c: {  	s23 =	smov.u32 s24;
	s20 =	sadd.s32 $0x140, s20;
	s21 =	sadd.s32 $0x1, s21  }
0x7d: {  	p1 =	por !p1, !p1;
	s25 =	smov.u32 s31;
	s24 =	smov.u32 s2  }
.LBB3_3:
0x7e: {  	p2 =	sge.u32 s25, s15  }
0x7f: {  	s0 =	smulhi.u32 @!p2 $0xAAAAAAAB, s25  }
0x80: {  	s2 =	smov.u32 s24;
	p3 =	sgt.s32 @!p2 s24, $0x26FC0  }
0x81: {  	s3 =	sshra.s32 @!p2 s24, $0x1F;
	p3 =	por !p3, p2;
	s0 =	sshrl.u32 @!p2 s0, $0x1  }
0x82: {  	s3 =	sand.u32 @!p2 s3, s24;
	s2 =	simm.s32 @p3 $0x26FC0;
	s0 =	smul.u32 @!p2 $0x3, s0  }
0x83: {  	s2 =	ssub.s32 @!p2 s2, s3  }
0x84: {  	s2 =	sadd.s32 @!p2 $0xFFFD9040, s2;
	s0 =	ssub.s32 @!p2 s25, s0  }
0x85: {  	s3 =	sshll.u32 @!p2 s2, $0x2;
	p3 =	sgt.s32 @!p2 s2, $0x13F;
	s0 =	smul.u32 @!p2 $0x500, s0  }
0x86: {  	s4 =	sand.u32 @!p2 $0x7, s24;
	s2 =	ssub.s32 @!p2 $0x500, s3;
	p3 =	por !p3, p2  }
0x87: {  	s3 =	sshrl.u32 @!p2 s24, $0x3;
	s2 =	sshrl.u32 @!p2 s2, $0x2;
	s0 =	sshrl.u32 @!p2 s0, $0x2  }
0x88: {  	s3 =	sadd.s32 @!p2 s3, s17;
	s2 =	simm.s32 @!p3 $0x0;
	s0 =	sadd.s32 @!p2 $0xA948, s0  }
0x89: {  	[tilespmem:s0], [sflag:$0xA] =	stream.linear.gather @!p2 [hbm4b:s3+s4], s2, $0x38;
	[tilespmem:$0x1EF88] =	vst v63  }
0x8a: {  	s0 =	sadd.s32 $0xFFFFFFFF, s25  }
0x8b: {  	p2 =	sge.u32 s0, s15  }
.Ltmp8:
0x8c: {  	_ = 	snop;
	(pc) =	sbr.rel @p2 .LBB3_7-.Ltmp8, $1  }
0x8d: {  	_ =	sdelay $0x3  }
0x8e: {  	p2 =	sgt.s32 s23, $0x26FC0;
	s2 =	smov.u32 s23;
	s3 =	sshra.s32 s23, $0x1F  }
0x8f: {  	s2 =	simm.s32 @!p2 $0x26FC0;
	s3 =	sand.u32 s3, s23  }
0x90: {  	s17 =	smulhi.u32 $0xAAAAAAAB, s21;
	s2 =	ssub.s32 s2, s3  }
0x91: {  	s0 =	sand.u32 $0x1, s0;
	s2 =	sadd.s32 $0xFFFD9040, s2  }
0x92: {  	s5 =	simm.s32 $0xA;
	s3 =	sshrl.u32 s17, $0x1;
	s4 =	sshll.u32 s2, $0x2  }
0x93: {  	s7 =	sshrl.u32 s23, $0x3;
	s3 =	smul.u32 $0xFFFFF100, s3;
	s4 =	ssub.s32 $0x500, s4  }
0x94: {  	s18 =	smul.u32 $0x500, s0;
	p2 =	sgt.s32 s2, $0x13F;
	s2 =	sshrl.u32 s4, $0x2  }
0x95: {  	s9 =	sand.u32 $0x7, s23;
	s3 =	sshra.s32 s3, $0x2;
	s2 =	simm.s32 @p2 $0x0  }
0x96: {  	s0 =	sadd.s32 s3, s20;
	s4 =	sshrl.u32 s18, $0x2;
	_ =	swait.ge [sflag:s5], s2  }
0x97: {  	s22 =	ssub.s32 $0x0, s2;
	[sflag:s5] =	ssyncset.done $0x0;
	s8 =	rddreg [dreg:$0x9]  }
0x98: {  	s4 =	sadd.s32 $0xAD08, s4;
	[sflag:s5] =	ssyncadd.s32 s22;
	s3 =	sadd.s32 s7, s8  }
0x99: {  	[tilespmem:s4], [sflag:$0xB] =	stream.linear.gather [hbm4b:s3+s9], s2, $0x38;
	[tilespmem:$0x1EF88] =	vst v63  }
0x9a: {  	v1 =	vld.msk [tilespmem:s0+$0x0], $0xffff;
	_ =	sdelay $0x4  }
0x9b: {  	v1 =	vshll.u32 v1, $0x4  }
0x9c: {  	(v2sf) =	vpush v1, $0x0  }
0x9d: {  	(v2sf) =	vpush v1, $0x1  }
0x9e: {  	(v2sf) =	vpush v1, $0x2;
	_ =	sdelay $0x3  }
0x9f: {  	(v2sf) =	vpush v1, $0x3;
	_ =	sdelay $0x1  }
0xa0: {  	(v2sf) =	vpush v1, $0x4  }
0xa1: {  	s2 =	simm.s32 $0x1;
	(v2sf) =	vpush v1, $0x5  }
0xa2: {  	s2 =	simm.s32 @!p0 $0x0  }
0xa3: {  	s2 =	smul.u32 $0x28000, s2;
	(v2sf) =	vpush v1, $0x6;
	_ =	sdelay $0x1  }
0xa4: {  	s2 =	sshrl.u32 s2, $0x2  }
0xa5: {  	s28 =	sadd.s32 $0xB708, s2  }
0xa6: {  	s12 =	sadd.s32 $0xFFFFF880, s28;
	s17 =	sadd.s32 $0xFFFFF900, s28;
	s10 =	spop (v2sf);
	(v2sf) =	vpush v1, $0x7  }
0xa7: {  	s18 =	sadd.s32 $0xFFFFF980, s28;
	s11 =	sand.u32 $0x1FFFFFF0, s10;
	s14 =	spop (v2sf)  }
0xa8: {  	(v2sf) =	vpush v1, $0x8;
	s2 =	sadd.s32 s6, s11;
	s15 =	sand.u32 $0x1FFFFFF0, s14;
	s16 =	spop (v2sf)  }
0xa9: {  	[tilespmem:s12], [sflag:$0x9] =	stream.linear.gather [hbm4b:s2+s19], $0x40, $0x38;
	[tilespmem:$0x1EF88] =	vst v63  }
0xaa: {  	s5 =	sadd.s32 $0xFFFFFA00, s28;
	s2 =	sadd.s32 s6, s15;
	s3 =	sand.u32 $0x1FFFFFF0, s16  }
0xab: {  	(v2sf) =	vpush v1, $0x9;
	[tilespmem:s17], [sflag:$0x9] =	stream.linear.gather [hbm4b:s2+s19], $0x40, $0x38;
	[tilespmem:$0x1EF88] =	vst v63  }
0xac: {  	s7 =	sadd.s32 $0xFFFFFA80, s28;
	s22 =	spop (v2sf);
	s3 =	sadd.s32 s6, s3  }
0xad: {  	(v2sf) =	vpush v1, $0xA;
	[tilespmem:s18], [sflag:$0x9] =	stream.linear.gather [hbm4b:s3+s19], $0x40, $0x38;
	[tilespmem:$0x1EF88] =	vst v63  }
0xae: {  	s11 =	sadd.s32 $0xFFFFFB00, s28;
	s4 =	spop (v2sf);
	(v2sf) =	vpush v1, $0xB;
	s3 =	sand.u32 $0x1FFFFFF0, s22  }
0xaf: {  	s8 =	spop (v2sf);
	s2 =	sadd.s32 s6, s3;
	s3 =	sand.u32 $0x1FFFFFF0, s4  }
0xb0: {  	(v2sf) =	vpush v1, $0xC;
	[tilespmem:s5], [sflag:$0x9] =	stream.linear.gather [hbm4b:s2+s19], $0x40, $0x38;
	[tilespmem:$0x1EF88] =	vst v63  }
0xb1: {  	s9 =	sand.u32 $0x1FFFFFF0, s8;
	s10 =	spop (v2sf);
	s3 =	sadd.s32 s6, s3  }
0xb2: {  	(v2sf) =	vpush v1, $0xD;
	[tilespmem:s7], [sflag:$0x9] =	stream.linear.gather [hbm4b:s3+s19], $0x40, $0x38;
	[tilespmem:$0x1EF88] =	vst v63  }
0xb3: {  	s12 =	sadd.s32 $0xFFFFFB80, s28;
	s2 =	sadd.s32 s6, s9;
	s3 =	sand.u32 $0x1FFFFFF0, s10  }
0xb4: {  	[tilespmem:s11], [sflag:$0x9] =	stream.linear.gather [hbm4b:s2+s19], $0x40, $0x38;
	[tilespmem:$0x1EF88] =	vst v63  }
0xb5: {  	s17 =	sadd.s32 $0xFFFFFC00, s28;
	s3 =	sadd.s32 s6, s3;
	s14 =	spop (v2sf)  }
0xb6: {  	[tilespmem:s12], [sflag:$0x9] =	stream.linear.gather [hbm4b:s3+s19], $0x40, $0x38;
	(v2sf) =	vpush v1, $0xE;
	[tilespmem:$0x1EF88] =	vst v63  }
0xb7: {  	s18 =	sadd.s32 $0xFFFFFC80, s28;
	s15 =	sand.u32 $0x1FFFFFF0, s14;
	s16 =	spop (v2sf)  }
0xb8: {  	s5 =	sadd.s32 $0xFFFFFD00, s28;
	(v2sf) =	vpush v1, $0xF;
	s2 =	sadd.s32 s6, s15;
	s3 =	sand.u32 $0x1FFFFFF0, s16  }
0xb9: {  	[tilespmem:s17], [sflag:$0x9] =	stream.linear.gather [hbm4b:s2+s19], $0x40, $0x38;
	[tilespmem:$0x1EF88] =	vst v63  }
0xba: {  	s7 =	sadd.s32 $0xFFFFFD80, s28;
	s22 =	spop (v2sf);
	s3 =	sadd.s32 s6, s3  }
0xbb: {  	[tilespmem:s18], [sflag:$0x9] =	stream.linear.gather [hbm4b:s3+s19], $0x40, $0x38;
	[tilespmem:$0x1EF88] =	vst v63  }
0xbc: {  	s11 =	sadd.s32 $0xFFFFFE00, s28;
	s4 =	spop (v2sf);
	s3 =	sand.u32 $0x1FFFFFF0, s22  }
0xbd: {  	s8 =	spop (v2sf);
	s2 =	sadd.s32 s6, s3;
	s3 =	sand.u32 $0x1FFFFFF0, s4  }
0xbe: {  	[tilespmem:s5], [sflag:$0x9] =	stream.linear.gather [hbm4b:s2+s19], $0x40, $0x38;
	[tilespmem:$0x1EF88] =	vst v63  }
0xbf: {  	s9 =	sand.u32 $0x1FFFFFF0, s8;
	s10 =	spop (v2sf);
	s3 =	sadd.s32 s6, s3  }
0xc0: {  	[tilespmem:s7], [sflag:$0x9] =	stream.linear.gather [hbm4b:s3+s19], $0x40, $0x38;
	[tilespmem:$0x1EF88] =	vst v63  }
0xc1: {  	s14 =	spop (v2sf);
	s2 =	sadd.s32 s6, s9;
	s3 =	sand.u32 $0x1FFFFFF0, s10  }
0xc2: {  	[tilespmem:s11], [sflag:$0x9] =	stream.linear.gather [hbm4b:s2+s19], $0x40, $0x38;
	[tilespmem:$0x1EF88] =	vst v63  }
0xc3: {  	s12 =	sadd.s32 $0xFFFFFE80, s28;
	s15 =	sand.u32 $0x1FFFFFF0, s14;
	s3 =	sadd.s32 s6, s3  }
0xc4: {  	[tilespmem:s12], [sflag:$0x9] =	stream.linear.gather [hbm4b:s3+s19], $0x40, $0x38;
	[tilespmem:$0x1EF88] =	vst v63  }
0xc5: {  	s17 =	sadd.s32 $0xFFFFFF00, s28;
	s2 =	sadd.s32 s6, s15;
	s16 =	spop (v2sf)  }
0xc6: {  	[tilespmem:s17], [sflag:$0x9] =	stream.linear.gather [hbm4b:s2+s19], $0x40, $0x38;
	[tilespmem:$0x1EF88] =	vst v63  }
0xc7: {  	s29 =	simm.s32 $0x0;
	s3 =	sand.u32 $0x1FFFFFF0, s16;
	s18 =	spop (v2sf)  }
0xc8: {  	s22 =	sadd.s32 $0xFFFFFF80, s28;
	s3 =	sadd.s32 s6, s3;
	s2 =	sand.u32 $0x1FFFFFF0, s18  }
0xc9: {  	[tilespmem:s22], [sflag:$0x9] =	stream.linear.gather [hbm4b:s3+s19], $0x40, $0x38;
	[tilespmem:$0x1EF88] =	vst v63  }
0xca: {  	s31 =	sadd.s32 $0x10, s0;
	s30 =	sadd.s32 $0x800, s28;
	s2 =	sadd.s32 s6, s2  }
.LBB3_5:
0xcb: {  	[tilespmem:s28], [sflag:$0x9] =	stream.linear.gather [hbm4b:s2+s19], $0x40, $0x38;
	[tilespmem:$0x1EF88] =	vst v63  }
0xcc: {  	s29 =	sadd.s32 $0x10, s29;
	s28 =	smov.u32 s30  }
0xcd: {  	p2 =	slt.u32 s29, $0x130;
	v1 =	vld.msk [tilespmem:s31+$0x0], $0xffff;
	_ =	sdelay $0x4  }
0xce: {  	v1 =	vshll.u32 v1, $0x4  }
0xcf: {  	(v2sf) =	vpush v1, $0x0  }
0xd0: {  	(v2sf) =	vpush v1, $0x1  }
0xd1: {  	(v2sf) =	vpush v1, $0x2;
	_ =	sdelay $0x1  }
0xd2: {  	(v2sf) =	vpush v1, $0x3;
	_ =	sdelay $0x1  }
0xd3: {  	(v2sf) =	vpush v1, $0x4;
	_ =	sdelay $0x1  }
0xd4: {  	(v2sf) =	vpush v1, $0x5;
	_ =	sdelay $0x1  }
0xd5: {  	(v2sf) =	vpush v1, $0x6  }
0xd6: {  	s4 =	sadd.s32 $0xFFFFFE80, s30;
	s0 =	sadd.s32 $0xFFFFFF00, s30  }
0xd7: {  	s3 =	sadd.s32 $0xFFFFFD00, s30;
	s2 =	sadd.s32 $0xFFFFFD80, s30;
	s5 =	sadd.s32 $0xFFFFFE00, s30;
	(v2sf) =	vpush v1, $0x7  }
0xd8: {  	s10 =	sadd.s32 $0xFFFFFB80, s30;
	s9 =	sadd.s32 $0xFFFFFC00, s30;
	s16 =	sadd.s32 $0xFFFFFC80, s30  }
0xd9: {  	s11 =	sadd.s32 $0xFFFFFA00, s30;
	s12 =	sadd.s32 $0xFFFFFA80, s30;
	s15 =	sadd.s32 $0xFFFFFB00, s30;
	(v2sf) =	vpush v1, $0x8  }
0xda: {  	s18 =	sadd.s32 $0xFFFFF900, s30;
	s7 =	sadd.s32 $0xFFFFF980, s30;
	s22 =	spop (v2sf)  }
0xdb: {  	s8 =	sadd.s32 $0xFFFFF880, s30;
	s22 =	sand.u32 $0x1FFFFFF0, s22;
	s14 =	spop (v2sf);
	(v2sf) =	vpush v1, $0x9  }
0xdc: {  	s22 =	sadd.s32 s6, s22;
	s14 =	sand.u32 $0x1FFFFFF0, s14;
	s17 =	spop (v2sf)  }
0xdd: {  	[tilespmem:s8], [sflag:$0x9] =	stream.linear.gather [hbm4b:s22+s19], $0x40, $0x38;
	(v2sf) =	vpush v1, $0xA;
	[tilespmem:$0x1EF88] =	vst v63  }
0xde: {  	s8 =	sadd.s32 s6, s14;
	s14 =	sand.u32 $0x1FFFFFF0, s17;
	s17 =	spop (v2sf)  }
0xdf: {  	[tilespmem:s18], [sflag:$0x9] =	stream.linear.gather [hbm4b:s8+s19], $0x40, $0x38;
	(v2sf) =	vpush v1, $0xB;
	[tilespmem:$0x1EF88] =	vst v63  }
0xe0: {  	s8 =	sadd.s32 s6, s14;
	s14 =	sand.u32 $0x1FFFFFF0, s17;
	s17 =	spop (v2sf)  }
0xe1: {  	[tilespmem:s7], [sflag:$0x9] =	stream.linear.gather [hbm4b:s8+s19], $0x40, $0x38;
	(v2sf) =	vpush v1, $0xC;
	[tilespmem:$0x1EF88] =	vst v63  }
0xe2: {  	s7 =	sadd.s32 s6, s14;
	s8 =	sand.u32 $0x1FFFFFF0, s17;
	s14 =	spop (v2sf)  }
0xe3: {  	[tilespmem:s11], [sflag:$0x9] =	stream.linear.gather [hbm4b:s7+s19], $0x40, $0x38;
	(v2sf) =	vpush v1, $0xD;
	[tilespmem:$0x1EF88] =	vst v63  }
0xe4: {  	s7 =	sadd.s32 s6, s8;
	s8 =	sand.u32 $0x1FFFFFF0, s14;
	s11 =	spop (v2sf)  }
0xe5: {  	[tilespmem:s12], [sflag:$0x9] =	stream.linear.gather [hbm4b:s7+s19], $0x40, $0x38;
	(v2sf) =	vpush v1, $0xE;
	[tilespmem:$0x1EF88] =	vst v63  }
0xe6: {  	s7 =	sadd.s32 s6, s8;
	s8 =	sand.u32 $0x1FFFFFF0, s11;
	s11 =	spop (v2sf)  }
0xe7: {  	[tilespmem:s15], [sflag:$0x9] =	stream.linear.gather [hbm4b:s7+s19], $0x40, $0x38;
	(v2sf) =	vpush v1, $0xF;
	[tilespmem:$0x1EF88] =	vst v63  }
0xe8: {  	s7 =	sadd.s32 s6, s8;
	s8 =	sand.u32 $0x1FFFFFF0, s11;
	s11 =	spop (v2sf)  }
0xe9: {  	[tilespmem:s10], [sflag:$0x9] =	stream.linear.gather [hbm4b:s7+s19], $0x40, $0x38;
	[tilespmem:$0x1EF88] =	vst v63  }
0xea: {  	s7 =	sadd.s32 s6, s8;
	s8 =	sand.u32 $0x1FFFFFF0, s11;
	s10 =	spop (v2sf)  }
0xeb: {  	[tilespmem:s9], [sflag:$0x9] =	stream.linear.gather [hbm4b:s7+s19], $0x40, $0x38;
	[tilespmem:$0x1EF88] =	vst v63  }
0xec: {  	s7 =	sadd.s32 s6, s8;
	s8 =	sand.u32 $0x1FFFFFF0, s10;
	s9 =	spop (v2sf)  }
0xed: {  	[tilespmem:s16], [sflag:$0x9] =	stream.linear.gather [hbm4b:s7+s19], $0x40, $0x38;
	[tilespmem:$0x1EF88] =	vst v63  }
0xee: {  	s7 =	sadd.s32 s6, s8;
	s8 =	sand.u32 $0x1FFFFFF0, s9;
	s9 =	spop (v2sf)  }
0xef: {  	[tilespmem:s3], [sflag:$0x9] =	stream.linear.gather [hbm4b:s7+s19], $0x40, $0x38;
	[tilespmem:$0x1EF88] =	vst v63  }
0xf0: {  	s3 =	sadd.s32 s6, s8;
	s7 =	sand.u32 $0x1FFFFFF0, s9;
	s8 =	spop (v2sf)  }
0xf1: {  	[tilespmem:s2], [sflag:$0x9] =	stream.linear.gather [hbm4b:s3+s19], $0x40, $0x38;
	[tilespmem:$0x1EF88] =	vst v63  }
0xf2: {  	s2 =	sadd.s32 s6, s7;
	s3 =	sand.u32 $0x1FFFFFF0, s8;
	s7 =	spop (v2sf)  }
0xf3: {  	[tilespmem:s5], [sflag:$0x9] =	stream.linear.gather [hbm4b:s2+s19], $0x40, $0x38;
	[tilespmem:$0x1EF88] =	vst v63  }
0xf4: {  	s2 =	sadd.s32 s6, s3;
	s3 =	sand.u32 $0x1FFFFFF0, s7;
	s5 =	spop (v2sf)  }
0xf5: {  	[tilespmem:s4], [sflag:$0x9] =	stream.linear.gather [hbm4b:s2+s19], $0x40, $0x38;
	[tilespmem:$0x1EF88] =	vst v63  }
0xf6: {  	s2 =	sadd.s32 s6, s3  }
.Ltmp9:
0xf7: {  	s3 =	sand.u32 $0x1FFFFFF0, s5;
	s4 =	spop (v2sf);
	(pc) =	sbr.rel @p2 .LBB3_5-.Ltmp9, $4  }
0xf8: {  	[tilespmem:s0], [sflag:$0x9] =	stream.linear.gather [hbm4b:s2+s19], $0x40, $0x38;
	[tilespmem:$0x1EF88] =	vst v63  }
0xf9: {  	s0 =	sadd.s32 s6, s3;
	s2 =	sadd.s32 $0xFFFFFF80, s30;
	s3 =	sand.u32 $0x1FFFFFF0, s4  }
0xfa: {  	[tilespmem:s2], [sflag:$0x9] =	stream.linear.gather [hbm4b:s0+s19], $0x40, $0x38;
	[tilespmem:$0x1EF88] =	vst v63  }
0xfb: {  	s31 =	sadd.s32 $0x10, s31;
	s30 =	sadd.s32 $0x800, s30;
	s2 =	sadd.s32 s6, s3  }
0xfc: {  	[tilespmem:s28], [sflag:$0x9] =	stream.linear.gather [hbm4b:s2+s19], $0x40, $0x38;
	[tilespmem:$0x1EF88] =	vst v63  }
0xfd: {  	s12 =	rddreg [dreg:$0x5]  }
0xfe: {  	s14 =	rddreg [dreg:$0x6]  }
0xff: {  	s15 =	rddreg [dreg:$0x7]  }
0x100: {  	s17 =	rddreg [dreg:$0x8]  }
0x101: {  	s18 =	rddreg [dreg:$0xa]  }
0x102: {  	s22 =	rddreg [dreg:$0xb]  }
.LBB3_7:
0x103: {  	p2 =	slt.u32 s25, $0x2  }
.Ltmp10:
0x104: {  	_ = 	snop;
	(pc) =	sbr.rel @p2 .LBB3_25-.Ltmp10, $1  }
0x105: {  	_ =	sdelay $0x3  }
0x106: {  	p2 =	sgt.s32 s26, $0x26FC0;
	s0 =	smov.u32 s26;
	s2 =	sshra.s32 s26, $0x1F  }
0x107: {  	s0 =	simm.s32 @!p2 $0x26FC0;
	s2 =	sand.u32 s2, s26  }
0x108: {  	s0 =	ssub.s32 s0, s2  }
0x109: {  	s0 =	sadd.s32 $0xFFFD9040, s0  }
0x10a: {  	s3 =	simm.s32 $0x9;
	s29 =	sshll.u32 s0, $0x2  }
0x10b: {  	_ =	swait.ge [sflag:s3], $0x5000;
	s2 =	ssub.s32 $0x500, s29  }
0x10c: {  	[sflag:s3] =	ssyncset.done $0x0;
	p2 =	sgt.s32 s0, $0x13F;
	s0 =	sshrl.u32 s2, $0x2  }
0x10d: {  	s30 =	simm.s32 $0xB;
	[sflag:s3] =	ssyncadd.s32 $0xFFFFB000;
	s0 =	simm.s32 @p2 $0x0  }
0x10e: {  	_ =	swait.ge [sflag:s30], s0  }
0x10f: {  	s0 =	ssub.s32 $0x0, s0;
	[sflag:s30] =	ssyncset.done $0x0  }
0x110: {  	[sflag:s30] =	ssyncadd.s32 s0  }
0x111: {  	v1 =	vld [tilespmem:$0xA108];
	_ =	sdelay $0x4  }
0x112: {  	(v2sf) =	vpush v1, $0x0  }
0x113: {  	(v2sf) =	vpush v1, $0x1  }
0x114: {  	(v2sf) =	vpush v1, $0x2;
	_ =	sdelay $0x3  }
0x115: {  	s0 =	sadd.s32 $0x140, s26  }
0x116: {  	s4 =	ssub.s32 $0x4E200, s26;
	p2 =	slt.s32 s14, s0  }
0x117: {  	s0 =	smov.u32 @p2 s14;
	p2 =	sgt.s32 s4, $0x0  }
0x118: {  	s0 =	ssub.s32 s0, s26;
	s4 =	simm.s32 @!p2 $0x0  }
0x119: {  	p2 =	slt.s32 s4, s0  }
0x11a: {  	s0 =	smov.u32 @p2 s4  }
0x11b: {  	s2 =	simm.s32 $0x1;
	p2 =	slt.s32 s0, $0x1  }
.Ltmp11:
0x11c: {  	s2 =	simm.s32 @!p1 $0x0;
	(pc) =	sbr.rel @p2 .LBB3_12-.Ltmp11, $4  }
0x11d: {  	s7 =	smul.u32 $0x500, s2  }
0x11e: {  	s3 =	spop (v2sf)  }
0x11f: {  	s31 =	sshrl.u32 s7, $0x2;
	s5 =	spop (v2sf)  }
0x120: {  	s28 =	sadd.s32 $0xAD08, s31;
	s26 =	spop (v2sf)  }
0x121: {  	s4 =	smin.u32 s0, $0x10  }
0x122: {  	v1 =	vmov s4  }
0x123: {  	p3 =	sgt.s32 s0, $0x10;
	vm1 =	vgt.u32 v1, v0  }
.Ltmp12:
0x124: {  	_ = 	snop;
	(pc) =	sbr.rel @!p3 .LBB3_11-.Ltmp12, $2  }
0x125: {  	_ =	sdelay $0x2  }
0x126: {  	s9 =	simm.s32 $0x10;
	s10 =	sadd.s32 $0xFFFFFFF0, s0;
	s4 =	smov.u32 s28;
	vm0 =	vmmov vm1  }
.LBB3_10:
0x127: {  	s7 =	smin.u32 s10, $0x10;
	s9 =	sadd.s32 $0x10, s9;
	v1 =	vld.msk [tilespmem:s4+$0x0 ss:$0x1], vm1  }
0x128: {  	v2 =	vmov s7;
	p3 =	slt.s32 s9, s0  }
0x129: {  	vm1 =	vgt.u32 v2, v0  }
.Ltmp13:
0x12a: {  	(pc) =	sbr.rel @p3 .LBB3_10-.Ltmp13, $3  }
0x12b: {  	_ =	sdelay $0x1  }
0x12c: {  	v1 =	vshll.u32 v1, $0x4  }
0x12d: {  	s10 =	sadd.s32 $0xFFFFFFF0, s10;
	[tilespmem:s4+$0x0] =	vst.msk vm0, v1;
	s4 =	sadd.s32 $0x10, s4;
	vm0 =	vmmov vm1  }
.LBB3_11:
0x12e: {  	_ =	sdelay $0x4  }
0x12f: {  	v1 =	vld.msk [tilespmem:s4+$0x0 ss:$0x1], vm1;
	_ =	sdelay $0x4  }
0x130: {  	v1 =	vshll.u32 v1, $0x4  }
0x131: {  	[tilespmem:s4+$0x0] =	vst.msk vm0, v1  }
.LBB3_12:
0x132: {  	s4 =	sand.u32 $0x1, s25  }
0x133: {  	s4 =	smul.u32 $0x140, s4  }
0x134: {  	p3 =	sne.s32 s5, $0xFFFFFFFF  }
0x135: {  	v1 =	vld.msk @!p3 [tilespmem:s4+$0xAD08], $0x1;
	_ =	sdelay $0x4  }
0x136: {  	(v2sf) =	vpush @!p3 v1, $0x0;
	_ =	sdelay $0xc  }
.Ltmp14:
0x137: {  	_ = 	snop;
	(pc) =	sbr.rel @p2 .LBB3_23-.Ltmp14, $4  }
0x138: {  	_ = 	snop  }
0x139: {  	s29 =	spop @!p3 (v2sf)  }
0x13a: {  	s31 =	simm.s32 $0xC;
	s26 =	simm.s32 @!p3 $0x0;
	s4 =	smov.u32 s29  }
0x13b: {  	[sflag:s31] =	ssyncpa.u1 $0x0;
	s29 =	smov.u32 @p3 s3;
	s4 =	smov.u32 @p3 s5  }
0x13c: {  	v1 =	vld.msk [tilespmem:s28+$0x0], $0x1;
	_ =	sdelay $0x4  }
0x13d: {  	(v2sf) =	vpush v1, $0x0;
	_ =	sdelay $0xe  }
0x13e: {  	s2 =	smul.u32 $0x28000, s2;
	s5 =	spop (v2sf)  }
0x13f: {  	s31 =	ssub.s32 $0x0, s0;
	p2 =	seq.s32 s29, s5  }
0x140: {  	s3 =	smov.u32 s29;
	s2 =	sshrl.u32 s2, $0x2;
	p3 =	sgt.s32 @!p2 s29, $0x0  }
0x141: {  	s30 =	sadd.s32 $0xAFA8, s2;
	s2 =	sadd.s32 $0x1, s31;
	p3 =	por !p3, p2  }
0x142: {  	s3 =	simm.s32 @p3 $0x0;
	p3 =	seq.s32 s2, $0x0  }
.Ltmp15:
0x143: {  	_ = 	snop;
	(pc) =	sbr.rel @p3 .LBB3_15-.Ltmp15, $4  }
0x144: {  	_ = 	snop  }
0x145: {  	s0 =	simm.s32 $0x0;
	s9 =	simm.s32 @!p2 $0x1;
	s3 =	smin.u32 @!p2 s3, $0x270FF8  }
0x146: {  	s10 =	simm.s32 @!p2 $0x50C8;
	s9 =	smov.u32 @p2 s0;
	s7 =	sand.u32 @!p2 $0x3FFFF8, s3  }
0x147: {  	s16 =	sand.u32 @!p2 $0x7, s3;
	s3 =	sadd.s32 $0x1, s28;
	s11 =	sadd.s32 @!p2 s1, s7  }
.LBB3_14:
0x148: {  	s7 =	smov.u32 s9  }
0x149: {  	[tilespmem:s10], [sflag:$0x2] =	stream.linear.gather @!p2 [hbm4b:s11+s16], $0x40, $0x38;
	[tilespmem:$0x1EF88] =	vst v63  }
0x14a: {  	s2 =	sadd.s32 $0x1, s2;
	s8 =	smov.u32 s5;
	v1 =	vld.msk [tilespmem:s3+$0x0], $0x1  }
0x14b: {  	p3 =	seq.s32 s2, $0x0;
	_ =	sdelay $0x3  }
0x14c: {  	(v2sf) =	vpush v1, $0x0;
	_ =	sdelay $0xe  }
0x14d: {  	s5 =	spop (v2sf)  }
0x14e: {  	p2 =	seq.s32 s8, s5  }
0x14f: {  	p4 =	sgt.s32 @!p2 s8, $0x0;
	s10 =	sshll.u32 @!p2 s9, $0x8;
	s9 =	sadd.s32 @!p2 $0x1, s9  }
.Ltmp16:
0x150: {  	p4 =	por !p4, p2;
	s10 =	sshra.s32 @!p2 s10, $0x2;
	(pc) =	sbr.rel @!p3 .LBB3_14-.Ltmp16, $4  }
0x151: {  	s9 =	smov.u32 @p2 s7;
	s8 =	simm.s32 @p4 $0x0;
	s10 =	sadd.s32 @!p2 $0x50C8, s10  }
0x152: {  	s7 =	smin.u32 @!p2 s8, $0x270FF8  }
0x153: {  	s8 =	sand.u32 @!p2 $0x3FFFF8, s7;
	s16 =	sand.u32 @!p2 $0x7, s7  }
0x154: {  	s3 =	sadd.s32 $0x1, s3;
	s11 =	sadd.s32 @!p2 s1, s8  }
.LBB3_15:
0x155: {  	[tilespmem:s10], [sflag:$0x2] =	stream.linear.gather @!p2 [hbm4b:s11+s16], $0x40, $0x38;
	[tilespmem:$0x1EF88] =	vst v63  }
.Ltmp17:
0x156: {  	s2 =	sshll.u32 s9, $0x6;
	(pc) =	sbr.rel .LBB3_16-.Ltmp17, $4  }
0x157: {  	s3 =	simm.s32 $0x2;
	s2 =	sand.u32 $0x3FFFFFC0, s2  }
0x158: {  	_ =	swait.ge [sflag:s3], s2  }
0x159: {  	s2 =	ssub.s32 $0x0, s2;
	[sflag:s3] =	ssyncset.done $0x0  }
0x15a: {  	[sflag:s3] =	ssyncadd.s32 s2;
	s3 =	simm.s32 $0x0  }
.LBB3_17:
0x15b: {  	v1 =	vld [tilespmem:s30+$0xFFFFFFE0];
	_ =	sdelay $0x4  }
0x15c: {  	[tilespmem:s5+$0x88] =	vst.add.f32.msk $0xffff, v1  }
0x15d: {  	v1 =	vld [tilespmem:s30+$0xFFFFFFF0];
	_ =	sdelay $0x4  }
0x15e: {  	[tilespmem:s5+$0x98] =	vst.add.f32.msk $0xffff, v1  }
0x15f: {  	v1 =	vld [tilespmem:s30+$0x0];
	_ =	sdelay $0x4  }
0x160: {  	[tilespmem:s5+$0xA8] =	vst.add.f32.msk $0xffff, v1  }
0x161: {  	v1 =	vld [tilespmem:s30+$0x10];
	_ =	sdelay $0x4  }
0x162: {  	[tilespmem:s5+$0xB8] =	vst.add.f32.msk $0xffff, v1  }
.LBB3_21:
0x163: {  	s31 =	sadd.s32 $0x1, s31  }
0x164: {  	p2 =	seq.s32 s31, $0x0  }
.Ltmp18:
0x165: {  	_ = 	snop;
	(pc) =	sbr.rel @p2 .LBB3_22-.Ltmp18, $2  }
0x166: {  	_ =	sdelay $0x2  }
0x167: {  	s30 =	sadd.s32 $0x80, s30;
	s28 =	sadd.s32 $0x1, s28;
	s29 =	smov.u32 s2  }
.LBB3_16:
0x168: {  	v1 =	vld.msk [tilespmem:s28+$0x0], $0x1;
	_ =	sdelay $0x4  }
0x169: {  	(v2sf) =	vpush v1, $0x0;
	_ =	sdelay $0xe  }
0x16a: {  	s2 =	spop (v2sf)  }
0x16b: {  	p2 =	sne.s32 s29, s2  }
.Ltmp19:
0x16c: {  	_ = 	snop;
	(pc) =	sbr.rel @!p2 .LBB3_17-.Ltmp19, $3  }
0x16d: {  	_ =	sdelay $0x1  }
0x16e: {  	s5 =	sshll.u32 s26, $0x8  }
0x16f: {  	s5 =	sshra.s32 s5, $0x2  }
0x170: {  	p2 =	seq.s32 s29, s4  }
.Ltmp20:
0x171: {  	_ = 	snop;
	(pc) =	sbr.rel @!p2 .LBB3_19-.Ltmp20, $1  }
0x172: {  	_ =	sdelay $0x3  }
.Ltmp21:
0x173: {  	s5 =	sadd.s32 $0x88, s5;
	(pc) =	sbr.rel .LBB3_20-.Ltmp21, $4  }
0x174: {  	[spmem:s18] =	stream.linear.scatter [tilespmem:s5], [sflag:$0x1], $0x40, $0x38;
	[tilespmem:$0x1EF88] =	vst v63  }
0x175: {  	_ =	swait.ge [sflag:s13], $0x40  }
0x176: {  	[sflag:s13] =	ssyncset.done $0x0  }
0x177: {  	[sflag:s13] =	ssyncadd.s32 $0xFFFFFFC0  }
.LBB3_19:
0x178: {  	s7 =	sshll.u32 s0, $0x8  }
0x179: {  	s7 =	sshra.s32 s7, $0x2  }
0x17a: {  	v1 =	vld [tilespmem:s7+$0x50C8];
	_ =	sdelay $0x4  }
0x17b: {  	[tilespmem:s5+$0x88] =	vst.add.f32.msk $0xffff, v1  }
0x17c: {  	v1 =	vld [tilespmem:s7+$0x50D8];
	_ =	sdelay $0x4  }
0x17d: {  	[tilespmem:s5+$0x98] =	vst.add.f32.msk $0xffff, v1  }
0x17e: {  	v1 =	vld [tilespmem:s7+$0x50E8];
	_ =	sdelay $0x4  }
0x17f: {  	[tilespmem:s5+$0xA8] =	vst.add.f32.msk $0xffff, v1  }
0x180: {  	v1 =	vld [tilespmem:s7+$0x50F8];
	_ =	sdelay $0x2  }
0x181: {  	p2 =	sgt.u32 s29, $0x270FF8  }
0x182: {  	s7 =	sand.u32 @!p2 $0x3FFFF8, s29  }
0x183: {  	s8 =	sadd.s32 $0x88, s5;
	[tilespmem:s5+$0xB8] =	vst.add.f32.msk $0xffff, v1;
	s5 =	sadd.s32 @!p2 s1, s7;
	s7 =	sand.u32 @!p2 $0x7, s29  }
0x184: {  	[hbm4b:s5+s7] =	stream.linear.scatter @!p2 [tilespmem:s8], [sflag:$0xC], $0x40, $0x38;
	[tilespmem:$0x1EF88] =	vst v63  }
0x185: {  	s5 =	simm.s32 $0x0  }
0x186: {  	s5 =	simm.s32 @!p2 $0x100  }
0x187: {  	s3 =	sadd.s32 s5, s3  }
.LBB3_20:
0x188: {  	s5 =	sadd.s32 $0x1, s26  }
0x189: {  	s7 =	smulhi.u32 $0xCCCCCCCD, s5;
	_ =	sdelay $0x1  }
0x18a: {  	v1 =	vld [tilespmem:s30+$0xFFFFFFE0];
	s7 =	sshrl.u32 s7, $0x8  }
0x18b: {  	s7 =	smul.u32 $0x140, s7;
	_ =	sdelay $0x1  }
0x18c: {  	s26 =	ssub.s32 s5, s7  }
0x18d: {  	s5 =	sshll.u32 s26, $0x6  }
0x18e: {  	[tilespmem:s5+$0x88] =	vst v1  }
0x18f: {  	v1 =	vld [tilespmem:s30+$0xFFFFFFF0];
	_ =	sdelay $0x4  }
0x190: {  	[tilespmem:s5+$0x98] =	vst v1  }
0x191: {  	v1 =	vld [tilespmem:s30+$0x0];
	_ =	sdelay $0x4  }
0x192: {  	[tilespmem:s5+$0xA8] =	vst v1  }
0x193: {  	v1 =	vld [tilespmem:s30+$0x10]  }
.Ltmp22:
0x194: {  	_ = 	snop;
	(pc) =	sbr.rel .LBB3_21-.Ltmp22, $2  }
0x195: {  	_ =	sdelay $0x2  }
0x196: {  	s0 =	sadd.s32 $0x1, s0;
	[tilespmem:s5+$0xB8] =	vst v1  }
.LBB3_23:
.Ltmp23:
0x197: {  	(pc) =	sbr.rel .LBB3_24-.Ltmp23, $4  }
0x198: {  	_ = 	snop  }
0x199: {  	s0 =	simm.s32 $0x2  }
0x19a: {  	_ =	swait.ge [sflag:s0], $0x0  }
0x19b: {  	s2 =	smov.u32 s29;
	[sflag:s0] =	ssyncset.done $0x0;
	s0 =	simm.s32 $0x0  }
.LBB3_26:
0x19c: {  	_ =	sfence.sel $0x180000  }
0x19d: {  	s0 =	simm.s32 $0x9;
	[bflag:$0x0] =	sbarrier.arrive $0xFFFF  }
0x19e: {  	s24 =	simm.s32 $0xA;
	[sflag:s0] =	ssyncpa.u1 $0x1  }
0x19f: {  	s25 =	simm.s32 $0xB;
	[sflag:s24] =	ssyncpa.u1 $0x1  }
0x1a0: {  	s26 =	simm.s32 $0x2;
	[sflag:s25] =	ssyncpa.u1 $0x1  }
0x1a1: {  	[sflag:s26] =	ssyncpa.u1 $0x1  }
0x1a2: {  	v0 =	vld [tilespmem:$0xA108];
	_ =	sdelay $0x4  }
0x1a3: {  	(v2sf) =	vpush v0, $0x0  }
0x1a4: {  	(v2sf) =	vpush v0, $0x1;
	_ =	sdelay $0x1  }
0x1a5: {  	(v2sf) =	vpush v0, $0x2;
	_ =	sdelay $0xb  }
0x1a6: {  	s0 =	spop (v2sf)  }
0x1a7: {  	s2 =	spop (v2sf)  }
0x1a8: {  	s3 =	smov.u32 s0;
	p0 =	sne.s32 s0, s2  }
0x1a9: {  	s4 =	spop (v2sf);
	s3 =	simm.s32 @!p0 $0xFFFFFFFF  }
0x1aa: {  	v2 =	vimm.s32 $0x1;
	v3 =	vlaneseq.u32;
	p0 =	seq.s32 s4, $0xFFFFFFFF;
	v1 =	vmov s3  }
0x1ab: {  	s14 =	stileid.u32;
	v0 =	vperm.xlane v0, v2;
	p1 =	sne.s32 @!p0 s0, s2;
	v1 =	vperm.xlane v1, v3  }
0x1ac: {  	vm0 =	vcmask $0x3F04;
	s6 =	simm.s32 $0xA108;
	s0 =	simm.s32 @!p0 $0x1;
	p1 =	por !p1, p0  }
0x1ad: {  	s3 =	sshll.u32 s14, $0x1;
	s2 =	sshll.u32 @!p0 s4, $0x8;
	s0 =	simm.s32 @p1 $0x0;
	v0 =	vsel vm0, v1, v0  }
0x1ae: {  	s5 =	sor.u32 $0x800, s3;
	s2 =	sshra.s32 @!p0 s2, $0x2;
	s0 =	sor.u32 @!p0 s0, s3;
	[tilespmem:$0xA108] =	vst v0  }
0x1af: {  	[spmem:s5] =	stream.linear.scatter [tilespmem:s6], [sflag:$0x1], $0x2, $0x38;
	[tilespmem:$0x1EF88] =	vst v63  }
0x1b0: {  	s2 =	sadd.s32 @!p0 $0x88, s2;
	s0 =	sshll.u32 @!p0 s0, $0x6  }
0x1b1: {  	[spmem:s0] =	stream.linear.scatter @!p0 [tilespmem:s2], [sflag:$0x1], $0x40, $0x38;
	[tilespmem:$0x1EF88] =	vst v63  }
0x1b2: {  	s0 =	simm.s32 @!p0 $0x42  }
0x1b3: {  	s28 =	simm.s32 $0x1;
	s0 =	simm.s32 @p0 $0x2  }
0x1b4: {  	_ =	swait.ge [sflag:s28], s0  }
0x1b5: {  	s0 =	ssub.s32 $0x0, s0;
	[sflag:s28] =	ssyncset.done $0x0  }
0x1b6: {  	p0 =	sne.s32 s14, $0x0;
	[sflag:s28] =	ssyncadd.s32 s0  }
.Ltmp24:
0x1b7: {  	_ =	sfence.stream.spmem;
	(pc) =	sbr.rel @p0 .LBB3_43-.Ltmp24, $4  }
0x1b8: {  	s29 =	simm.s32 $0x3;
	[bflag:$0x0] =	sbarrier.arrive $0xFFFF  }
0x1b9: {  	s30 =	simm.s32 $0x4;
	[sflag:s29] =	ssyncpa.u1 $0x1  }
0x1ba: {  	s31 =	simm.s32 $0x3C;
	[sflag:s30] =	ssyncpa.u1 $0x1  }
0x1bb: {  	s13 =	rddreg [dreg:$0x4];
	[sflag:s31] =	ssyncpa.u1 $0x1  }
0x1bc: {  	_ =	sfence.stream.spmem;
	s0 =	simm.s32 $0x5  }
0x1bd: {  	s2 =	simm.s32 $0x800;
	s3 =	simm.s32 $0xA118;
	[sflag:s0] =	ssyncpa.u1 $0x0  }
0x1be: {  	[tilespmem:s3], [sflag:$0x5] =	stream.linear.gather [spmem:s2], $0x20, $0x38;
	[tilespmem:$0x1EF88] =	vst v63  }
0x1bf: {  	s26 =	simm.s32 $0x0;
	s28 =	simm.s32 $0xA138  }
0x1c0: {  	[tilespmem:s28], [sflag:$0x5] =	stream.linear.gather [spmem:s26], $0x800, $0x38;
	[tilespmem:$0x1EF88] =	vst v63  }
0x1c1: {  	_ =	swait.ge [sflag:s0], $0x820  }
0x1c2: {  	[sflag:s0] =	ssyncset.done $0x0  }
0x1c3: {  	s29 =	simm.s32 $0x0;
	[sflag:s0] =	ssyncadd.s32 $0xFFFFF7E0  }
0x1c4: {  	v0 =	vld.msk [tilespmem:s29+$0xA118], $0x1;
	_ =	sdelay $0x1  }
0x1c5: {  	s30 =	simm.s32 $0x1  }
0x1c6: {  	v1 =	vld.msk [tilespmem:s30+$0xA118], $0x1;
	_ =	sdelay $0x1  }
0x1c7: {  	(v2sf) =	vpush v0, $0x0;
	_ =	sdelay $0x2  }
0x1c8: {  	(v2sf) =	vpush v1, $0x0;
	_ =	sdelay $0x2  }
0x1c9: {  	s31 =	simm.s32 $0x2  }
0x1ca: {  	v0 =	vld.msk [tilespmem:s31+$0xA118], $0x1;
	_ =	sdelay $0x2  }
0x1cb: {  	s2 =	simm.s32 $0xFFFFFFFF;
	s3 =	simm.s32 $0xFFFFFFFF;
	s0 =	simm.s32 $0xC  }
.LBB3_28:
0x1cc: {  	s4 =	smov.u32 s3;
	s5 =	smov.u32 s2  }
0x1cd: {  	s2 =	sshra.s32 s0, $0x2;
	p1 =	sne.s32 s0, $0x7C;
	s0 =	sadd.s32 $0x4, s0;
	(v2sf) =	vpush v0, $0x0  }
0x1ce: {  	v0 =	vld.msk [tilespmem:s2+$0xA118], $0x1  }
.Ltmp25:
0x1cf: {  	(pc) =	sbr.rel @p1 .LBB3_28-.Ltmp25, $4  }
0x1d0: {  	s3 =	spop (v2sf)  }
0x1d1: {  	p2 =	sne.s32 s5, $0xFFFFFFFF;
	s2 =	smov.u32 s3  }
0x1d2: {  	p3 =	seq.s32 s3, $0xFFFFFFFF;
	s2 =	smov.u32 @p2 s5  }
0x1d3: {  	s3 =	smov.u32 @p3 s4;
	s2 =	smov.u32 @p3 s5  }
0x1d4: {  	(v2sf) =	vpush v0, $0x0;
	_ =	sdelay $0x8  }
0x1d5: {  	s0 =	spop (v2sf)  }
0x1d6: {  	p1 =	sne.s32 s2, $0xFFFFFFFF;
	s4 =	smov.u32 s0  }
0x1d7: {  	s6 =	simm.s32 $0x0;
	p2 =	seq.s32 s0, $0xFFFFFFFF;
	s4 =	smov.u32 @p1 s2  }
0x1d8: {  	s9 =	simm.s32 $0xA0C8;
	s4 =	smov.u32 @p2 s2;
	s2 =	spop (v2sf)  }
0x1d9: {  	s0 =	smov.u32 @p2 s3;
	p1 =	sne.s32 s4, $0xFFFFFFFF;
	s5 =	smov.u32 s2  }
.Ltmp26:
0x1da: {  	p2 =	seq.s32 s2, $0xFFFFFFFF;
	s5 =	smov.u32 @p1 s4;
	(pc) =	sbr.rel .LBB3_30-.Ltmp26, $4  }
0x1db: {  	s10 =	simm.s32 $0x0;
	s5 =	smov.u32 @p2 s4;
	s7 =	spop (v2sf)  }
0x1dc: {  	s2 =	smov.u32 @p2 s0;
	p1 =	sne.s32 s5, $0xFFFFFFFF;
	s8 =	smov.u32 s7  }
0x1dd: {  	s0 =	simm.s32 $0x6;
	p2 =	seq.s32 s7, $0xFFFFFFFF;
	s8 =	smov.u32 @p1 s5  }
0x1de: {  	[sflag:s0] =	ssyncpa.u1 $0x0;
	s7 =	smov.u32 @p2 s2;
	s8 =	smov.u32 @p2 s5  }
.LBB3_36:
0x1df: {  	p1 =	sgt.u32 s2, $0x270FF8  }
0x1e0: {  	p2 =	seq.s32 @!p1 s2, s8  }
0x1e1: {  	p1 =	por p1, p2  }
0x1e2: {  	p2 =	sne.s32 @!p1 s2, s7  }
0x1e3: {  	p1 =	por p1, !p2  }
0x1e4: {  	s2 =	sshll.u32 @p1 s10, $0x8  }
0x1e5: {  	s3 =	sand.u32 @!p1 $0x3FFFF8, s2  }
0x1e6: {  	s2 =	sand.u32 @!p1 $0x7, s2;
	s3 =	sadd.s32 @!p1 s1, s3  }
0x1e7: {  	[tilespmem:s9], [sflag:$0x6] =	stream.linear.gather @!p1 [hbm4b:s3+s2], $0x40, $0x38;
	[tilespmem:$0x1EF88] =	vst v63  }
0x1e8: {  	_ =	swait.ge @!p1 [sflag:s0], $0x40  }
0x1e9: {  	[sflag:s0] =	ssyncset.done @!p1 $0x0  }
0x1ea: {  	[sflag:s0] =	ssyncadd.s32 @!p1 $0xFFFFFFC0  }
0x1eb: {  	v1 =	vld @!p1 [tilespmem:$0xA0C8];
	_ =	sdelay $0x2  }
0x1ec: {  	s2 =	sshll.u32 @!p1 s10, $0x8  }
0x1ed: {  	s3 =	sshrl.u32 @!p1 s2, $0x2  }
0x1ee: {  	[tilespmem:s3+$0xA138] =	vst.add.f32.msk @!p1 $0xffff, v1  }
0x1ef: {  	v1 =	vld @!p1 [tilespmem:$0xA0D8];
	_ =	sdelay $0x4  }
0x1f0: {  	[tilespmem:s3+$0xA148] =	vst.add.f32.msk @!p1 $0xffff, v1  }
0x1f1: {  	v1 =	vld @!p1 [tilespmem:$0xA0E8];
	_ =	sdelay $0x4  }
0x1f2: {  	[tilespmem:s3+$0xA158] =	vst.add.f32.msk @!p1 $0xffff, v1  }
0x1f3: {  	v1 =	vld @!p1 [tilespmem:$0xA0F8];
	_ =	sdelay $0x4  }
0x1f4: {  	[tilespmem:s3+$0xA168] =	vst.add.f32.msk @!p1 $0xffff, v1  }
0x1f5: {  	s2 =	sshrl.u32 s2, $0x2;
	[tilespmem:s6+$0xA118] =	vst.msk $0x1, v0  }
0x1f6: {  	v0 =	vld [tilespmem:s2+$0xA138];
	_ =	sdelay $0x2  }
0x1f7: {  	s31 =	sshll.u32 s6, $0x8  }
0x1f8: {  	s3 =	sshra.s32 s31, $0x2  }
0x1f9: {  	[tilespmem:s3+$0xA138] =	vst v0  }
0x1fa: {  	v0 =	vld [tilespmem:s2+$0xA148];
	_ =	sdelay $0x4  }
0x1fb: {  	[tilespmem:s3+$0xA148] =	vst v0  }
0x1fc: {  	v0 =	vld [tilespmem:s2+$0xA158];
	_ =	sdelay $0x4  }
0x1fd: {  	[tilespmem:s3+$0xA158] =	vst v0  }
0x1fe: {  	v0 =	vld [tilespmem:s2+$0xA168];
	_ =	sdelay $0x4  }
0x1ff: {  	s6 =	sadd.s32 $0x1, s6;
	[tilespmem:s3+$0xA168] =	vst v0  }
.LBB3_37:
0x200: {  	s10 =	sadd.s32 $0x1, s10  }
0x201: {  	p1 =	sne.s32 s10, $0x20  }
.Ltmp27:
0x202: {  	_ = 	snop;
	(pc) =	sbr.rel @!p1 .LBB3_38-.Ltmp27, $1  }
0x203: {  	_ =	sdelay $0x3  }
.LBB3_30:
0x204: {  	v0 =	vld.msk [tilespmem:s10+$0xA118], $0x1;
	_ =	sdelay $0x4  }
0x205: {  	(v2sf) =	vpush v0, $0x0;
	_ =	sdelay $0xe  }
0x206: {  	s2 =	spop (v2sf)  }
0x207: {  	p1 =	seq.s32 s2, $0xFFFFFFFF  }
.Ltmp28:
0x208: {  	_ = 	snop;
	(pc) =	sbr.rel @p1 .LBB3_37-.Ltmp28, $1  }
0x209: {  	_ =	sdelay $0x3  }
0x20a: {  	p1 =	slt.s32 s6, $0x1  }
.Ltmp29:
0x20b: {  	_ = 	snop;
	(pc) =	sbr.rel @p1 .LBB3_36-.Ltmp29, $1  }
0x20c: {  	_ =	sdelay $0x3  }
0x20d: {  	s3 =	simm.s32 $0xA118;
	p1 =	por $0x0, $0x0  }
0x20e: {  	v1 =	vld.msk @!p1 [tilespmem:s3+$0x0], $0x1;
	_ =	sdelay $0x4  }
0x20f: {  	(v2sf) =	vpush @!p1 v1, $0x0;
	_ =	sdelay $0xd  }
0x210: {  	p3 =	sne.s32 s6, $0x1  }
.Ltmp30:
0x211: {  	s4 =	spop @!p1 (v2sf);
	(pc) =	sbr.rel @!p3 .LBB3_34-.Ltmp30, $4  }
0x212: {  	p2 =	seq.s32 @!p1 s2, s4  }
0x213: {  	s4 =	simm.s32 $0x0;
	p2 =	por !p2, p1  }
0x214: {  	s11 =	simm.s32 $0xFFFFFFFF;
	s4 =	simm.s32 @p2 $0xFFFFFFFF  }
0x215: {  	s5 =	simm.s32 $0x1;
	s4 =	smov.u32 @p1 s11  }
.LBB3_33:
0x216: {  	s11 =	smov.u32 s4;
	p1 =	sne.s32 s4, $0xFFFFFFFF  }
0x217: {  	s3 =	sadd.s32 $0x1, s3;
	s4 =	smov.u32 s5;
	s5 =	sadd.s32 $0x1, s5  }
0x218: {  	p2 =	sne.s32 s6, s5;
	v1 =	vld.msk @!p1 [tilespmem:s3+$0x0], $0x1;
	_ =	sdelay $0x4  }
0x219: {  	(v2sf) =	vpush @!p1 v1, $0x0;
	_ =	sdelay $0xe  }
.Ltmp31:
0x21a: {  	s12 =	spop @!p1 (v2sf);
	(pc) =	sbr.rel @p2 .LBB3_33-.Ltmp31, $4  }
0x21b: {  	p3 =	seq.s32 @!p1 s2, s12  }
0x21c: {  	p3 =	por !p3, p1  }
0x21d: {  	s4 =	simm.s32 @p3 $0xFFFFFFFF  }
0x21e: {  	s4 =	smov.u32 @p1 s11  }
.LBB3_34:
0x21f: {  	p1 =	seq.s32 s4, $0xFFFFFFFF  }
.Ltmp32:
0x220: {  	_ = 	snop;
	(pc) =	sbr.rel @p1 .LBB3_36-.Ltmp32, $1  }
0x221: {  	_ =	sdelay $0x3  }
0x222: {  	s2 =	sshll.u32 s10, $0x6  }
0x223: {  	s2 =	sand.u32 $0x3FFFFFC0, s2  }
0x224: {  	v0 =	vld [tilespmem:s2+$0xA138];
	_ =	sdelay $0x2  }
0x225: {  	s3 =	sshll.u32 s4, $0x8  }
0x226: {  	s3 =	sshra.s32 s3, $0x2  }
0x227: {  	[tilespmem:s3+$0xA138] =	vst.add.f32.msk $0xffff, v0  }
0x228: {  	v0 =	vld [tilespmem:s2+$0xA148];
	_ =	sdelay $0x4  }
0x229: {  	[tilespmem:s3+$0xA148] =	vst.add.f32.msk $0xffff, v0  }
0x22a: {  	v0 =	vld [tilespmem:s2+$0xA158];
	_ =	sdelay $0x4  }
0x22b: {  	[tilespmem:s3+$0xA158] =	vst.add.f32.msk $0xffff, v0  }
0x22c: {  	v0 =	vld [tilespmem:s2+$0xA168]  }
.Ltmp33:
0x22d: {  	_ = 	snop;
	(pc) =	sbr.rel .LBB3_37-.Ltmp33, $2  }
0x22e: {  	_ =	sdelay $0x2  }
0x22f: {  	[tilespmem:s3+$0xA168] =	vst.add.f32.msk $0xffff, v0  }
.LBB3_38:
0x230: {  	s0 =	simm.s32 $0x6;
	p1 =	seq.s32 s6, $0x0  }
0x231: {  	[sflag:s0] =	ssyncpa.u1 $0x1;
	v0 =	vimm.s32 @p1 $0xFFFFFFFF  }
0x232: {  	s0 =	sadd.s32 $0xFFFFFFFF, s6;
	[tilespmem:$0xA938] =	vst @p1 v0  }
0x233: {  	v0 =	vld.msk @!p1 [tilespmem:s0+$0xA118], $0x1;
	_ =	sdelay $0x1  }
0x234: {  	v1 =	vld.msk @!p1 [tilespmem:$0xA118], $0x1;
	_ =	sdelay $0x2  }
0x235: {  	p2 =	seq.s32 @!p1 s0, $0x0;
	v0 =	vbroadcast @!p1 v0, $0x0  }
0x236: {  	vm0 =	vmmov @!p1 $0x1;
	p2 =	por !p2, p1  }
0x237: {  	v1 =	vnsel @!p1 vm0, $0xFFFFFFFF, v1;
	vm0 =	vcmask @!p1 $0x308;
	v0 =	vpsel !p2, $0xFFFFFFFF, v0  }
0x238: {  	p2 =	sne.s32 @!p1 s8, s7;
	v0 =	vsel @!p1 vm0, v1, v0  }
0x239: {  	s2 =	simm.s32 @!p1 $0xA138;
	s3 =	simm.s32 @!p1 $0x0;
	p3 =	por !p2, p1;
	[tilespmem:$0xA938] =	vst @!p1 v0  }
0x23a: {  	[spmem:s3] =	stream.linear.scatter @!p1 [tilespmem:s2], [sflag:$0x1], $0x40, $0x38;
	[tilespmem:$0x1EF88] =	vst v63  }
0x23b: {  	s2 =	sshll.u32 @!p3 s0, $0x8  }
0x23c: {  	s2 =	sshra.s32 @!p3 s2, $0x2  }
0x23d: {  	s3 =	simm.s32 @!p3 $0x40;
	s2 =	sadd.s32 @!p3 $0xA138, s2  }
0x23e: {  	[spmem:s3] =	stream.linear.scatter @!p3 [tilespmem:s2], [sflag:$0x1], $0x40, $0x38;
	[tilespmem:$0x1EF88] =	vst v63  }
0x23f: {  	s2 =	simm.s32 @!p3 $0x1  }
0x240: {  	_ =	swait.ge @!p3 [sflag:s2], $0x80  }
0x241: {  	p1 =	por p2, p1;
	[sflag:s2] =	ssyncset.done @!p3 $0x0  }
0x242: {  	[sflag:s2] =	ssyncadd.s32 @!p3 $0xFFFFFF80;
	s2 =	simm.s32 @!p1 $0x1  }
0x243: {  	_ =	swait.ge @!p1 [sflag:s2], $0x40  }
0x244: {  	s29 =	simm.s32 $0xA938;
	[sflag:s2] =	ssyncset.done @!p1 $0x0  }
0x245: {  	s30 =	simm.s32 $0x800;
	s31 =	simm.s32 $0x1;
	[sflag:s2] =	ssyncadd.s32 @!p1 $0xFFFFFFC0  }
0x246: {  	[spmem:s30] =	stream.linear.scatter [tilespmem:s29], [sflag:$0x1], $0x10, $0x38;
	[tilespmem:$0x1EF88] =	vst v63  }
0x247: {  	_ =	swait.ge [sflag:s31], $0x10  }
0x248: {  	[sflag:s31] =	ssyncset.done $0x0  }
0x249: {  	p1 =	seq.s32 s13, $0x0;
	s9 =	rddreg [dreg:$0x1];
	[sflag:s31] =	ssyncadd.s32 $0xFFFFFFF0  }
0x24a: {  	s3 =	sshll.u32 @p1 s9, $0xE;
	s8 =	rddreg [dreg:$0x2]  }
0x24b: {  	s2 =	sadd.s32 @p1 $0x15C3C, s3;
	s3 =	sshll.u32 @p1 s8, $0x11  }
0x24c: {  	_ =	sfence.stream.spmem;
	s2 =	sor.u32 @p1 s3, s2  }
0x24d: {  	[sflag:s2] =	ssyncadd.remote.s32 @p1 $0x1;
	s2 =	simm.s32 @p1 $0x4  }
0x24e: {  	s4 =	simm.s32 @!p1 $0x3C;
	s3 =	sand.u32 $0xFFFFFFFE, s9;
	_ =	swait.ge @p1 [sflag:s2], $0x12  }
0x24f: {  	s5 =	simm.s32 @!p1 $0x0;
	s3 =	sadd.s32 @!p1 $0x4, s3;
	[sflag:s2] =	ssyncset.done @p1 $0x0  }
0x250: {  	s7 =	simm.s32 @!p1 $0x80;
	[sflag:s2] =	ssyncadd.s32 @p1 $0xFFFFFFEE;
	s2 =	sshll.u32 @!p1 s3, $0x1A  }
0x251: {  	s3 =	sshll.u32 @!p1 s3, $0xD;
	s2 =	sor.u32 @!p1 s2, s8;
	_ =	swait.eq @!p1 [sflag:s4], $0x1  }
0x252: {  	s3 =	sor.u32 @!p1 $0x1C04, s3;
	s4 =	simm.s32 @!p1 $0x1C03;
	s2 =	sor.u32 @!p1 $0x80004000, s2  }
0x253: {  	[spmem:s7], [sflag:s3] =	dma.general @!p1 [spmem:s5], [sflag:s4], length:$0x10, [dreg:$0x0], stride_count:$0x0, ici_dest:s2, dma_misc:DstOpCode:WRITE  }
0x254: {  	p2 =	slt.s32 s0, $0x2;
	s5 =	simm.s32 @!p1 $0x100;
	s7 =	simm.s32 @!p1 $0x102  }
0x255: {  	[spmem:s7], [sflag:s3] =	dma.general @!p1 [spmem:s5], [sflag:s4], length:$0x2, [dreg:$0x0], stride_count:$0x0, ici_dest:s2, dma_misc:DstOpCode:WRITE  }
.Ltmp34:
0x256: {  	s2 =	simm.s32 @!p1 $0x3;
	(pc) =	sbr.rel @p2 .LBB3_42-.Ltmp34, $4  }
0x257: {  	s3 =	sshll.u32 @!p1 s9, $0xE;
	_ =	swait.ge @!p1 [sflag:s2], $0x12  }
0x258: {  	s4 =	sshll.u32 @!p1 s8, $0x11;
	s3 =	sadd.s32 @!p1 $0x11C3C, s3;
	[sflag:s2] =	ssyncset.done @!p1 $0x0  }
0x259: {  	[sflag:s2] =	ssyncadd.s32 @!p1 $0xFFFFFFEE;
	s2 =	sor.u32 @!p1 s4, s3  }
0x25a: {  	s0 =	simm.s32 $0x0;
	[sflag:s2] =	ssyncadd.remote.s32 @!p1 $0xFFFFFFFF  }
0x25b: {  	s0 =	simm.s32 $0xA119  }
0x25c: {  	v0 =	vld.msk [tilespmem:s0+$0x0], $0x1;
	_ =	sdelay $0x4  }
0x25d: {  	(v2sf) =	vpush v0, $0x0;
	_ =	sdelay $0xc  }
0x25e: {  	s2 =	sadd.s32 $0xFFFFFFFE, s6  }
0x25f: {  	s2 =	sadd.s32 $0xFFFFFFFF, s2  }
0x260: {  	p2 =	sne.s32 s2, $0x0;
	s3 =	spop (v2sf)  }
.Ltmp35:
0x261: {  	p1 =	sgt.u32 s3, $0x270FF8;
	(pc) =	sbr.rel @!p2 .LBB3_41-.Ltmp35, $4  }
0x262: {  	s5 =	simm.s32 $0x0;
	s4 =	sand.u32 @!p1 $0x3FFFF8, s3  }
0x263: {  	s0 =	simm.s32 $0xA178;
	s3 =	sand.u32 @!p1 $0x7, s3;
	s4 =	sadd.s32 @!p1 s1, s4  }
0x264: {  	[hbm4b:s4+s3] =	stream.linear.scatter @!p1 [tilespmem:s0], [sflag:$0x5], $0x40, $0x38;
	[tilespmem:$0x1EF88] =	vst v63  }
0x265: {  	s5 =	simm.s32 @!p1 $0x100;
	s3 =	simm.s32 $0x0;
	s4 =	simm.s32 $0xA11A  }
.LBB3_40:
0x266: {  	v0 =	vld.msk [tilespmem:s4+$0x0], $0x1;
	s2 =	sadd.s32 $0xFFFFFFFF, s2;
	s3 =	sadd.s32 s3, s5  }
0x267: {  	p1 =	sne.s32 s2, $0x0;
	_ =	sdelay $0x3  }
0x268: {  	(v2sf) =	vpush v0, $0x0;
	_ =	sdelay $0xe  }
.Ltmp36:
0x269: {  	s6 =	spop (v2sf);
	(pc) =	sbr.rel @p1 .LBB3_40-.Ltmp36, $4  }
0x26a: {  	s5 =	simm.s32 $0x0;
	p2 =	sgt.u32 s6, $0x270FF8  }
0x26b: {  	s0 =	sadd.s32 $0x40, s0;
	s5 =	simm.s32 @!p2 $0x100;
	s7 =	sand.u32 @!p2 $0x3FFFF8, s6  }
0x26c: {  	s4 =	sadd.s32 $0x1, s4;
	s6 =	sand.u32 @!p2 $0x7, s6;
	s7 =	sadd.s32 @!p2 s1, s7  }
0x26d: {  	[hbm4b:s7+s6] =	stream.linear.scatter @!p2 [tilespmem:s0], [sflag:$0x5], $0x40, $0x38;
	[tilespmem:$0x1EF88] =	vst v63  }
.LBB3_41:
0x26e: {  	s0 =	sadd.s32 s3, s5  }
0x26f: {  	s0 =	sshrl.u32 s0, $0x2  }
.LBB3_42:
0x270: {  	s2 =	simm.s32 $0x5  }
0x271: {  	_ =	swait.ge [sflag:s2], s0  }
0x272: {  	s31 =	ssub.s32 $0x0, s0;
	[sflag:s2] =	ssyncset.done $0x0  }
0x273: {  	[sflag:s2] =	ssyncadd.s32 s31  }
0x274: {  	[sflag:s2] =	ssyncpa.u1 $0x1  }
.LBB3_43:
0x275: {  	s0 =	sor.u32 s13, s14  }
0x276: {  	p1 =	sne.s32 s0, $0x0  }
.Ltmp37:
0x277: {  	_ = 	snop;
	(pc) =	sbr.rel @p1 .LBB3_58-.Ltmp37, $3  }
0x278: {  	_ =	sdelay $0x1  }
0x279: {  	[bflag:$0x0] =	sbarrier.arrive $0xFFFF  }
0x27a: {  	_ =	sfence  }
0x27b: {  	s2 =	simm.s32 $0x7  }
0x27c: {  	s0 =	simm.s32 $0x800;
	s3 =	simm.s32 $0xA118;
	[sflag:s2] =	ssyncpa.u1 $0x0  }
0x27d: {  	[tilespmem:s3], [sflag:$0x7] =	stream.linear.gather [spmem:s0], $0x20, $0x38;
	[tilespmem:$0x1EF88] =	vst v63  }
0x27e: {  	s30 =	simm.s32 $0xA138;
	s0 =	simm.s32 $0x0  }
0x27f: {  	[tilespmem:s30], [sflag:$0x7] =	stream.linear.gather [spmem:s0], $0x800, $0x38;
	[tilespmem:$0x1EF88] =	vst v63  }
.Ltmp38:
0x280: {  	_ = 	snop;
	(pc) =	sbr.rel .LBB3_45-.Ltmp38, $4  }
0x281: {  	_ =	swait.ge [sflag:s2], $0x820  }
0x282: {  	[sflag:s2] =	ssyncset.done $0x0  }
0x283: {  	s31 =	simm.s32 $0x8;
	[sflag:s2] =	ssyncadd.s32 $0xFFFFF7E0  }
0x284: {  	s2 =	simm.s32 $0x0;
	[sflag:s31] =	ssyncpa.u1 $0x0  }
.LBB3_51:
0x285: {  	p1 =	slt.u32 s3, $0x270FF9  }
0x286: {  	s4 =	sand.u32 @p1 $0x3FFFF8, s3  }
0x287: {  	s3 =	sand.u32 @p1 $0x7, s3;
	s5 =	simm.s32 @p1 $0xA0C8;
	s4 =	sadd.s32 @p1 s1, s4  }
0x288: {  	[tilespmem:s5], [sflag:$0x8] =	stream.linear.gather @p1 [hbm4b:s4+s3], $0x40, $0x38;
	[tilespmem:$0x1EF88] =	vst v63  }
0x289: {  	s3 =	simm.s32 @p1 $0x8  }
0x28a: {  	_ =	swait.ge @p1 [sflag:s3], $0x40  }
0x28b: {  	[sflag:s3] =	ssyncset.done @p1 $0x0  }
0x28c: {  	[sflag:s3] =	ssyncadd.s32 @p1 $0xFFFFFFC0  }
0x28d: {  	v1 =	vld @p1 [tilespmem:$0xA0C8];
	_ =	sdelay $0x2  }
0x28e: {  	s3 =	sshll.u32 @p1 s2, $0x8  }
0x28f: {  	s4 =	sshrl.u32 @p1 s3, $0x2  }
0x290: {  	[tilespmem:s4+$0xA138] =	vst.add.f32.msk @p1 $0xffff, v1  }
0x291: {  	v1 =	vld @p1 [tilespmem:$0xA0D8];
	_ =	sdelay $0x4  }
0x292: {  	[tilespmem:s4+$0xA148] =	vst.add.f32.msk @p1 $0xffff, v1  }
0x293: {  	v1 =	vld @p1 [tilespmem:$0xA0E8];
	_ =	sdelay $0x4  }
0x294: {  	[tilespmem:s4+$0xA158] =	vst.add.f32.msk @p1 $0xffff, v1  }
0x295: {  	v1 =	vld @p1 [tilespmem:$0xA0F8];
	_ =	sdelay $0x3  }
0x296: {  	s5 =	sshll.u32 @!p1 s2, $0x8  }
0x297: {  	s5 =	smov.u32 @p1 s3;
	[tilespmem:s4+$0xA168] =	vst.add.f32.msk @p1 $0xffff, v1  }
0x298: {  	s3 =	sshrl.u32 s5, $0x2;
	[tilespmem:s0+$0xA118] =	vst.msk $0x1, v0  }
0x299: {  	v0 =	vld [tilespmem:s3+$0xA138];
	_ =	sdelay $0x2  }
0x29a: {  	s31 =	sshll.u32 s0, $0x8  }
0x29b: {  	s4 =	sshra.s32 s31, $0x2  }
0x29c: {  	[tilespmem:s4+$0xA138] =	vst v0  }
0x29d: {  	v0 =	vld [tilespmem:s3+$0xA148];
	_ =	sdelay $0x4  }
0x29e: {  	[tilespmem:s4+$0xA148] =	vst v0  }
0x29f: {  	v0 =	vld [tilespmem:s3+$0xA158];
	_ =	sdelay $0x4  }
0x2a0: {  	[tilespmem:s4+$0xA158] =	vst v0  }
0x2a1: {  	v0 =	vld [tilespmem:s3+$0xA168];
	_ =	sdelay $0x4  }
0x2a2: {  	s0 =	sadd.s32 $0x1, s0;
	[tilespmem:s4+$0xA168] =	vst v0  }
.LBB3_52:
0x2a3: {  	s2 =	sadd.s32 $0x1, s2  }
0x2a4: {  	p1 =	sne.s32 s2, $0x20  }
.Ltmp39:
0x2a5: {  	_ = 	snop;
	(pc) =	sbr.rel @!p1 .LBB3_53-.Ltmp39, $1  }
0x2a6: {  	_ =	sdelay $0x3  }
.LBB3_45:
0x2a7: {  	v0 =	vld.msk [tilespmem:s2+$0xA118], $0x1;
	_ =	sdelay $0x4  }
0x2a8: {  	(v2sf) =	vpush v0, $0x0;
	_ =	sdelay $0xe  }
0x2a9: {  	s3 =	spop (v2sf)  }
0x2aa: {  	p1 =	seq.s32 s3, $0xFFFFFFFF  }
.Ltmp40:
0x2ab: {  	_ = 	snop;
	(pc) =	sbr.rel @p1 .LBB3_52-.Ltmp40, $1  }
0x2ac: {  	_ =	sdelay $0x3  }
0x2ad: {  	p1 =	slt.s32 s0, $0x1  }
.Ltmp41:
0x2ae: {  	_ = 	snop;
	(pc) =	sbr.rel @p1 .LBB3_51-.Ltmp41, $1  }
0x2af: {  	_ =	sdelay $0x3  }
0x2b0: {  	s4 =	simm.s32 $0xA118;
	p1 =	por $0x0, $0x0  }
0x2b1: {  	v1 =	vld.msk @!p1 [tilespmem:s4+$0x0], $0x1;
	_ =	sdelay $0x4  }
0x2b2: {  	(v2sf) =	vpush @!p1 v1, $0x0;
	_ =	sdelay $0xd  }
0x2b3: {  	p3 =	sne.s32 s0, $0x1  }
.Ltmp42:
0x2b4: {  	s5 =	spop @!p1 (v2sf);
	(pc) =	sbr.rel @!p3 .LBB3_49-.Ltmp42, $4  }
0x2b5: {  	p2 =	seq.s32 @!p1 s3, s5  }
0x2b6: {  	s5 =	simm.s32 $0x0;
	p2 =	por !p2, p1  }
0x2b7: {  	s7 =	simm.s32 $0xFFFFFFFF;
	s5 =	simm.s32 @p2 $0xFFFFFFFF  }
0x2b8: {  	s6 =	simm.s32 $0x1;
	s5 =	smov.u32 @p1 s7  }
.LBB3_48:
0x2b9: {  	s7 =	smov.u32 s5;
	p1 =	sne.s32 s5, $0xFFFFFFFF  }
0x2ba: {  	s4 =	sadd.s32 $0x1, s4;
	s5 =	smov.u32 s6;
	s6 =	sadd.s32 $0x1, s6  }
0x2bb: {  	p2 =	sne.s32 s0, s6;
	v1 =	vld.msk @!p1 [tilespmem:s4+$0x0], $0x1;
	_ =	sdelay $0x4  }
0x2bc: {  	(v2sf) =	vpush @!p1 v1, $0x0;
	_ =	sdelay $0xe  }
.Ltmp43:
0x2bd: {  	s8 =	spop @!p1 (v2sf);
	(pc) =	sbr.rel @p2 .LBB3_48-.Ltmp43, $4  }
0x2be: {  	p3 =	seq.s32 @!p1 s3, s8  }
0x2bf: {  	p3 =	por !p3, p1  }
0x2c0: {  	s5 =	simm.s32 @p3 $0xFFFFFFFF  }
0x2c1: {  	s5 =	smov.u32 @p1 s7  }
.LBB3_49:
0x2c2: {  	p1 =	seq.s32 s5, $0xFFFFFFFF  }
.Ltmp44:
0x2c3: {  	_ = 	snop;
	(pc) =	sbr.rel @p1 .LBB3_51-.Ltmp44, $1  }
0x2c4: {  	_ =	sdelay $0x3  }
0x2c5: {  	s3 =	sshll.u32 s2, $0x6  }
0x2c6: {  	s3 =	sand.u32 $0x3FFFFFC0, s3  }
0x2c7: {  	v0 =	vld [tilespmem:s3+$0xA138];
	_ =	sdelay $0x2  }
0x2c8: {  	s4 =	sshll.u32 s5, $0x8  }
0x2c9: {  	s4 =	sshra.s32 s4, $0x2  }
0x2ca: {  	[tilespmem:s4+$0xA138] =	vst.add.f32.msk $0xffff, v0  }
0x2cb: {  	v0 =	vld [tilespmem:s3+$0xA148];
	_ =	sdelay $0x4  }
0x2cc: {  	[tilespmem:s4+$0xA148] =	vst.add.f32.msk $0xffff, v0  }
0x2cd: {  	v0 =	vld [tilespmem:s3+$0xA158];
	_ =	sdelay $0x4  }
0x2ce: {  	[tilespmem:s4+$0xA158] =	vst.add.f32.msk $0xffff, v0  }
0x2cf: {  	v0 =	vld [tilespmem:s3+$0xA168]  }
.Ltmp45:
0x2d0: {  	_ = 	snop;
	(pc) =	sbr.rel .LBB3_52-.Ltmp45, $2  }
0x2d1: {  	_ =	sdelay $0x2  }
0x2d2: {  	[tilespmem:s4+$0xA168] =	vst.add.f32.msk $0xffff, v0  }
.LBB3_53:
0x2d3: {  	p1 =	slt.s32 s0, $0x1  }
.Ltmp46:
0x2d4: {  	_ = 	snop;
	(pc) =	sbr.rel @p1 .LBB3_57-.Ltmp46, $3  }
0x2d5: {  	_ =	sdelay $0x1  }
0x2d6: {  	s2 =	simm.s32 $0x8  }
0x2d7: {  	[sflag:s2] =	ssyncpa.u1 $0x1;
	s2 =	simm.s32 $0x0  }
0x2d8: {  	s3 =	simm.s32 $0xA118  }
0x2d9: {  	v0 =	vld.msk [tilespmem:s3+$0x0], $0x1;
	_ =	sdelay $0x4  }
0x2da: {  	(v2sf) =	vpush v0, $0x0;
	_ =	sdelay $0xe  }
0x2db: {  	s0 =	sadd.s32 $0xFFFFFFFF, s0;
	s4 =	spop (v2sf)  }
0x2dc: {  	p2 =	sne.s32 s0, $0x0;
	p1 =	sgt.u32 s4, $0x270FF8  }
.Ltmp47:
0x2dd: {  	s5 =	sand.u32 @!p1 $0x3FFFF8, s4;
	(pc) =	sbr.rel @!p2 .LBB3_56-.Ltmp47, $4  }
0x2de: {  	s3 =	simm.s32 $0xA138;
	s4 =	sand.u32 @!p1 $0x7, s4;
	s5 =	sadd.s32 @!p1 s1, s5  }
0x2df: {  	[hbm4b:s5+s4] =	stream.linear.scatter @!p1 [tilespmem:s3], [sflag:$0x7], $0x40, $0x38;
	[tilespmem:$0x1EF88] =	vst v63  }
0x2e0: {  	s5 =	simm.s32 $0x0  }
0x2e1: {  	s4 =	simm.s32 $0xA119;
	s5 =	simm.s32 @!p1 $0x100  }
.LBB3_55:
0x2e2: {  	v0 =	vld.msk [tilespmem:s4+$0x0], $0x1;
	s0 =	sadd.s32 $0xFFFFFFFF, s0;
	s2 =	sadd.s32 s2, s5  }
0x2e3: {  	p1 =	sne.s32 s0, $0x0;
	_ =	sdelay $0x3  }
0x2e4: {  	(v2sf) =	vpush v0, $0x0;
	_ =	sdelay $0xe  }
.Ltmp48:
0x2e5: {  	s6 =	spop (v2sf);
	(pc) =	sbr.rel @p1 .LBB3_55-.Ltmp48, $4  }
0x2e6: {  	s5 =	simm.s32 $0x0;
	p2 =	sgt.u32 s6, $0x270FF8  }
0x2e7: {  	s3 =	sadd.s32 $0x40, s3;
	s5 =	simm.s32 @!p2 $0x100;
	s7 =	sand.u32 @!p2 $0x3FFFF8, s6  }
0x2e8: {  	s4 =	sadd.s32 $0x1, s4;
	s6 =	sand.u32 @!p2 $0x7, s6;
	s7 =	sadd.s32 @!p2 s1, s7  }
0x2e9: {  	[hbm4b:s7+s6] =	stream.linear.scatter @!p2 [tilespmem:s3], [sflag:$0x7], $0x40, $0x38;
	[tilespmem:$0x1EF88] =	vst v63  }
.LBB3_56:
0x2ea: {  	s0 =	sadd.s32 s2, s5  }
0x2eb: {  	s2 =	sshrl.u32 s0, $0x2  }
.LBB3_57:
0x2ec: {  	s0 =	simm.s32 $0x7  }
0x2ed: {  	_ =	swait.ge [sflag:s0], s2  }
0x2ee: {  	s1 =	ssub.s32 $0x0, s2;
	[sflag:s0] =	ssyncset.done $0x0  }
0x2ef: {  	[sflag:s0] =	ssyncadd.s32 s1  }
0x2f0: {  	[sflag:s0] =	ssyncpa.u1 $0x1  }
.LBB3_58:
0x2f1: {  	_ =	sfence;
	s0 =	simm.s32 $0x1  }
0x2f2: {  	[sflag:s0] =	ssyncpa.u1 $0x1  }
0x2f3: {  	_ =	strace $0x9000004D  }
0x2f4: {  	[bflag:$0x2] =	sbarrier.arrive $0xFFFF  }
0x2f5: {  	s0 =	rddreg [dreg:$0x3]  }
0x2f6: {  	s0 =	sadd.s32 @!p0 $0x100000, s0  }
0x2f7: {  	[sflag:s0] =	ssyncadd.tile.s32 @!p0 $0x1;
	_ =	shalt  }
.Lfunc_end3:
_tile_overlayer_lowered:
.L_overlay_start_3:
0x2f8: {  	(tag) =	ssettag $0x3  }
0x2f9: {  	s0 =	rddreg [dreg:$0x0];
	s2 =	stileid.u32  }
0x2fa: {  	s1 =	rddreg [dreg:$0x1];
	p0 =	sne.s32 s2, $0x0  }
0x2fb: {  	s3 =	rddreg [dreg:$0x2];
	[bflag:$0x3] =	sbarrier.arrive $0xFFFF;
	s2 =	simm.s32 @!p0 $0x1C01  }
0x2fc: {  	[timem:s3], [sflag:s2] =	dma.local @!p0 [hbm:s0], s1  }
0x2fd: {  	s0 =	simm.s32 @!p0 $0x1  }
0x2fe: {  	_ =	swait.ge @!p0 [sflag:s0], s1  }
0x2ff: {  	s1 =	ssub.s32 @!p0 $0x0, s1;
	[sflag:s0] =	ssyncset.done @!p0 $0x0  }
0x300: {  	[sflag:s0] =	ssyncadd.s32 @!p0 s1  }
0x301: {  	[bflag:$0x3] =	sbarrier.arrive $0xFFFF  }
0x302: {  	_ =	shalt  }

// kernel: scatter_offload_async_start
scs
__scs_entry_jumppad:
0x0: {  	(pc) =	sbr.rel $0x88, $3  }
0x1: {  	(tag) =	ssettag $0x0;
	lr =	simm.s32 $0x1  }
0x2: {  	[smem:$0x3F87] =	sst lr;
	_ =	strace $0xD0000000  }
0x3: {  	_ = 	snop  }
0x4: {  	_ = 	snop  }
0x5: {  	_ = 	snop  }
0x6: {  	_ = 	snop  }
0x7: {  	_ = 	snop  }
__scs_overlays_trampoline_lowered:
0x8: {  	[smem:$0x3F96] =	sst s0  }
0x9: {  	[smem:$0x3F97] =	sst s1  }
0xa: {  	[smem:$0x3F98] =	sst s2  }
0xb: {  	[smem:$0x3F99] =	sst s3  }
0xc: {  	[smem:$0x3F9A] =	sst s4  }
0xd: {  	[smem:$0x3F9B] =	sst s5  }
0xe: {  	[smem:$0x3F9C] =	sst s6  }
0xf: {  	[smem:$0x3F9D] =	sst s7  }
0x10: {  	[smem:$0x3F9E] =	sst s8  }
0x11: {  	[smem:$0x3F9F] =	sst s9;
	s0 =	simm.s32 @!p0 $0x0  }
0x12: {  	s1 =	sld [smem:$0x3F85];
	s0 =	simm.s32 @p0 $0x1  }
0x13: {  	[smem:$0x3FA0] =	sst s0;
	s0 =	simm.s32 @!p1 $0x0  }
0x14: {  	s2 =	sld [smem:$0x3F84];
	s0 =	simm.s32 @p1 $0x1  }
0x15: {  	[smem:$0x3FA1] =	sst s0;
	s0 =	simm.s32 @!p2 $0x0  }
0x16: {  	s3 =	sld [smem:$0x3FDB];
	s0 =	simm.s32 @p2 $0x1  }
0x17: {  	s4 =	simm.s32 $0x1BF5;
	[smem:$0x3FA3] =	sst s0  }
0x18: {  	s0 =	sld [smem:$0x3F86];
	_ =	swait.ge [sflag:s4], $0x0  }
0x19: {  	s7 =	sld [smem:$0x3F87]  }
0x1a: {  	s8 =	sadd.s32 $0xFFFFE003, lr  }
0x1b: {  	s9 =	sadd.s32 $0xFFFFFEF7, lr;
	s5 =	simm.s32 $0xFFFFFFFF;
	p2 =	slt.u32 s8, $0xFFFFF086  }
0x1c: {  	p1 =	slt.u32 s9, $0xF7A;
	s5 =	simm.s32 @!p2 $0x0  }
0x1d: {  	s5 =	simm.s32 @p1 $0x1;
	p0 =	seq.s32 s7, s2  }
0x1e: {  	s7 =	smul.u32 @!p0 $0xF7A, s2;
	p2 =	seq.s32 @!p0 s5, $0x0  }
0x1f: {  	s9 =	smul.u32 $0xF7A, s1;
	s8 =	simm.s32 @!p0 $0x1BF5;
	p2 =	por !p2, p0  }
0x20: {  	[sflag:s8] =	ssyncset.s32 @!p0 $0xFFFFF086;
	s6 =	sadd.s32 @!p0 s3, s7;
	s7 =	simm.s32 @!p0 $0x108  }
0x21: {  	s3 =	sadd.s32 s3, s9;
	s6 =	sadd.s32 @!p0 $0x88, s6;
	s7 =	simm.s32 @p2 $0x1082  }
0x22: {  	[simem:s7], [sflag:s8] =	dma.local @!p0 [hbm:s6], $0xF7A  }
0x23: {  	s9 =	sor.u32 $0xD0000000, s2;
	s6 =	simm.s32 $0x108;
	_ =	swait.ge @!p0 [sflag:s8], $0x0  }
0x24: {  	s3 =	sadd.s32 $0x88, s3;
	s6 =	simm.s32 @!p1 $0x1082;
	[sflag:s4] =	ssyncset.s32 $0xFFFFF086  }
0x25: {  	[simem:s6], [sflag:s4] =	dma.local [hbm:s3], $0xF7A  }
0x26: {  	[smem:$0x3F87] =	sst s1;
	(tag) =	ssettag s2;
	_ =	strace s9  }
0x27: {  	s1 =	sld [smem:$0x3F97]  }
0x28: {  	s2 =	sld [smem:$0x3F98]  }
0x29: {  	s4 =	sld [smem:$0x3F9A]  }
0x2a: {  	p0 =	seq.s32 s5, $0x0;
	s5 =	sld [smem:$0x3F9B]  }
0x2b: {  	s6 =	sld [smem:$0x3F9C]  }
0x2c: {  	s7 =	sld [smem:$0x3F9D]  }
0x2d: {  	s3 =	simm.s32 $0x108;
	s8 =	sld [smem:$0x3F9E]  }
0x2e: {  	s3 =	simm.s32 @!p0 $0x1082;
	s9 =	sld [smem:$0x3F9F]  }
0x2f: {  	lr =	sadd.s32 s0, s3;
	s0 =	sld [smem:$0x3F96]  }
0x30: {  	s3 =	sld [smem:$0x3F99]  }
0x31: {  	[smem:$0x3FA2] =	sst s10  }
0x32: {  	s10 =	sld [smem:$0x3FA0];
	_ =	sdelay $0x3  }
0x33: {  	p0 =	seq.s32 s10, $0x1;
	s10 =	sld [smem:$0x3FA2];
	_ =	sdelay $0x3  }
0x34: {  	[smem:$0x3FA2] =	sst s10  }
0x35: {  	s10 =	sld [smem:$0x3FA1];
	_ =	sdelay $0x3  }
0x36: {  	p1 =	seq.s32 s10, $0x1;
	s10 =	sld [smem:$0x3FA2];
	_ =	sdelay $0x3  }
0x37: {  	[smem:$0x3FA2] =	sst s10  }
0x38: {  	s10 =	sld [smem:$0x3FA3]  }
0x39: {  	_ = 	snop;
	(pc) =	sbr.ind lr, $3  }
0x3a: {  	_ = 	snop  }
0x3b: {  	_ = 	snop  }
0x3c: {  	p2 =	seq.s32 s10, $0x1;
	s10 =	sld [smem:$0x3FA2]  }
0x3d: {  	_ =	shalt  }
0x3e: {  	_ =	shalt  }
0x3f: {  	_ =	shalt  }
0x40: {  	_ =	shalt  }
0x41: {  	_ =	shalt  }
0x42: {  	_ =	shalt  }
0x43: {  	_ =	shalt  }
0x44: {  	_ =	shalt  }
0x45: {  	_ =	shalt  }
0x46: {  	_ =	shalt  }
0x47: {  	_ =	shalt  }
0x48: {  	_ =	shalt  }
0x49: {  	_ =	shalt  }
0x4a: {  	_ =	shalt  }
0x4b: {  	_ =	shalt  }
0x4c: {  	_ =	shalt  }
0x4d: {  	_ =	shalt  }
0x4e: {  	_ =	shalt  }
0x4f: {  	_ =	shalt  }
0x50: {  	_ =	shalt  }
0x51: {  	_ =	shalt  }
0x52: {  	_ =	shalt  }
0x53: {  	_ =	shalt  }
0x54: {  	_ =	shalt  }
0x55: {  	_ =	shalt  }
0x56: {  	_ =	shalt  }
0x57: {  	_ =	shalt  }
0x58: {  	_ =	shalt  }
0x59: {  	_ =	shalt  }
0x5a: {  	_ =	shalt  }
0x5b: {  	_ =	shalt  }
0x5c: {  	_ =	shalt  }
0x5d: {  	_ =	shalt  }
0x5e: {  	_ =	shalt  }
0x5f: {  	_ =	shalt  }
0x60: {  	_ =	shalt  }
0x61: {  	_ =	shalt  }
0x62: {  	_ =	shalt  }
0x63: {  	_ =	shalt  }
0x64: {  	_ =	shalt  }
0x65: {  	_ =	shalt  }
0x66: {  	_ =	shalt  }
0x67: {  	_ =	shalt  }
0x68: {  	_ =	shalt  }
0x69: {  	_ =	shalt  }
0x6a: {  	_ =	shalt  }
0x6b: {  	_ =	shalt  }
0x6c: {  	_ =	shalt  }
0x6d: {  	_ =	shalt  }
0x6e: {  	_ =	shalt  }
0x6f: {  	_ =	shalt  }
0x70: {  	_ =	shalt  }
0x71: {  	_ =	shalt  }
0x72: {  	_ =	shalt  }
0x73: {  	_ =	shalt  }
0x74: {  	_ =	shalt  }
0x75: {  	_ =	shalt  }
0x76: {  	_ =	shalt  }
0x77: {  	_ =	shalt  }
0x78: {  	_ =	shalt  }
0x79: {  	_ =	shalt  }
0x7a: {  	_ =	shalt  }
0x7b: {  	_ =	shalt  }
0x7c: {  	_ =	shalt  }
0x7d: {  	_ =	shalt  }
0x7e: {  	_ =	shalt  }
0x7f: {  	_ =	shalt  }
0x80: {  	_ =	shalt  }
0x81: {  	_ =	shalt  }
0x82: {  	_ =	shalt  }
0x83: {  	_ =	shalt  }
0x84: {  	_ =	shalt  }
0x85: {  	_ =	shalt  }
0x86: {  	_ =	shalt  }
0x87: {  	_ =	shalt  }
.Lfunc_end0:
.L_simem_size_0:
called_computation_lowered:
.L_overlay_start_0:
0x88: {  	s2 =	sld [smem:$0x3FD9]  }
0x89: {  	s3 =	sld [smem:$0x3FFE];
	_ =	sdelay $0x1  }
0x8a: {  	s1 =	srdreg.scid  }
0x8b: {  	s0 =	sand.u32 $0x1, s1  }
0x8c: {  	s12 =	sshll.u32 s0, $0xA;
	s2 =	sadd.s32 s3, s2  }
0x8d: {  	s2 =	sadd.s32 s2, s12  }
0x8e: {  	[smem:$0x3FAE] =	sst s2  }
0x8f: {  	_ = 	snop  }
0x90: {  	s4 =	sld [smem:$0x3FD0];
	(tm) =	ssettm $0x1  }
0x91: {  	s13 =	sld [smem:$0x3FFB];
	_ =	sdelay $0x3  }
0x92: {  	_ =	strace s13  }
0x93: {  	s2 =	sld [smem:$0x3FFC];
	_ =	sdelay $0x3  }
0x94: {  	_ =	strace s2  }
0x95: {  	s2 =	sld [smem:$0x3FFD];
	_ =	sdelay $0x3  }
0x96: {  	_ =	strace s2  }
0x97: {  	_ =	strace $0x8FFFFFFF  }
0x98: {  	s14 =	sld [smem:$0x3FDB];
	_ =	sdelay $0x1  }
0x99: {  	s15 =	simm.s32 $_scs_section_size  }
0x9a: {  	s5 =	simm.s32 $_size__tile_overlayer_lowered;
	s6 =	simm.s32 $_tile_overlayer_lowered  }
0x9b: {  	s19 =	simm.s32 $0x1BFF;
	s17 =	sshll.u32 s6, $0x1;
	s7 =	sadd.s32 s15, s14  }
0x9c: {  	s20 =	simm.s32 $0x0;
	s16 =	sshll.u32 s5, $0x1;
	s18 =	sadd.s32 s17, s7  }
0x9d: {  	[timem:s20], [sflag:s19] =	dma.local [hbm:s18], s16  }
0x9e: {  	_ =	swait.ge [sflag:s19], s16  }
0x9f: {  	s3 =	ssub.s32 $0x0, s16;
	[sflag:s19] =	ssyncset.done $0x0  }
0xa0: {  	[sflag:s19] =	ssyncadd.s32 s3;
	_ =	sdelay $0x1  }
0xa1: {  	s21 =	simm.s32 $0x1B8B  }
0xa2: {  	_ =	swait.ge [sflag:s21], $0x1  }
0xa3: {  	[sflag:s21] =	ssyncset.done $0x0  }
0xa4: {  	[sflag:s21] =	ssyncadd.s32 $0xFFFFFFFF  }
0xa5: {  	s3 =	sld [smem:$0x0]  }
0xa6: {  	s5 =	sand.u32 $0xFFFFFFFE, s1  }
0xa7: {  	p0 =	sne.s32 s1, s5  }
0xa8: {  	s5 =	sshll.u32 @p0 s5, $0xE  }
0xa9: {  	s6 =	sadd.s32 @p0 $0x11B8D, s5;
	s8 =	sshll.u32 @p0 s3, $0x11  }
0xaa: {  	s6 =	sor.u32 @p0 s8, s6  }
0xab: {  	[sflag:s6] =	ssyncadd.remote.s32 @p0 $0x1;
	_ =	sdelay $0x1  }
0xac: {  	s6 =	simm.s32 @p0 $0x1B8D  }
0xad: {  	_ =	swait.eq @p0 [sflag:s6], $0x1  }
0xae: {  	[sflag:s6] =	ssyncadd.s32 @p0 $0xFFFFFFFF  }
0xaf: {  	s8 =	sshll.u32 @!p0 s1, $0xE  }
0xb0: {  	s8 =	sor.u32 @!p0 $0x4000, s8;
	s6 =	simm.s32 @!p0 $0x1B8D  }
0xb1: {  	s10 =	sshll.u32 @!p0 s3, $0x11;
	s9 =	sadd.s32 @!p0 $0x11B8D, s8;
	_ =	swait.eq @!p0 [sflag:s6], $0x1  }
0xb2: {  	[sflag:s6] =	ssyncadd.s32 @!p0 $0xFFFFFFFF;
	s6 =	sor.u32 @!p0 s10, s9  }
0xb3: {  	s23 =	simm.s32 $0x1B8E;
	s22 =	sld [smem:$0x3FFE];
	[sflag:s6] =	ssyncadd.remote.s32 @!p0 $0x1  }
0xb4: {  	s24 =	simm.s32 $execute0_lowered;
	[smem:$0x3FD2] =	sst s23  }
0xb5: {  	s9 =	sshll.u32 s24, $0x1;
	_ =	strace $0x8000004F;
	[dreg:$0x1] =	wrdreg $0xFFFFFFFF  }
0xb6: {  	s25 =	simm.s32 $_size_execute0_lowered;
	s9 =	sadd.s32 s7, s9;
	[dreg:$0x0] =	wrdreg $0x0  }
0xb7: {  	s10 =	sshll.u32 s25, $0x1;
	[dreg:$0x2] =	wrdreg s9  }
0xb8: {  	[dreg:$0x3] =	wrdreg s10  }
0xb9: {  	[dreg:$0x4] =	wrdreg $0xC0  }
0xba: {  	s26 =	simm.s32 $execute1_lowered;
	_ =	task [dreg:s20], $0x5FFFF  }
0xbb: {  	s9 =	sshll.u32 s26, $0x1;
	[dreg:$0x1] =	wrdreg $0xFFFFFFFF  }
0xbc: {  	s7 =	sadd.s32 s7, s9;
	[dreg:$0x0] =	wrdreg $0x60  }
0xbd: {  	[dreg:$0x2] =	wrdreg s7  }
0xbe: {  	[dreg:$0x3] =	wrdreg s4  }
0xbf: {  	[dreg:$0x4] =	wrdreg s22  }
0xc0: {  	[dreg:$0x5] =	wrdreg $0x9  }
0xc1: {  	_ =	task.clear_ibuf [dreg:s20], $0x6FFFF;
	_ =	strace $0x9000004F  }
0xc2: {  	s28 =	simm.s32 $0x9;
	_ =	strace $0x80000051  }
0xc3: {  	_ =	swait.ge [sflag:s28], $0x1  }
0xc4: {  	[sflag:s28] =	ssyncadd.s32 $0xFFFFFFFF  }
0xc5: {  	_ =	strace $0x90000051  }
0xc6: {  	s4 =	sld [smem:$0x0];
	_ =	sdelay $0x3  }
0xc7: {  	s5 =	sadd.s32 @p0 $0x11BF3, s5;
	s7 =	sshll.u32 @p0 s4, $0x11  }
0xc8: {  	s5 =	sor.u32 @p0 s7, s5  }
0xc9: {  	[sflag:s5] =	ssyncadd.remote.s32 @p0 $0x1;
	_ =	sdelay $0x1  }
0xca: {  	s5 =	simm.s32 @p0 $0x1BF3  }
0xcb: {  	_ =	swait.eq @p0 [sflag:s5], $0x1  }
0xcc: {  	[sflag:s5] =	ssyncadd.s32 @p0 $0xFFFFFFFF;
	_ =	sdelay $0x1  }
0xcd: {  	s5 =	simm.s32 @!p0 $0x1BF3  }
0xce: {  	s4 =	sshll.u32 @!p0 s4, $0x11;
	s7 =	sadd.s32 @!p0 $0x11BF3, s8;
	_ =	swait.eq @!p0 [sflag:s5], $0x1  }
0xcf: {  	s4 =	sor.u32 @!p0 s4, s7;
	[sflag:s5] =	ssyncadd.s32 @!p0 $0xFFFFFFFF  }
0xd0: {  	[sflag:s4] =	ssyncadd.remote.s32 @!p0 $0x1  }
0xd1: {  	_ =	strace $0x80000052;
	[dreg:$0x1] =	wrdreg $0xFFFFFFFF  }
0xd2: {  	[dreg:$0x0] =	wrdreg $0x2030  }
0xd3: {  	[dreg:$0x2] =	wrdreg s22  }
0xd4: {  	[dreg:$0x3] =	wrdreg s1  }
0xd5: {  	[dreg:$0x4] =	wrdreg s3  }
0xd6: {  	[dreg:$0x5] =	wrdreg $0xA  }
0xd7: {  	_ =	task.clear_ibuf [dreg:s20], $0x6FFFF;
	_ =	strace $0x90000052  }
0xd8: {  	s29 =	simm.s32 $0xA;
	_ =	strace $0x80000054  }
0xd9: {  	_ =	swait.ge [sflag:s29], $0x1  }
0xda: {  	[sflag:s29] =	ssyncadd.s32 $0xFFFFFFFF  }
0xdb: {  	_ =	strace $0x90000054  }
0xdc: {  	_ =	sfence  }
0xdd: {  	s30 =	sld [smem:$0x0];
	_ =	sdelay $0x2  }
0xde: {  	s31 =	sshll.u32 s1, $0xD;
	s1 =	sshrl.u32 s1, $0x2  }
0xdf: {  	s4 =	sand.u32 $0x4000, s31;
	s1 =	sadd.s32 s1, s30  }
0xe0: {  	s0 =	sor.u32 s4, s0;
	s1 =	sshll.u32 s1, $0x11  }
0xe1: {  	s0 =	sor.u32 s1, s0  }
0xe2: {  	s0 =	sadd.s32 $0x8F2B, s0  }
0xe3: {  	[sflag:s0] =	ssyncadd.remote.s32 $0x1  }
0xe4: {  	_ =	sfence.sel $0xFFFF  }
0xe5: {  	[dreg:$0x0] =	wrdreg $0xFFFFFFFF;
	(pc) =	sbr.abs _section_cstart, $3  }
0xe6: {  	[dreg:$0x1] =	wrdreg $0xFFFFFFFF  }
0xe7: {  	_ =	task.clear_ibuf [dreg:s20], $0x2FFFF;
	_ =	strace $0x9FFFFFFF  }
0xe8: {  	(tm) =	ssettm $0x7FFFFFFF  }
0xe9: {  	_ =	shalt  }
tec
execute0_lowered:
.L_overlay_start_1:
0x0: {  	(tag) =	ssettag $0x1  }
0x1: {  	s3 =	rddreg [dreg:$0x0]  }
0x2: {  	s2 =	rddreg [dreg:$0x1]  }
0x3: {  	s5 =	rddreg [dreg:$0x2]  }
0x4: {  	s0 =	rddreg [dreg:$0x3];
	s4 =	stileid.u32;
	[bflag:$0x3] =	sbarrier.arrive $0xFFFF  }
0x5: {  	s1 =	simm.s32 $_size_execute1_lowered;
	s29 =	srdreg.scid;
	p0 =	sne.s32 s4, $0x0  }
0x6: {  	s1 =	sshll.u32 s1, $0x1;
	s6 =	simm.s32 @!p0 $0x1C3F;
	s7 =	simm.s32 @!p0 $0x4060  }
0x7: {  	[timem:s7], [sflag:s6] =	dma.local @!p0 [hbm:s3], s1  }
0x8: {  	s3 =	sshll.u32 s29, $0x8  }
0x9: {  	s8 =	simm.s32 $0x2;
	s4 =	sshll.u32 s4, $0x9;
	s3 =	sand.u32 $0x100, s3  }
0xa: {  	s13 =	simm.s32 $0x0;
	s9 =	simm.s32 $0x80;
	s3 =	sor.u32 s4, s3  }
0xb: {  	s10 =	simm.s32 $0x0;
	s12 =	simm.s32 $0x0;
	s30 =	ssub.s32 $0x27100, s3  }
.Ltmp0:
0xc: {  	s5 =	sadd.s32 $0x273200, s5;
	s31 =	sand.u32 $0x1F00, s30;
	(pc) =	sbr.rel .LBB2_1-.Ltmp0, $4  }
0xd: {  	s7 =	simm.s32 $0x1;
	_ =	strace $0x80000050;
	p1 =	sne.s32 s31, $0x0  }
0xe: {  	s4 =	simm.s32 $0x1;
	s6 =	sshrl.u32 s30, $0xD;
	s7 =	simm.s32 @!p1 $0x0  }
0xf: {  	[sflag:s4] =	ssyncpa.u1 $0x0;
	s11 =	smov.u32 s3;
	s6 =	sadd.s32 s7, s6  }
0x10: {  	[sflag:s8] =	ssyncpa.u1 $0x0;
	s8 =	simm.s32 $0x40;
	s7 =	sadd.s32 $0x1, s6  }
.LBB2_4:
0x11: {  	s13 =	sand.u32 $0x1FFFFFF, s13  }
0x12: {  	s16 =	smulhi.u32 $0x1A36E2F, s13;
	_ =	sdelay $0x1  }
0x13: {  	s16 =	sshrl.u32 s16, $0xA  }
0x14: {  	s16 =	smul.u32 $0x27100, s16  }
0x15: {  	[tilespmem:v2+s14+$0x30 ss:$0x1] =	vst.idx.msk $0xffff, v1  }
0x16: {  	[tilespmem:v2+s14+$0x0 ss:$0x1] =	vst.idx.msk $0xffff, v3;
	s13 =	ssub.s32 s13, s16  }
0x17: {  	[tilespmem:v2+s14+$0x10 ss:$0x1] =	vst.idx.msk $0xffff, v4;
	s13 =	sshll.u32 s13, $0x4  }
0x18: {  	[tilespmem:v2+s14+$0x20 ss:$0x1] =	vst.idx.msk $0xffff, v5;
	s13 =	sadd.s32 s5, s13  }
0x19: {  	[hbm4b:s13+s8] =	stream.strided.scatter [tilespmem:s15], [sflag:$0x2], $0x4000, s9, s8, $0x38;
	[tilespmem:$0x10000] =	vst v63  }
.LBB2_5:
0x1a: {  	s15 =	sadd.s32 $0x2000, s11  }
0x1b: {  	p2 =	sgt.s32 s15, $0x270FF  }
0x1c: {  	s15 =	smov.u32 @p2 s3;
	p2 =	sne.s32 s12, s7  }
.Ltmp1:
0x1d: {  	p1 =	slt.u32 s12, $0x2;
	(pc) =	sbr.rel @!p2 .LBB2_6-.Ltmp1, $4  }
0x1e: {  	s14 =	simm.s32 @!p1 $0x2  }
0x1f: {  	s16 =	sadd.s32 $0x1, s12;
	_ =	swait.ge @!p1 [sflag:s14], $0x4000  }
0x20: {  	s13 =	smov.u32 s11;
	s10 =	sadd.s32 $0x4000, s10;
	[sflag:s14] =	ssyncset.done @!p1 $0x0  }
0x21: {  	s12 =	smov.u32 s16;
	s11 =	smov.u32 s15;
	[sflag:s14] =	ssyncadd.s32 @!p1 $0xFFFFC000  }
.LBB2_1:
0x22: {  	p1 =	sge.u32 s12, s6  }
0x23: {  	s14 =	sand.u32 @!p1 $0x1FFFFFF, s11  }
0x24: {  	s15 =	smulhi.u32 @!p1 $0x1A36E2F, s14;
	_ =	sdelay $0x1  }
0x25: {  	s15 =	sshrl.u32 @!p1 s15, $0xA  }
0x26: {  	s15 =	smul.u32 @!p1 $0x27100, s15;
	_ =	sdelay $0x1  }
0x27: {  	s31 =	sadd.s32 $0xFFFFFFFF, s12;
	s16 =	sxor.u32 @!p1 $0xFFFFFFFF, s12;
	s14 =	ssub.s32 @!p1 s14, s15  }
0x28: {  	s17 =	simm.s32 @!p1 $0x80;
	s16 =	sshll.u32 @!p1 s16, $0xE;
	s14 =	sshll.u32 @!p1 s14, $0x4  }
0x29: {  	s15 =	sand.u32 @!p1 $0x4000, s16;
	s16 =	simm.s32 @!p1 $0x40;
	s14 =	sadd.s32 @!p1 s2, s14  }
0x2a: {  	[tilespmem:s15], [sflag:$0x1] =	stream.strided.gather @!p1 [hbm4b:s14+s16], $0x4000, s17, s16, $0x38;
	[tilespmem:$0x10000] =	vst v63  }
0x2b: {  	p1 =	sge.u32 s31, s6  }
.Ltmp2:
0x2c: {  	_ = 	snop;
	(pc) =	sbr.rel @p1 .LBB2_5-.Ltmp2, $1  }
0x2d: {  	_ =	sdelay $0x3  }
0x2e: {  	s15 =	sand.u32 $0x4000, s10  }
0x2f: {  	s14 =	sor.u32 $0x20, s15  }
0x30: {  	v0 =	vmov s14;
	_ =	sdelay $0x1  }
0x31: {  	_ =	swait.ge [sflag:s4], $0x4000  }
0x32: {  	[sflag:s4] =	ssyncset.done $0x0  }
0x33: {  	[sflag:s4] =	ssyncadd.s32 $0xFFFFC000;
	s14 =	simm.s32 $0x0  }
0x34: {  	s17 =	sor.u32 $0x8000, s15;
	v1 =	vld.idx.msk [tilespmem:v0+s14+$0x10 ss:$0x1], $0xffff  }
0x35: {  	s16 =	sshll.u32 s12, $0xE;
	v2 =	vmov s17;
	v3 =	vld.idx.msk [tilespmem:v0+s14+$0xFFFFFFE0 ss:$0x1], $0xffff  }
0x36: {  	s31 =	sand.u32 $0x4000, s16;
	v4 =	vld.idx.msk [tilespmem:v0+s14+$0xFFFFFFF0 ss:$0x1], $0xffff  }
0x37: {  	s16 =	simm.s32 $0x100;
	s15 =	sor.u32 $0x8000, s31;
	v5 =	vld.idx.msk [tilespmem:v0+s14+$0x0 ss:$0x1], $0xffff  }
.LBB2_3:
0x38: {  	p1 =	sne.s32 s16, $0xFF00  }
.Ltmp3:
0x39: {  	s17 =	sshra.s32 s16, $0x2;
	s16 =	sadd.s32 $0x100, s16;
	(pc) =	sbr.rel @p1 .LBB2_3-.Ltmp3, $4  }
0x3a: {  	[tilespmem:v2+s14+$0x30 ss:$0x1] =	vst.idx.msk $0xffff, v1;
	v1 =	vld.idx.msk [tilespmem:v0+s17+$0x10 ss:$0x1], $0xffff  }
0x3b: {  	[tilespmem:v2+s14+$0x0 ss:$0x1] =	vst.idx.msk $0xffff, v3;
	v3 =	vld.idx.msk [tilespmem:v0+s17+$0xFFFFFFE0 ss:$0x1], $0xffff  }
0x3c: {  	[tilespmem:v2+s14+$0x10 ss:$0x1] =	vst.idx.msk $0xffff, v4;
	v4 =	vld.idx.msk [tilespmem:v0+s17+$0xFFFFFFF0 ss:$0x1], $0xffff  }
0x3d: {  	[tilespmem:v2+s14+$0x20 ss:$0x1] =	vst.idx.msk $0xffff, v5;
	v5 =	vld.idx.msk [tilespmem:v0+s17+$0x0 ss:$0x1], $0xffff;
	s14 =	smov.u32 s17  }
.Ltmp4:
0x3e: {  	_ = 	snop;
	(pc) =	sbr.rel .LBB2_4-.Ltmp4, $1  }
0x3f: {  	_ =	sdelay $0x3  }
.LBB2_6:
0x40: {  	_ =	sfence.sel $0x180000  }
0x41: {  	s2 =	simm.s32 $0x1;
	[bflag:$0x0] =	sbarrier.arrive $0xFFFF  }
0x42: {  	s31 =	simm.s32 $0x2;
	[sflag:s2] =	ssyncpa.u1 $0x1  }
0x43: {  	[sflag:s31] =	ssyncpa.u1 $0x1  }
0x44: {  	_ =	strace $0x90000050  }
0x45: {  	s0 =	sadd.s32 @!p0 $0x100000, s0;
	[bflag:$0x2] =	sbarrier.arrive $0xFFFF  }
0x46: {  	[sflag:s0] =	ssyncadd.tile.s32 @!p0 $0x1;
	s0 =	simm.s32 @!p0 $0x3F  }
0x47: {  	_ =	swait.ge @!p0 [sflag:s0], s1  }
0x48: {  	s1 =	ssub.s32 @!p0 $0x0, s1;
	[sflag:s0] =	ssyncset.done @!p0 $0x0  }
0x49: {  	[sflag:s0] =	ssyncadd.s32 @!p0 s1  }
0x4a: {  	[bflag:$0x3] =	sbarrier.arrive $0xFFFF  }
0x4b: {  	_ =	shalt  }
.Lfunc_end2:
execute1_lowered:
.L_overlay_start_2:
0x4c: {  	(tag) =	ssettag $0x2  }
0x4d: {  	s2 =	rddreg [dreg:$0x0]  }
0x4e: {  	s4 =	rddreg [dreg:$0x1];
	_ =	strace $0x80000053;
	s0 =	simm.s32 $0x1  }
0x4f: {  	s3 =	simm.s32 $0x88;
	v0 =	vimm.s32 $0x0;
	[sflag:s0] =	ssyncpa.u1 $0x0  }
0x50: {  	s1 =	sadd.s32 $0x273200, s2;
	[tilespmem:s3+$0x30] =	vst v0  }
0x51: {  	s0 =	sadd.s32 $0xC37200, s2;
	s6 =	sadd.s32 $0x112CE00, s2;
	[tilespmem:s3+$0x20] =	vst v0  }
0x52: {  	s2 =	sadd.s32 $0xC41000, s2;
	s7 =	sand.u32 $0x1, s4;
	s4 =	simm.s32 $0x40;
	[tilespmem:s3+$0x10] =	vst v0  }
.LBB3_1:
0x53: {  	s4 =	sadd.s32 $0x40, s4  }
0x54: {  	[tilespmem:s3+$0x0] =	vst v0;
	s3 =	sadd.s32 $0x40, s3;
	p0 =	slt.u32 s4, $0x5040  }
.Ltmp5:
0x55: {  	(pc) =	sbr.rel @p0 .LBB3_1-.Ltmp5, $4  }
0x56: {  	_ = 	snop  }
0x57: {  	[tilespmem:s3+$0x30] =	vst v0  }
0x58: {  	[tilespmem:s3+$0x20] =	vst v0  }
0x59: {  	[tilespmem:s3+$0x10] =	vst v0  }
0x5a: {  	s8 =	stileid.u32  }
0x5b: {  	s4 =	smul.u32 $0x1F, s8  }
0x5c: {  	s5 =	smin.u32 s8, $0x4  }
0x5d: {  	s4 =	sadd.s32 s5, s4  }
0x5e: {  	p0 =	slt.u32 s8, $0x4;
	s12 =	smul.u32 $0x140, s4;
	s4 =	simm.s32 $0x2800  }
0x5f: {  	s4 =	simm.s32 @!p0 $0x26C0  }
0x60: {  	s25 =	simm.s32 $0x2;
	s4 =	sadd.s32 s4, s12  }
0x61: {  	s28 =	simm.s32 $0x9;
	s9 =	simm.s32 $0xA;
	s14 =	smin.u32 s4, $0x27100  }
0x62: {  	s30 =	simm.s32 $0xB;
	[dreg:$0x4] =	wrdreg s7;
	s4 =	ssub.s32 s14, s12  }
0x63: {  	s31 =	smul.u32 $0x4E20, s7;
	s13 =	simm.s32 $0x1;
	p0 =	sgt.s32 s4, $0x0  }
0x64: {  	s19 =	simm.s32 $0x0;
	s20 =	simm.s32 $0xA808;
	s4 =	simm.s32 @!p0 $0x0  }
0x65: {  	s21 =	simm.s32 $0xFFFFFFFF;
	p1 =	por $0x0, $0x0;
	s26 =	smulhi.u32 $0x66666667, s4  }
0x66: {  	[tilespmem:s3+$0x0] =	vst v0;
	s23 =	simm.s32 $0x0;
	[sflag:s25] =	ssyncpa.u1 $0x0;
	s18 =	sshll.u32 s8, $0x7  }
0x67: {  	s0 =	sadd.s32 s31, s0;
	[dreg:$0xa] =	wrdreg s18;
	s3 =	sshrl.u32 s26, $0x7  }
0x68: {  	v0 =	vimm.s32 $0xFFFFFFFF;
	s17 =	sadd.s32 s31, s2;
	[dreg:$0x9] =	wrdreg s0;
	s29 =	smul.u32 $0x140, s3  }
0x69: {  	s25 =	simm.s32 $0x0;
	[tilespmem:$0xA108] =	vst v0;
	[sflag:s28] =	ssyncpa.u1 $0x0;
	[dreg:$0x8] =	wrdreg s17  }
.Ltmp6:
0x6a: {  	p0 =	sne.s32 s4, s29;
	s4 =	simm.s32 $0x1;
	(pc) =	sbr.rel .LBB3_3-.Ltmp6, $4  }
0x6b: {  	[sflag:s9] =	ssyncpa.u1 $0x0;
	[dreg:$0x5] =	wrdreg s12;
	s4 =	simm.s32 @!p0 $0x0  }
0x6c: {  	[sflag:s30] =	ssyncpa.u1 $0x0;
	[dreg:$0x6] =	wrdreg s14;
	s15 =	sadd.s32 s4, s3  }
0x6d: {  	s24 =	smov.u32 s12;
	s22 =	sadd.s32 $0x1, s15;
	[dreg:$0x7] =	wrdreg s15  }
0x6e: {  	v0 =	vlaneseq.u32;
	s26 =	simm.s32 $0x0;
	p0 =	por $0x1, $0x1;
	[dreg:$0xb] =	wrdreg s22  }
.LBB3_22:
0x6f: {  	s0 =	sshrl.u32 s3, $0x2  }
.LBB3_24:
0x70: {  	s3 =	simm.s32 $0xC  }
0x71: {  	_ =	swait.ge [sflag:s3], s0  }
0x72: {  	s31 =	ssub.s32 $0x0, s0;
	v1 =	vmov s4;
	vm0 =	veq.s32 v0, $0x0;
	[sflag:s3] =	ssyncset.done $0x0  }
0x73: {  	vm15 =	veq.s32 v0, $0x2;
	v1 =	vsel vm0, s2, v1;
	[sflag:s3] =	ssyncadd.s32 s31  }
0x74: {  	v1 =	vsel vm15, s26, v1;
	[sflag:s3] =	ssyncpa.u1 $0x1  }
0x75: {  	[tilespmem:$0xA108] =	vst v1  }
.LBB3_25:
0x76: {  	s0 =	sadd.s32 $0x140, s24  }
0x77: {  	s2 =	smov.u32 s12;
	p2 =	slt.s32 s0, s14  }
0x78: {  	s2 =	smov.u32 @p2 s0;
	p2 =	sne.s32 s25, s22  }
.Ltmp7:
0x79: {  	_ = 	snop;
	(pc) =	sbr.rel @!p2 .LBB3_26-.Ltmp7, $4  }
0x7a: {  	_ = 	snop  }
0x7b: {  	s26 =	smov.u32 s23;
	s31 =	sadd.s32 $0x1, s25;
	p0 =	por !p0, !p0  }
0x7c: {  	s23 =	smov.u32 s24;
	s20 =	sadd.s32 $0x140, s20;
	s21 =	sadd.s32 $0x1, s21  }
0x7d: {  	p1 =	por !p1, !p1;
	s25 =	smov.u32 s31;
	s24 =	smov.u32 s2  }
.LBB3_3:
0x7e: {  	p2 =	sge.u32 s25, s15  }
0x7f: {  	s0 =	smulhi.u32 @!p2 $0xAAAAAAAB, s25  }
0x80: {  	s2 =	smov.u32 s24;
	p3 =	sgt.s32 @!p2 s24, $0x26FC0  }
0x81: {  	s3 =	sshra.s32 @!p2 s24, $0x1F;
	p3 =	por !p3, p2;
	s0 =	sshrl.u32 @!p2 s0, $0x1  }
0x82: {  	s3 =	sand.u32 @!p2 s3, s24;
	s2 =	simm.s32 @p3 $0x26FC0;
	s0 =	smul.u32 @!p2 $0x3, s0  }
0x83: {  	s2 =	ssub.s32 @!p2 s2, s3  }
0x84: {  	s2 =	sadd.s32 @!p2 $0xFFFD9040, s2;
	s0 =	ssub.s32 @!p2 s25, s0  }
0x85: {  	s3 =	sshll.u32 @!p2 s2, $0x2;
	p3 =	sgt.s32 @!p2 s2, $0x13F;
	s0 =	smul.u32 @!p2 $0x500, s0  }
0x86: {  	s4 =	sand.u32 @!p2 $0x7, s24;
	s2 =	ssub.s32 @!p2 $0x500, s3;
	p3 =	por !p3, p2  }
0x87: {  	s3 =	sshrl.u32 @!p2 s24, $0x3;
	s2 =	sshrl.u32 @!p2 s2, $0x2;
	s0 =	sshrl.u32 @!p2 s0, $0x2  }
0x88: {  	s3 =	sadd.s32 @!p2 s3, s17;
	s2 =	simm.s32 @!p3 $0x0;
	s0 =	sadd.s32 @!p2 $0xA948, s0  }
0x89: {  	[tilespmem:s0], [sflag:$0xA] =	stream.linear.gather @!p2 [hbm4b:s3+s4], s2, $0x38;
	[tilespmem:$0x1EF88] =	vst v63  }
0x8a: {  	s0 =	sadd.s32 $0xFFFFFFFF, s25  }
0x8b: {  	p2 =	sge.u32 s0, s15  }
.Ltmp8:
0x8c: {  	_ = 	snop;
	(pc) =	sbr.rel @p2 .LBB3_7-.Ltmp8, $1  }
0x8d: {  	_ =	sdelay $0x3  }
0x8e: {  	p2 =	sgt.s32 s23, $0x26FC0;
	s2 =	smov.u32 s23;
	s3 =	sshra.s32 s23, $0x1F  }
0x8f: {  	s2 =	simm.s32 @!p2 $0x26FC0;
	s3 =	sand.u32 s3, s23  }
0x90: {  	s17 =	smulhi.u32 $0xAAAAAAAB, s21;
	s2 =	ssub.s32 s2, s3  }
0x91: {  	s0 =	sand.u32 $0x1, s0;
	s2 =	sadd.s32 $0xFFFD9040, s2  }
0x92: {  	s5 =	simm.s32 $0xA;
	s3 =	sshrl.u32 s17, $0x1;
	s4 =	sshll.u32 s2, $0x2  }
0x93: {  	s7 =	sshrl.u32 s23, $0x3;
	s3 =	smul.u32 $0xFFFFF100, s3;
	s4 =	ssub.s32 $0x500, s4  }
0x94: {  	s18 =	smul.u32 $0x500, s0;
	p2 =	sgt.s32 s2, $0x13F;
	s2 =	sshrl.u32 s4, $0x2  }
0x95: {  	s9 =	sand.u32 $0x7, s23;
	s3 =	sshra.s32 s3, $0x2;
	s2 =	simm.s32 @p2 $0x0  }
0x96: {  	s0 =	sadd.s32 s3, s20;
	s4 =	sshrl.u32 s18, $0x2;
	_ =	swait.ge [sflag:s5], s2  }
0x97: {  	s22 =	ssub.s32 $0x0, s2;
	[sflag:s5] =	ssyncset.done $0x0;
	s8 =	rddreg [dreg:$0x9]  }
0x98: {  	s4 =	sadd.s32 $0xAD08, s4;
	[sflag:s5] =	ssyncadd.s32 s22;
	s3 =	sadd.s32 s7, s8  }
0x99: {  	[tilespmem:s4], [sflag:$0xB] =	stream.linear.gather [hbm4b:s3+s9], s2, $0x38;
	[tilespmem:$0x1EF88] =	vst v63  }
0x9a: {  	v1 =	vld.msk [tilespmem:s0+$0x0], $0xffff;
	_ =	sdelay $0x4  }
0x9b: {  	v1 =	vshll.u32 v1, $0x4  }
0x9c: {  	(v2sf) =	vpush v1, $0x0  }
0x9d: {  	(v2sf) =	vpush v1, $0x1  }
0x9e: {  	(v2sf) =	vpush v1, $0x2;
	_ =	sdelay $0x3  }
0x9f: {  	(v2sf) =	vpush v1, $0x3;
	_ =	sdelay $0x1  }
0xa0: {  	(v2sf) =	vpush v1, $0x4  }
0xa1: {  	s2 =	simm.s32 $0x1;
	(v2sf) =	vpush v1, $0x5  }
0xa2: {  	s2 =	simm.s32 @!p0 $0x0  }
0xa3: {  	s2 =	smul.u32 $0x28000, s2;
	(v2sf) =	vpush v1, $0x6;
	_ =	sdelay $0x1  }
0xa4: {  	s2 =	sshrl.u32 s2, $0x2  }
0xa5: {  	s28 =	sadd.s32 $0xB708, s2  }
0xa6: {  	s12 =	sadd.s32 $0xFFFFF880, s28;
	s17 =	sadd.s32 $0xFFFFF900, s28;
	s10 =	spop (v2sf);
	(v2sf) =	vpush v1, $0x7  }
0xa7: {  	s18 =	sadd.s32 $0xFFFFF980, s28;
	s11 =	sand.u32 $0x1FFFFFF0, s10;
	s14 =	spop (v2sf)  }
0xa8: {  	(v2sf) =	vpush v1, $0x8;
	s2 =	sadd.s32 s6, s11;
	s15 =	sand.u32 $0x1FFFFFF0, s14;
	s16 =	spop (v2sf)  }
0xa9: {  	[tilespmem:s12], [sflag:$0x9] =	stream.linear.gather [hbm4b:s2+s19], $0x40, $0x38;
	[tilespmem:$0x1EF88] =	vst v63  }
0xaa: {  	s5 =	sadd.s32 $0xFFFFFA00, s28;
	s2 =	sadd.s32 s6, s15;
	s3 =	sand.u32 $0x1FFFFFF0, s16  }
0xab: {  	(v2sf) =	vpush v1, $0x9;
	[tilespmem:s17], [sflag:$0x9] =	stream.linear.gather [hbm4b:s2+s19], $0x40, $0x38;
	[tilespmem:$0x1EF88] =	vst v63  }
0xac: {  	s7 =	sadd.s32 $0xFFFFFA80, s28;
	s22 =	spop (v2sf);
	s3 =	sadd.s32 s6, s3  }
0xad: {  	(v2sf) =	vpush v1, $0xA;
	[tilespmem:s18], [sflag:$0x9] =	stream.linear.gather [hbm4b:s3+s19], $0x40, $0x38;
	[tilespmem:$0x1EF88] =	vst v63  }
0xae: {  	s11 =	sadd.s32 $0xFFFFFB00, s28;
	s4 =	spop (v2sf);
	(v2sf) =	vpush v1, $0xB;
	s3 =	sand.u32 $0x1FFFFFF0, s22  }
0xaf: {  	s8 =	spop (v2sf);
	s2 =	sadd.s32 s6, s3;
	s3 =	sand.u32 $0x1FFFFFF0, s4  }
0xb0: {  	(v2sf) =	vpush v1, $0xC;
	[tilespmem:s5], [sflag:$0x9] =	stream.linear.gather [hbm4b:s2+s19], $0x40, $0x38;
	[tilespmem:$0x1EF88] =	vst v63  }
0xb1: {  	s9 =	sand.u32 $0x1FFFFFF0, s8;
	s10 =	spop (v2sf);
	s3 =	sadd.s32 s6, s3  }
0xb2: {  	(v2sf) =	vpush v1, $0xD;
	[tilespmem:s7], [sflag:$0x9] =	stream.linear.gather [hbm4b:s3+s19], $0x40, $0x38;
	[tilespmem:$0x1EF88] =	vst v63  }
0xb3: {  	s12 =	sadd.s32 $0xFFFFFB80, s28;
	s2 =	sadd.s32 s6, s9;
	s3 =	sand.u32 $0x1FFFFFF0, s10  }
0xb4: {  	[tilespmem:s11], [sflag:$0x9] =	stream.linear.gather [hbm4b:s2+s19], $0x40, $0x38;
	[tilespmem:$0x1EF88] =	vst v63  }
0xb5: {  	s17 =	sadd.s32 $0xFFFFFC00, s28;
	s3 =	sadd.s32 s6, s3;
	s14 =	spop (v2sf)  }
0xb6: {  	[tilespmem:s12], [sflag:$0x9] =	stream.linear.gather [hbm4b:s3+s19], $0x40, $0x38;
	(v2sf) =	vpush v1, $0xE;
	[tilespmem:$0x1EF88] =	vst v63  }
0xb7: {  	s18 =	sadd.s32 $0xFFFFFC80, s28;
	s15 =	sand.u32 $0x1FFFFFF0, s14;
	s16 =	spop (v2sf)  }
0xb8: {  	s5 =	sadd.s32 $0xFFFFFD00, s28;
	(v2sf) =	vpush v1, $0xF;
	s2 =	sadd.s32 s6, s15;
	s3 =	sand.u32 $0x1FFFFFF0, s16  }
0xb9: {  	[tilespmem:s17], [sflag:$0x9] =	stream.linear.gather [hbm4b:s2+s19], $0x40, $0x38;
	[tilespmem:$0x1EF88] =	vst v63  }
0xba: {  	s7 =	sadd.s32 $0xFFFFFD80, s28;
	s22 =	spop (v2sf);
	s3 =	sadd.s32 s6, s3  }
0xbb: {  	[tilespmem:s18], [sflag:$0x9] =	stream.linear.gather [hbm4b:s3+s19], $0x40, $0x38;
	[tilespmem:$0x1EF88] =	vst v63  }
0xbc: {  	s11 =	sadd.s32 $0xFFFFFE00, s28;
	s4 =	spop (v2sf);
	s3 =	sand.u32 $0x1FFFFFF0, s22  }
0xbd: {  	s8 =	spop (v2sf);
	s2 =	sadd.s32 s6, s3;
	s3 =	sand.u32 $0x1FFFFFF0, s4  }
0xbe: {  	[tilespmem:s5], [sflag:$0x9] =	stream.linear.gather [hbm4b:s2+s19], $0x40, $0x38;
	[tilespmem:$0x1EF88] =	vst v63  }
0xbf: {  	s9 =	sand.u32 $0x1FFFFFF0, s8;
	s10 =	spop (v2sf);
	s3 =	sadd.s32 s6, s3  }
0xc0: {  	[tilespmem:s7], [sflag:$0x9] =	stream.linear.gather [hbm4b:s3+s19], $0x40, $0x38;
	[tilespmem:$0x1EF88] =	vst v63  }
0xc1: {  	s14 =	spop (v2sf);
	s2 =	sadd.s32 s6, s9;
	s3 =	sand.u32 $0x1FFFFFF0, s10  }
0xc2: {  	[tilespmem:s11], [sflag:$0x9] =	stream.linear.gather [hbm4b:s2+s19], $0x40, $0x38;
	[tilespmem:$0x1EF88] =	vst v63  }
0xc3: {  	s12 =	sadd.s32 $0xFFFFFE80, s28;
	s15 =	sand.u32 $0x1FFFFFF0, s14;
	s3 =	sadd.s32 s6, s3  }
0xc4: {  	[tilespmem:s12], [sflag:$0x9] =	stream.linear.gather [hbm4b:s3+s19], $0x40, $0x38;
	[tilespmem:$0x1EF88] =	vst v63  }
0xc5: {  	s17 =	sadd.s32 $0xFFFFFF00, s28;
	s2 =	sadd.s32 s6, s15;
	s16 =	spop (v2sf)  }
0xc6: {  	[tilespmem:s17], [sflag:$0x9] =	stream.linear.gather [hbm4b:s2+s19], $0x40, $0x38;
	[tilespmem:$0x1EF88] =	vst v63  }
0xc7: {  	s29 =	simm.s32 $0x0;
	s3 =	sand.u32 $0x1FFFFFF0, s16;
	s18 =	spop (v2sf)  }
0xc8: {  	s22 =	sadd.s32 $0xFFFFFF80, s28;
	s3 =	sadd.s32 s6, s3;
	s2 =	sand.u32 $0x1FFFFFF0, s18  }
0xc9: {  	[tilespmem:s22], [sflag:$0x9] =	stream.linear.gather [hbm4b:s3+s19], $0x40, $0x38;
	[tilespmem:$0x1EF88] =	vst v63  }
0xca: {  	s31 =	sadd.s32 $0x10, s0;
	s30 =	sadd.s32 $0x800, s28;
	s2 =	sadd.s32 s6, s2  }
.LBB3_5:
0xcb: {  	[tilespmem:s28], [sflag:$0x9] =	stream.linear.gather [hbm4b:s2+s19], $0x40, $0x38;
	[tilespmem:$0x1EF88] =	vst v63  }
0xcc: {  	s29 =	sadd.s32 $0x10, s29;
	s28 =	smov.u32 s30  }
0xcd: {  	p2 =	slt.u32 s29, $0x130;
	v1 =	vld.msk [tilespmem:s31+$0x0], $0xffff;
	_ =	sdelay $0x4  }
0xce: {  	v1 =	vshll.u32 v1, $0x4  }
0xcf: {  	(v2sf) =	vpush v1, $0x0  }
0xd0: {  	(v2sf) =	vpush v1, $0x1  }
0xd1: {  	(v2sf) =	vpush v1, $0x2;
	_ =	sdelay $0x1  }
0xd2: {  	(v2sf) =	vpush v1, $0x3;
	_ =	sdelay $0x1  }
0xd3: {  	(v2sf) =	vpush v1, $0x4;
	_ =	sdelay $0x1  }
0xd4: {  	(v2sf) =	vpush v1, $0x5;
	_ =	sdelay $0x1  }
0xd5: {  	(v2sf) =	vpush v1, $0x6  }
0xd6: {  	s4 =	sadd.s32 $0xFFFFFE80, s30;
	s0 =	sadd.s32 $0xFFFFFF00, s30  }
0xd7: {  	s3 =	sadd.s32 $0xFFFFFD00, s30;
	s2 =	sadd.s32 $0xFFFFFD80, s30;
	s5 =	sadd.s32 $0xFFFFFE00, s30;
	(v2sf) =	vpush v1, $0x7  }
0xd8: {  	s10 =	sadd.s32 $0xFFFFFB80, s30;
	s9 =	sadd.s32 $0xFFFFFC00, s30;
	s16 =	sadd.s32 $0xFFFFFC80, s30  }
0xd9: {  	s11 =	sadd.s32 $0xFFFFFA00, s30;
	s12 =	sadd.s32 $0xFFFFFA80, s30;
	s15 =	sadd.s32 $0xFFFFFB00, s30;
	(v2sf) =	vpush v1, $0x8  }
0xda: {  	s18 =	sadd.s32 $0xFFFFF900, s30;
	s7 =	sadd.s32 $0xFFFFF980, s30;
	s22 =	spop (v2sf)  }
0xdb: {  	s8 =	sadd.s32 $0xFFFFF880, s30;
	s22 =	sand.u32 $0x1FFFFFF0, s22;
	s14 =	spop (v2sf);
	(v2sf) =	vpush v1, $0x9  }
0xdc: {  	s22 =	sadd.s32 s6, s22;
	s14 =	sand.u32 $0x1FFFFFF0, s14;
	s17 =	spop (v2sf)  }
0xdd: {  	[tilespmem:s8], [sflag:$0x9] =	stream.linear.gather [hbm4b:s22+s19], $0x40, $0x38;
	(v2sf) =	vpush v1, $0xA;
	[tilespmem:$0x1EF88] =	vst v63  }
0xde: {  	s8 =	sadd.s32 s6, s14;
	s14 =	sand.u32 $0x1FFFFFF0, s17;
	s17 =	spop (v2sf)  }
0xdf: {  	[tilespmem:s18], [sflag:$0x9] =	stream.linear.gather [hbm4b:s8+s19], $0x40, $0x38;
	(v2sf) =	vpush v1, $0xB;
	[tilespmem:$0x1EF88] =	vst v63  }
0xe0: {  	s8 =	sadd.s32 s6, s14;
	s14 =	sand.u32 $0x1FFFFFF0, s17;
	s17 =	spop (v2sf)  }
0xe1: {  	[tilespmem:s7], [sflag:$0x9] =	stream.linear.gather [hbm4b:s8+s19], $0x40, $0x38;
	(v2sf) =	vpush v1, $0xC;
	[tilespmem:$0x1EF88] =	vst v63  }
0xe2: {  	s7 =	sadd.s32 s6, s14;
	s8 =	sand.u32 $0x1FFFFFF0, s17;
	s14 =	spop (v2sf)  }
0xe3: {  	[tilespmem:s11], [sflag:$0x9] =	stream.linear.gather [hbm4b:s7+s19], $0x40, $0x38;
	(v2sf) =	vpush v1, $0xD;
	[tilespmem:$0x1EF88] =	vst v63  }
0xe4: {  	s7 =	sadd.s32 s6, s8;
	s8 =	sand.u32 $0x1FFFFFF0, s14;
	s11 =	spop (v2sf)  }
0xe5: {  	[tilespmem:s12], [sflag:$0x9] =	stream.linear.gather [hbm4b:s7+s19], $0x40, $0x38;
	(v2sf) =	vpush v1, $0xE;
	[tilespmem:$0x1EF88] =	vst v63  }
0xe6: {  	s7 =	sadd.s32 s6, s8;
	s8 =	sand.u32 $0x1FFFFFF0, s11;
	s11 =	spop (v2sf)  }
0xe7: {  	[tilespmem:s15], [sflag:$0x9] =	stream.linear.gather [hbm4b:s7+s19], $0x40, $0x38;
	(v2sf) =	vpush v1, $0xF;
	[tilespmem:$0x1EF88] =	vst v63  }
0xe8: {  	s7 =	sadd.s32 s6, s8;
	s8 =	sand.u32 $0x1FFFFFF0, s11;
	s11 =	spop (v2sf)  }
0xe9: {  	[tilespmem:s10], [sflag:$0x9] =	stream.linear.gather [hbm4b:s7+s19], $0x40, $0x38;
	[tilespmem:$0x1EF88] =	vst v63  }
0xea: {  	s7 =	sadd.s32 s6, s8;
	s8 =	sand.u32 $0x1FFFFFF0, s11;
	s10 =	spop (v2sf)  }
0xeb: {  	[tilespmem:s9], [sflag:$0x9] =	stream.linear.gather [hbm4b:s7+s19], $0x40, $0x38;
	[tilespmem:$0x1EF88] =	vst v63  }
0xec: {  	s7 =	sadd.s32 s6, s8;
	s8 =	sand.u32 $0x1FFFFFF0, s10;
	s9 =	spop (v2sf)  }
0xed: {  	[tilespmem:s16], [sflag:$0x9] =	stream.linear.gather [hbm4b:s7+s19], $0x40, $0x38;
	[tilespmem:$0x1EF88] =	vst v63  }
0xee: {  	s7 =	sadd.s32 s6, s8;
	s8 =	sand.u32 $0x1FFFFFF0, s9;
	s9 =	spop (v2sf)  }
0xef: {  	[tilespmem:s3], [sflag:$0x9] =	stream.linear.gather [hbm4b:s7+s19], $0x40, $0x38;
	[tilespmem:$0x1EF88] =	vst v63  }
0xf0: {  	s3 =	sadd.s32 s6, s8;
	s7 =	sand.u32 $0x1FFFFFF0, s9;
	s8 =	spop (v2sf)  }
0xf1: {  	[tilespmem:s2], [sflag:$0x9] =	stream.linear.gather [hbm4b:s3+s19], $0x40, $0x38;
	[tilespmem:$0x1EF88] =	vst v63  }
0xf2: {  	s2 =	sadd.s32 s6, s7;
	s3 =	sand.u32 $0x1FFFFFF0, s8;
	s7 =	spop (v2sf)  }
0xf3: {  	[tilespmem:s5], [sflag:$0x9] =	stream.linear.gather [hbm4b:s2+s19], $0x40, $0x38;
	[tilespmem:$0x1EF88] =	vst v63  }
0xf4: {  	s2 =	sadd.s32 s6, s3;
	s3 =	sand.u32 $0x1FFFFFF0, s7;
	s5 =	spop (v2sf)  }
0xf5: {  	[tilespmem:s4], [sflag:$0x9] =	stream.linear.gather [hbm4b:s2+s19], $0x40, $0x38;
	[tilespmem:$0x1EF88] =	vst v63  }
0xf6: {  	s2 =	sadd.s32 s6, s3  }
.Ltmp9:
0xf7: {  	s3 =	sand.u32 $0x1FFFFFF0, s5;
	s4 =	spop (v2sf);
	(pc) =	sbr.rel @p2 .LBB3_5-.Ltmp9, $4  }
0xf8: {  	[tilespmem:s0], [sflag:$0x9] =	stream.linear.gather [hbm4b:s2+s19], $0x40, $0x38;
	[tilespmem:$0x1EF88] =	vst v63  }
0xf9: {  	s0 =	sadd.s32 s6, s3;
	s2 =	sadd.s32 $0xFFFFFF80, s30;
	s3 =	sand.u32 $0x1FFFFFF0, s4  }
0xfa: {  	[tilespmem:s2], [sflag:$0x9] =	stream.linear.gather [hbm4b:s0+s19], $0x40, $0x38;
	[tilespmem:$0x1EF88] =	vst v63  }
0xfb: {  	s31 =	sadd.s32 $0x10, s31;
	s30 =	sadd.s32 $0x800, s30;
	s2 =	sadd.s32 s6, s3  }
0xfc: {  	[tilespmem:s28], [sflag:$0x9] =	stream.linear.gather [hbm4b:s2+s19], $0x40, $0x38;
	[tilespmem:$0x1EF88] =	vst v63  }
0xfd: {  	s12 =	rddreg [dreg:$0x5]  }
0xfe: {  	s14 =	rddreg [dreg:$0x6]  }
0xff: {  	s15 =	rddreg [dreg:$0x7]  }
0x100: {  	s17 =	rddreg [dreg:$0x8]  }
0x101: {  	s18 =	rddreg [dreg:$0xa]  }
0x102: {  	s22 =	rddreg [dreg:$0xb]  }
.LBB3_7:
0x103: {  	p2 =	slt.u32 s25, $0x2  }
.Ltmp10:
0x104: {  	_ = 	snop;
	(pc) =	sbr.rel @p2 .LBB3_25-.Ltmp10, $1  }
0x105: {  	_ =	sdelay $0x3  }
0x106: {  	p2 =	sgt.s32 s26, $0x26FC0;
	s0 =	smov.u32 s26;
	s2 =	sshra.s32 s26, $0x1F  }
0x107: {  	s0 =	simm.s32 @!p2 $0x26FC0;
	s2 =	sand.u32 s2, s26  }
0x108: {  	s0 =	ssub.s32 s0, s2  }
0x109: {  	s0 =	sadd.s32 $0xFFFD9040, s0  }
0x10a: {  	s3 =	simm.s32 $0x9;
	s29 =	sshll.u32 s0, $0x2  }
0x10b: {  	_ =	swait.ge [sflag:s3], $0x5000;
	s2 =	ssub.s32 $0x500, s29  }
0x10c: {  	[sflag:s3] =	ssyncset.done $0x0;
	p2 =	sgt.s32 s0, $0x13F;
	s0 =	sshrl.u32 s2, $0x2  }
0x10d: {  	s30 =	simm.s32 $0xB;
	[sflag:s3] =	ssyncadd.s32 $0xFFFFB000;
	s0 =	simm.s32 @p2 $0x0  }
0x10e: {  	_ =	swait.ge [sflag:s30], s0  }
0x10f: {  	s0 =	ssub.s32 $0x0, s0;
	[sflag:s30] =	ssyncset.done $0x0  }
0x110: {  	[sflag:s30] =	ssyncadd.s32 s0  }
0x111: {  	v1 =	vld [tilespmem:$0xA108];
	_ =	sdelay $0x4  }
0x112: {  	(v2sf) =	vpush v1, $0x0  }
0x113: {  	(v2sf) =	vpush v1, $0x1  }
0x114: {  	(v2sf) =	vpush v1, $0x2;
	_ =	sdelay $0x3  }
0x115: {  	s0 =	sadd.s32 $0x140, s26  }
0x116: {  	s4 =	ssub.s32 $0x4E200, s26;
	p2 =	slt.s32 s14, s0  }
0x117: {  	s0 =	smov.u32 @p2 s14;
	p2 =	sgt.s32 s4, $0x0  }
0x118: {  	s0 =	ssub.s32 s0, s26;
	s4 =	simm.s32 @!p2 $0x0  }
0x119: {  	p2 =	slt.s32 s4, s0  }
0x11a: {  	s0 =	smov.u32 @p2 s4  }
0x11b: {  	s2 =	simm.s32 $0x1;
	p2 =	slt.s32 s0, $0x1  }
.Ltmp11:
0x11c: {  	s2 =	simm.s32 @!p1 $0x0;
	(pc) =	sbr.rel @p2 .LBB3_12-.Ltmp11, $4  }
0x11d: {  	s7 =	smul.u32 $0x500, s2  }
0x11e: {  	s3 =	spop (v2sf)  }
0x11f: {  	s31 =	sshrl.u32 s7, $0x2;
	s5 =	spop (v2sf)  }
0x120: {  	s28 =	sadd.s32 $0xAD08, s31;
	s26 =	spop (v2sf)  }
0x121: {  	s4 =	smin.u32 s0, $0x10  }
0x122: {  	v1 =	vmov s4  }
0x123: {  	p3 =	sgt.s32 s0, $0x10;
	vm1 =	vgt.u32 v1, v0  }
.Ltmp12:
0x124: {  	_ = 	snop;
	(pc) =	sbr.rel @!p3 .LBB3_11-.Ltmp12, $2  }
0x125: {  	_ =	sdelay $0x2  }
0x126: {  	s9 =	simm.s32 $0x10;
	s10 =	sadd.s32 $0xFFFFFFF0, s0;
	s4 =	smov.u32 s28;
	vm0 =	vmmov vm1  }
.LBB3_10:
0x127: {  	s7 =	smin.u32 s10, $0x10;
	s9 =	sadd.s32 $0x10, s9;
	v1 =	vld.msk [tilespmem:s4+$0x0 ss:$0x1], vm1  }
0x128: {  	v2 =	vmov s7;
	p3 =	slt.s32 s9, s0  }
0x129: {  	vm1 =	vgt.u32 v2, v0  }
.Ltmp13:
0x12a: {  	(pc) =	sbr.rel @p3 .LBB3_10-.Ltmp13, $3  }
0x12b: {  	_ =	sdelay $0x1  }
0x12c: {  	v1 =	vshll.u32 v1, $0x4  }
0x12d: {  	s10 =	sadd.s32 $0xFFFFFFF0, s10;
	[tilespmem:s4+$0x0] =	vst.msk vm0, v1;
	s4 =	sadd.s32 $0x10, s4;
	vm0 =	vmmov vm1  }
.LBB3_11:
0x12e: {  	_ =	sdelay $0x4  }
0x12f: {  	v1 =	vld.msk [tilespmem:s4+$0x0 ss:$0x1], vm1;
	_ =	sdelay $0x4  }
0x130: {  	v1 =	vshll.u32 v1, $0x4  }
0x131: {  	[tilespmem:s4+$0x0] =	vst.msk vm0, v1  }
.LBB3_12:
0x132: {  	s4 =	sand.u32 $0x1, s25  }
0x133: {  	s4 =	smul.u32 $0x140, s4  }
0x134: {  	p3 =	sne.s32 s5, $0xFFFFFFFF  }
0x135: {  	v1 =	vld.msk @!p3 [tilespmem:s4+$0xAD08], $0x1;
	_ =	sdelay $0x4  }
0x136: {  	(v2sf) =	vpush @!p3 v1, $0x0;
	_ =	sdelay $0xc  }
.Ltmp14:
0x137: {  	_ = 	snop;
	(pc) =	sbr.rel @p2 .LBB3_23-.Ltmp14, $4  }
0x138: {  	_ = 	snop  }
0x139: {  	s29 =	spop @!p3 (v2sf)  }
0x13a: {  	s31 =	simm.s32 $0xC;
	s26 =	simm.s32 @!p3 $0x0;
	s4 =	smov.u32 s29  }
0x13b: {  	[sflag:s31] =	ssyncpa.u1 $0x0;
	s29 =	smov.u32 @p3 s3;
	s4 =	smov.u32 @p3 s5  }
0x13c: {  	v1 =	vld.msk [tilespmem:s28+$0x0], $0x1;
	_ =	sdelay $0x4  }
0x13d: {  	(v2sf) =	vpush v1, $0x0;
	_ =	sdelay $0xe  }
0x13e: {  	s2 =	smul.u32 $0x28000, s2;
	s5 =	spop (v2sf)  }
0x13f: {  	s31 =	ssub.s32 $0x0, s0;
	p2 =	seq.s32 s29, s5  }
0x140: {  	s3 =	smov.u32 s29;
	s2 =	sshrl.u32 s2, $0x2;
	p3 =	sgt.s32 @!p2 s29, $0x0  }
0x141: {  	s30 =	sadd.s32 $0xAFA8, s2;
	s2 =	sadd.s32 $0x1, s31;
	p3 =	por !p3, p2  }
0x142: {  	s3 =	simm.s32 @p3 $0x0;
	p3 =	seq.s32 s2, $0x0  }
.Ltmp15:
0x143: {  	_ = 	snop;
	(pc) =	sbr.rel @p3 .LBB3_15-.Ltmp15, $4  }
0x144: {  	_ = 	snop  }
0x145: {  	s0 =	simm.s32 $0x0;
	s9 =	simm.s32 @!p2 $0x1;
	s3 =	smin.u32 @!p2 s3, $0x270FF8  }
0x146: {  	s10 =	simm.s32 @!p2 $0x50C8;
	s9 =	smov.u32 @p2 s0;
	s7 =	sand.u32 @!p2 $0x3FFFF8, s3  }
0x147: {  	s16 =	sand.u32 @!p2 $0x7, s3;
	s3 =	sadd.s32 $0x1, s28;
	s11 =	sadd.s32 @!p2 s1, s7  }
.LBB3_14:
0x148: {  	s7 =	smov.u32 s9  }
0x149: {  	[tilespmem:s10], [sflag:$0x2] =	stream.linear.gather @!p2 [hbm4b:s11+s16], $0x40, $0x38;
	[tilespmem:$0x1EF88] =	vst v63  }
0x14a: {  	s2 =	sadd.s32 $0x1, s2;
	s8 =	smov.u32 s5;
	v1 =	vld.msk [tilespmem:s3+$0x0], $0x1  }
0x14b: {  	p3 =	seq.s32 s2, $0x0;
	_ =	sdelay $0x3  }
0x14c: {  	(v2sf) =	vpush v1, $0x0;
	_ =	sdelay $0xe  }
0x14d: {  	s5 =	spop (v2sf)  }
0x14e: {  	p2 =	seq.s32 s8, s5  }
0x14f: {  	p4 =	sgt.s32 @!p2 s8, $0x0;
	s10 =	sshll.u32 @!p2 s9, $0x8;
	s9 =	sadd.s32 @!p2 $0x1, s9  }
.Ltmp16:
0x150: {  	p4 =	por !p4, p2;
	s10 =	sshra.s32 @!p2 s10, $0x2;
	(pc) =	sbr.rel @!p3 .LBB3_14-.Ltmp16, $4  }
0x151: {  	s9 =	smov.u32 @p2 s7;
	s8 =	simm.s32 @p4 $0x0;
	s10 =	sadd.s32 @!p2 $0x50C8, s10  }
0x152: {  	s7 =	smin.u32 @!p2 s8, $0x270FF8  }
0x153: {  	s8 =	sand.u32 @!p2 $0x3FFFF8, s7;
	s16 =	sand.u32 @!p2 $0x7, s7  }
0x154: {  	s3 =	sadd.s32 $0x1, s3;
	s11 =	sadd.s32 @!p2 s1, s8  }
.LBB3_15:
0x155: {  	[tilespmem:s10], [sflag:$0x2] =	stream.linear.gather @!p2 [hbm4b:s11+s16], $0x40, $0x38;
	[tilespmem:$0x1EF88] =	vst v63  }
.Ltmp17:
0x156: {  	s2 =	sshll.u32 s9, $0x6;
	(pc) =	sbr.rel .LBB3_16-.Ltmp17, $4  }
0x157: {  	s3 =	simm.s32 $0x2;
	s2 =	sand.u32 $0x3FFFFFC0, s2  }
0x158: {  	_ =	swait.ge [sflag:s3], s2  }
0x159: {  	s2 =	ssub.s32 $0x0, s2;
	[sflag:s3] =	ssyncset.done $0x0  }
0x15a: {  	[sflag:s3] =	ssyncadd.s32 s2;
	s3 =	simm.s32 $0x0  }
.LBB3_17:
0x15b: {  	v1 =	vld [tilespmem:s30+$0xFFFFFFE0];
	_ =	sdelay $0x4  }
0x15c: {  	[tilespmem:s5+$0x88] =	vst.add.f32.msk $0xffff, v1  }
0x15d: {  	v1 =	vld [tilespmem:s30+$0xFFFFFFF0];
	_ =	sdelay $0x4  }
0x15e: {  	[tilespmem:s5+$0x98] =	vst.add.f32.msk $0xffff, v1  }
0x15f: {  	v1 =	vld [tilespmem:s30+$0x0];
	_ =	sdelay $0x4  }
0x160: {  	[tilespmem:s5+$0xA8] =	vst.add.f32.msk $0xffff, v1  }
0x161: {  	v1 =	vld [tilespmem:s30+$0x10];
	_ =	sdelay $0x4  }
0x162: {  	[tilespmem:s5+$0xB8] =	vst.add.f32.msk $0xffff, v1  }
.LBB3_21:
0x163: {  	s31 =	sadd.s32 $0x1, s31  }
0x164: {  	p2 =	seq.s32 s31, $0x0  }
.Ltmp18:
0x165: {  	_ = 	snop;
	(pc) =	sbr.rel @p2 .LBB3_22-.Ltmp18, $2  }
0x166: {  	_ =	sdelay $0x2  }
0x167: {  	s30 =	sadd.s32 $0x80, s30;
	s28 =	sadd.s32 $0x1, s28;
	s29 =	smov.u32 s2  }
.LBB3_16:
0x168: {  	v1 =	vld.msk [tilespmem:s28+$0x0], $0x1;
	_ =	sdelay $0x4  }
0x169: {  	(v2sf) =	vpush v1, $0x0;
	_ =	sdelay $0xe  }
0x16a: {  	s2 =	spop (v2sf)  }
0x16b: {  	p2 =	sne.s32 s29, s2  }
.Ltmp19:
0x16c: {  	_ = 	snop;
	(pc) =	sbr.rel @!p2 .LBB3_17-.Ltmp19, $3  }
0x16d: {  	_ =	sdelay $0x1  }
0x16e: {  	s5 =	sshll.u32 s26, $0x8  }
0x16f: {  	s5 =	sshra.s32 s5, $0x2  }
0x170: {  	p2 =	seq.s32 s29, s4  }
.Ltmp20:
0x171: {  	_ = 	snop;
	(pc) =	sbr.rel @!p2 .LBB3_19-.Ltmp20, $1  }
0x172: {  	_ =	sdelay $0x3  }
.Ltmp21:
0x173: {  	s5 =	sadd.s32 $0x88, s5;
	(pc) =	sbr.rel .LBB3_20-.Ltmp21, $4  }
0x174: {  	[spmem:s18] =	stream.linear.scatter [tilespmem:s5], [sflag:$0x1], $0x40, $0x38;
	[tilespmem:$0x1EF88] =	vst v63  }
0x175: {  	_ =	swait.ge [sflag:s13], $0x40  }
0x176: {  	[sflag:s13] =	ssyncset.done $0x0  }
0x177: {  	[sflag:s13] =	ssyncadd.s32 $0xFFFFFFC0  }
.LBB3_19:
0x178: {  	s7 =	sshll.u32 s0, $0x8  }
0x179: {  	s7 =	sshra.s32 s7, $0x2  }
0x17a: {  	v1 =	vld [tilespmem:s7+$0x50C8];
	_ =	sdelay $0x4  }
0x17b: {  	[tilespmem:s5+$0x88] =	vst.add.f32.msk $0xffff, v1  }
0x17c: {  	v1 =	vld [tilespmem:s7+$0x50D8];
	_ =	sdelay $0x4  }
0x17d: {  	[tilespmem:s5+$0x98] =	vst.add.f32.msk $0xffff, v1  }
0x17e: {  	v1 =	vld [tilespmem:s7+$0x50E8];
	_ =	sdelay $0x4  }
0x17f: {  	[tilespmem:s5+$0xA8] =	vst.add.f32.msk $0xffff, v1  }
0x180: {  	v1 =	vld [tilespmem:s7+$0x50F8];
	_ =	sdelay $0x2  }
0x181: {  	p2 =	sgt.u32 s29, $0x270FF8  }
0x182: {  	s7 =	sand.u32 @!p2 $0x3FFFF8, s29  }
0x183: {  	s8 =	sadd.s32 $0x88, s5;
	[tilespmem:s5+$0xB8] =	vst.add.f32.msk $0xffff, v1;
	s5 =	sadd.s32 @!p2 s1, s7;
	s7 =	sand.u32 @!p2 $0x7, s29  }
0x184: {  	[hbm4b:s5+s7] =	stream.linear.scatter @!p2 [tilespmem:s8], [sflag:$0xC], $0x40, $0x38;
	[tilespmem:$0x1EF88] =	vst v63  }
0x185: {  	s5 =	simm.s32 $0x0  }
0x186: {  	s5 =	simm.s32 @!p2 $0x100  }
0x187: {  	s3 =	sadd.s32 s5, s3  }
.LBB3_20:
0x188: {  	s5 =	sadd.s32 $0x1, s26  }
0x189: {  	s7 =	smulhi.u32 $0xCCCCCCCD, s5;
	_ =	sdelay $0x1  }
0x18a: {  	v1 =	vld [tilespmem:s30+$0xFFFFFFE0];
	s7 =	sshrl.u32 s7, $0x8  }
0x18b: {  	s7 =	smul.u32 $0x140, s7;
	_ =	sdelay $0x1  }
0x18c: {  	s26 =	ssub.s32 s5, s7  }
0x18d: {  	s5 =	sshll.u32 s26, $0x6  }
0x18e: {  	[tilespmem:s5+$0x88] =	vst v1  }
0x18f: {  	v1 =	vld [tilespmem:s30+$0xFFFFFFF0];
	_ =	sdelay $0x4  }
0x190: {  	[tilespmem:s5+$0x98] =	vst v1  }
0x191: {  	v1 =	vld [tilespmem:s30+$0x0];
	_ =	sdelay $0x4  }
0x192: {  	[tilespmem:s5+$0xA8] =	vst v1  }
0x193: {  	v1 =	vld [tilespmem:s30+$0x10]  }
.Ltmp22:
0x194: {  	_ = 	snop;
	(pc) =	sbr.rel .LBB3_21-.Ltmp22, $2  }
0x195: {  	_ =	sdelay $0x2  }
0x196: {  	s0 =	sadd.s32 $0x1, s0;
	[tilespmem:s5+$0xB8] =	vst v1  }
.LBB3_23:
.Ltmp23:
0x197: {  	(pc) =	sbr.rel .LBB3_24-.Ltmp23, $4  }
0x198: {  	_ = 	snop  }
0x199: {  	s0 =	simm.s32 $0x2  }
0x19a: {  	_ =	swait.ge [sflag:s0], $0x0  }
0x19b: {  	s2 =	smov.u32 s29;
	[sflag:s0] =	ssyncset.done $0x0;
	s0 =	simm.s32 $0x0  }
.LBB3_26:
0x19c: {  	_ =	sfence.sel $0x180000  }
0x19d: {  	s0 =	simm.s32 $0x9;
	[bflag:$0x0] =	sbarrier.arrive $0xFFFF  }
0x19e: {  	s24 =	simm.s32 $0xA;
	[sflag:s0] =	ssyncpa.u1 $0x1  }
0x19f: {  	s25 =	simm.s32 $0xB;
	[sflag:s24] =	ssyncpa.u1 $0x1  }
0x1a0: {  	s26 =	simm.s32 $0x2;
	[sflag:s25] =	ssyncpa.u1 $0x1  }
0x1a1: {  	[sflag:s26] =	ssyncpa.u1 $0x1  }
0x1a2: {  	v0 =	vld [tilespmem:$0xA108];
	_ =	sdelay $0x4  }
0x1a3: {  	(v2sf) =	vpush v0, $0x0  }
0x1a4: {  	(v2sf) =	vpush v0, $0x1;
	_ =	sdelay $0x1  }
0x1a5: {  	(v2sf) =	vpush v0, $0x2;
	_ =	sdelay $0xb  }
0x1a6: {  	s0 =	spop (v2sf)  }
0x1a7: {  	s2 =	spop (v2sf)  }
0x1a8: {  	s3 =	smov.u32 s0;
	p0 =	sne.s32 s0, s2  }
0x1a9: {  	s4 =	spop (v2sf);
	s3 =	simm.s32 @!p0 $0xFFFFFFFF  }
0x1aa: {  	v2 =	vimm.s32 $0x1;
	v3 =	vlaneseq.u32;
	p0 =	seq.s32 s4, $0xFFFFFFFF;
	v1 =	vmov s3  }
0x1ab: {  	s14 =	stileid.u32;
	v0 =	vperm.xlane v0, v2;
	p1 =	sne.s32 @!p0 s0, s2;
	v1 =	vperm.xlane v1, v3  }
0x1ac: {  	vm0 =	vcmask $0x3F04;
	s6 =	simm.s32 $0xA108;
	s0 =	simm.s32 @!p0 $0x1;
	p1 =	por !p1, p0  }
0x1ad: {  	s3 =	sshll.u32 s14, $0x1;
	s2 =	sshll.u32 @!p0 s4, $0x8;
	s0 =	simm.s32 @p1 $0x0;
	v0 =	vsel vm0, v1, v0  }
0x1ae: {  	s5 =	sor.u32 $0x800, s3;
	s2 =	sshra.s32 @!p0 s2, $0x2;
	s0 =	sor.u32 @!p0 s0, s3;
	[tilespmem:$0xA108] =	vst v0  }
0x1af: {  	[spmem:s5] =	stream.linear.scatter [tilespmem:s6], [sflag:$0x1], $0x2, $0x38;
	[tilespmem:$0x1EF88] =	vst v63  }
0x1b0: {  	s2 =	sadd.s32 @!p0 $0x88, s2;
	s0 =	sshll.u32 @!p0 s0, $0x6  }
0x1b1: {  	[spmem:s0] =	stream.linear.scatter @!p0 [tilespmem:s2], [sflag:$0x1], $0x40, $0x38;
	[tilespmem:$0x1EF88] =	vst v63  }
0x1b2: {  	s0 =	simm.s32 @!p0 $0x42  }
0x1b3: {  	s28 =	simm.s32 $0x1;
	s0 =	simm.s32 @p0 $0x2  }
0x1b4: {  	_ =	swait.ge [sflag:s28], s0  }
0x1b5: {  	s0 =	ssub.s32 $0x0, s0;
	[sflag:s28] =	ssyncset.done $0x0  }
0x1b6: {  	p0 =	sne.s32 s14, $0x0;
	[sflag:s28] =	ssyncadd.s32 s0  }
.Ltmp24:
0x1b7: {  	_ =	sfence.stream.spmem;
	(pc) =	sbr.rel @p0 .LBB3_43-.Ltmp24, $4  }
0x1b8: {  	s29 =	simm.s32 $0x3;
	[bflag:$0x0] =	sbarrier.arrive $0xFFFF  }
0x1b9: {  	s30 =	simm.s32 $0x4;
	[sflag:s29] =	ssyncpa.u1 $0x1  }
0x1ba: {  	s31 =	simm.s32 $0x3C;
	[sflag:s30] =	ssyncpa.u1 $0x1  }
0x1bb: {  	s13 =	rddreg [dreg:$0x4];
	[sflag:s31] =	ssyncpa.u1 $0x1  }
0x1bc: {  	_ =	sfence.stream.spmem;
	s0 =	simm.s32 $0x5  }
0x1bd: {  	s2 =	simm.s32 $0x800;
	s3 =	simm.s32 $0xA118;
	[sflag:s0] =	ssyncpa.u1 $0x0  }
0x1be: {  	[tilespmem:s3], [sflag:$0x5] =	stream.linear.gather [spmem:s2], $0x20, $0x38;
	[tilespmem:$0x1EF88] =	vst v63  }
0x1bf: {  	s26 =	simm.s32 $0x0;
	s28 =	simm.s32 $0xA138  }
0x1c0: {  	[tilespmem:s28], [sflag:$0x5] =	stream.linear.gather [spmem:s26], $0x800, $0x38;
	[tilespmem:$0x1EF88] =	vst v63  }
0x1c1: {  	_ =	swait.ge [sflag:s0], $0x820  }
0x1c2: {  	[sflag:s0] =	ssyncset.done $0x0  }
0x1c3: {  	s29 =	simm.s32 $0x0;
	[sflag:s0] =	ssyncadd.s32 $0xFFFFF7E0  }
0x1c4: {  	v0 =	vld.msk [tilespmem:s29+$0xA118], $0x1;
	_ =	sdelay $0x1  }
0x1c5: {  	s30 =	simm.s32 $0x1  }
0x1c6: {  	v1 =	vld.msk [tilespmem:s30+$0xA118], $0x1;
	_ =	sdelay $0x1  }
0x1c7: {  	(v2sf) =	vpush v0, $0x0;
	_ =	sdelay $0x2  }
0x1c8: {  	(v2sf) =	vpush v1, $0x0;
	_ =	sdelay $0x2  }
0x1c9: {  	s31 =	simm.s32 $0x2  }
0x1ca: {  	v0 =	vld.msk [tilespmem:s31+$0xA118], $0x1;
	_ =	sdelay $0x2  }
0x1cb: {  	s2 =	simm.s32 $0xFFFFFFFF;
	s3 =	simm.s32 $0xFFFFFFFF;
	s0 =	simm.s32 $0xC  }
.LBB3_28:
0x1cc: {  	s4 =	smov.u32 s3;
	s5 =	smov.u32 s2  }
0x1cd: {  	s2 =	sshra.s32 s0, $0x2;
	p1 =	sne.s32 s0, $0x7C;
	s0 =	sadd.s32 $0x4, s0;
	(v2sf) =	vpush v0, $0x0  }
0x1ce: {  	v0 =	vld.msk [tilespmem:s2+$0xA118], $0x1  }
.Ltmp25:
0x1cf: {  	(pc) =	sbr.rel @p1 .LBB3_28-.Ltmp25, $4  }
0x1d0: {  	s3 =	spop (v2sf)  }
0x1d1: {  	p2 =	sne.s32 s5, $0xFFFFFFFF;
	s2 =	smov.u32 s3  }
0x1d2: {  	p3 =	seq.s32 s3, $0xFFFFFFFF;
	s2 =	smov.u32 @p2 s5  }
0x1d3: {  	s3 =	smov.u32 @p3 s4;
	s2 =	smov.u32 @p3 s5  }
0x1d4: {  	(v2sf) =	vpush v0, $0x0;
	_ =	sdelay $0x8  }
0x1d5: {  	s0 =	spop (v2sf)  }
0x1d6: {  	p1 =	sne.s32 s2, $0xFFFFFFFF;
	s4 =	smov.u32 s0  }
0x1d7: {  	s6 =	simm.s32 $0x0;
	p2 =	seq.s32 s0, $0xFFFFFFFF;
	s4 =	smov.u32 @p1 s2  }
0x1d8: {  	s9 =	simm.s32 $0xA0C8;
	s4 =	smov.u32 @p2 s2;
	s2 =	spop (v2sf)  }
0x1d9: {  	s0 =	smov.u32 @p2 s3;
	p1 =	sne.s32 s4, $0xFFFFFFFF;
	s5 =	smov.u32 s2  }
.Ltmp26:
0x1da: {  	p2 =	seq.s32 s2, $0xFFFFFFFF;
	s5 =	smov.u32 @p1 s4;
	(pc) =	sbr.rel .LBB3_30-.Ltmp26, $4  }
0x1db: {  	s10 =	simm.s32 $0x0;
	s5 =	smov.u32 @p2 s4;
	s7 =	spop (v2sf)  }
0x1dc: {  	s2 =	smov.u32 @p2 s0;
	p1 =	sne.s32 s5, $0xFFFFFFFF;
	s8 =	smov.u32 s7  }
0x1dd: {  	s0 =	simm.s32 $0x6;
	p2 =	seq.s32 s7, $0xFFFFFFFF;
	s8 =	smov.u32 @p1 s5  }
0x1de: {  	[sflag:s0] =	ssyncpa.u1 $0x0;
	s7 =	smov.u32 @p2 s2;
	s8 =	smov.u32 @p2 s5  }
.LBB3_36:
0x1df: {  	p1 =	sgt.u32 s2, $0x270FF8  }
0x1e0: {  	p2 =	seq.s32 @!p1 s2, s8  }
0x1e1: {  	p1 =	por p1, p2  }
0x1e2: {  	p2 =	sne.s32 @!p1 s2, s7  }
0x1e3: {  	p1 =	por p1, !p2  }
0x1e4: {  	s2 =	sshll.u32 @p1 s10, $0x8  }
0x1e5: {  	s3 =	sand.u32 @!p1 $0x3FFFF8, s2  }
0x1e6: {  	s2 =	sand.u32 @!p1 $0x7, s2;
	s3 =	sadd.s32 @!p1 s1, s3  }
0x1e7: {  	[tilespmem:s9], [sflag:$0x6] =	stream.linear.gather @!p1 [hbm4b:s3+s2], $0x40, $0x38;
	[tilespmem:$0x1EF88] =	vst v63  }
0x1e8: {  	_ =	swait.ge @!p1 [sflag:s0], $0x40  }
0x1e9: {  	[sflag:s0] =	ssyncset.done @!p1 $0x0  }
0x1ea: {  	[sflag:s0] =	ssyncadd.s32 @!p1 $0xFFFFFFC0  }
0x1eb: {  	v1 =	vld @!p1 [tilespmem:$0xA0C8];
	_ =	sdelay $0x2  }
0x1ec: {  	s2 =	sshll.u32 @!p1 s10, $0x8  }
0x1ed: {  	s3 =	sshrl.u32 @!p1 s2, $0x2  }
0x1ee: {  	[tilespmem:s3+$0xA138] =	vst.add.f32.msk @!p1 $0xffff, v1  }
0x1ef: {  	v1 =	vld @!p1 [tilespmem:$0xA0D8];
	_ =	sdelay $0x4  }
0x1f0: {  	[tilespmem:s3+$0xA148] =	vst.add.f32.msk @!p1 $0xffff, v1  }
0x1f1: {  	v1 =	vld @!p1 [tilespmem:$0xA0E8];
	_ =	sdelay $0x4  }
0x1f2: {  	[tilespmem:s3+$0xA158] =	vst.add.f32.msk @!p1 $0xffff, v1  }
0x1f3: {  	v1 =	vld @!p1 [tilespmem:$0xA0F8];
	_ =	sdelay $0x4  }
0x1f4: {  	[tilespmem:s3+$0xA168] =	vst.add.f32.msk @!p1 $0xffff, v1  }
0x1f5: {  	s2 =	sshrl.u32 s2, $0x2;
	[tilespmem:s6+$0xA118] =	vst.msk $0x1, v0  }
0x1f6: {  	v0 =	vld [tilespmem:s2+$0xA138];
	_ =	sdelay $0x2  }
0x1f7: {  	s31 =	sshll.u32 s6, $0x8  }
0x1f8: {  	s3 =	sshra.s32 s31, $0x2  }
0x1f9: {  	[tilespmem:s3+$0xA138] =	vst v0  }
0x1fa: {  	v0 =	vld [tilespmem:s2+$0xA148];
	_ =	sdelay $0x4  }
0x1fb: {  	[tilespmem:s3+$0xA148] =	vst v0  }
0x1fc: {  	v0 =	vld [tilespmem:s2+$0xA158];
	_ =	sdelay $0x4  }
0x1fd: {  	[tilespmem:s3+$0xA158] =	vst v0  }
0x1fe: {  	v0 =	vld [tilespmem:s2+$0xA168];
	_ =	sdelay $0x4  }
0x1ff: {  	s6 =	sadd.s32 $0x1, s6;
	[tilespmem:s3+$0xA168] =	vst v0  }
.LBB3_37:
0x200: {  	s10 =	sadd.s32 $0x1, s10  }
0x201: {  	p1 =	sne.s32 s10, $0x20  }
.Ltmp27:
0x202: {  	_ = 	snop;
	(pc) =	sbr.rel @!p1 .LBB3_38-.Ltmp27, $1  }
0x203: {  	_ =	sdelay $0x3  }
.LBB3_30:
0x204: {  	v0 =	vld.msk [tilespmem:s10+$0xA118], $0x1;
	_ =	sdelay $0x4  }
0x205: {  	(v2sf) =	vpush v0, $0x0;
	_ =	sdelay $0xe  }
0x206: {  	s2 =	spop (v2sf)  }
0x207: {  	p1 =	seq.s32 s2, $0xFFFFFFFF  }
.Ltmp28:
0x208: {  	_ = 	snop;
	(pc) =	sbr.rel @p1 .LBB3_37-.Ltmp28, $1  }
0x209: {  	_ =	sdelay $0x3  }
0x20a: {  	p1 =	slt.s32 s6, $0x1  }
.Ltmp29:
0x20b: {  	_ = 	snop;
	(pc) =	sbr.rel @p1 .LBB3_36-.Ltmp29, $1  }
0x20c: {  	_ =	sdelay $0x3  }
0x20d: {  	s3 =	simm.s32 $0xA118;
	p1 =	por $0x0, $0x0  }
0x20e: {  	v1 =	vld.msk @!p1 [tilespmem:s3+$0x0], $0x1;
	_ =	sdelay $0x4  }
0x20f: {  	(v2sf) =	vpush @!p1 v1, $0x0;
	_ =	sdelay $0xd  }
0x210: {  	p3 =	sne.s32 s6, $0x1  }
.Ltmp30:
0x211: {  	s4 =	spop @!p1 (v2sf);
	(pc) =	sbr.rel @!p3 .LBB3_34-.Ltmp30, $4  }
0x212: {  	p2 =	seq.s32 @!p1 s2, s4  }
0x213: {  	s4 =	simm.s32 $0x0;
	p2 =	por !p2, p1  }
0x214: {  	s11 =	simm.s32 $0xFFFFFFFF;
	s4 =	simm.s32 @p2 $0xFFFFFFFF  }
0x215: {  	s5 =	simm.s32 $0x1;
	s4 =	smov.u32 @p1 s11  }
.LBB3_33:
0x216: {  	s11 =	smov.u32 s4;
	p1 =	sne.s32 s4, $0xFFFFFFFF  }
0x217: {  	s3 =	sadd.s32 $0x1, s3;
	s4 =	smov.u32 s5;
	s5 =	sadd.s32 $0x1, s5  }
0x218: {  	p2 =	sne.s32 s6, s5;
	v1 =	vld.msk @!p1 [tilespmem:s3+$0x0], $0x1;
	_ =	sdelay $0x4  }
0x219: {  	(v2sf) =	vpush @!p1 v1, $0x0;
	_ =	sdelay $0xe  }
.Ltmp31:
0x21a: {  	s12 =	spop @!p1 (v2sf);
	(pc) =	sbr.rel @p2 .LBB3_33-.Ltmp31, $4  }
0x21b: {  	p3 =	seq.s32 @!p1 s2, s12  }
0x21c: {  	p3 =	por !p3, p1  }
0x21d: {  	s4 =	simm.s32 @p3 $0xFFFFFFFF  }
0x21e: {  	s4 =	smov.u32 @p1 s11  }
.LBB3_34:
0x21f: {  	p1 =	seq.s32 s4, $0xFFFFFFFF  }
.Ltmp32:
0x220: {  	_ = 	snop;
	(pc) =	sbr.rel @p1 .LBB3_36-.Ltmp32, $1  }
0x221: {  	_ =	sdelay $0x3  }
0x222: {  	s2 =	sshll.u32 s10, $0x6  }
0x223: {  	s2 =	sand.u32 $0x3FFFFFC0, s2  }
0x224: {  	v0 =	vld [tilespmem:s2+$0xA138];
	_ =	sdelay $0x2  }
0x225: {  	s3 =	sshll.u32 s4, $0x8  }
0x226: {  	s3 =	sshra.s32 s3, $0x2  }
0x227: {  	[tilespmem:s3+$0xA138] =	vst.add.f32.msk $0xffff, v0  }
0x228: {  	v0 =	vld [tilespmem:s2+$0xA148];
	_ =	sdelay $0x4  }
0x229: {  	[tilespmem:s3+$0xA148] =	vst.add.f32.msk $0xffff, v0  }
0x22a: {  	v0 =	vld [tilespmem:s2+$0xA158];
	_ =	sdelay $0x4  }
0x22b: {  	[tilespmem:s3+$0xA158] =	vst.add.f32.msk $0xffff, v0  }
0x22c: {  	v0 =	vld [tilespmem:s2+$0xA168]  }
.Ltmp33:
0x22d: {  	_ = 	snop;
	(pc) =	sbr.rel .LBB3_37-.Ltmp33, $2  }
0x22e: {  	_ =	sdelay $0x2  }
0x22f: {  	[tilespmem:s3+$0xA168] =	vst.add.f32.msk $0xffff, v0  }
.LBB3_38:
0x230: {  	s0 =	simm.s32 $0x6;
	p1 =	seq.s32 s6, $0x0  }
0x231: {  	[sflag:s0] =	ssyncpa.u1 $0x1;
	v0 =	vimm.s32 @p1 $0xFFFFFFFF  }
0x232: {  	s0 =	sadd.s32 $0xFFFFFFFF, s6;
	[tilespmem:$0xA938] =	vst @p1 v0  }
0x233: {  	v0 =	vld.msk @!p1 [tilespmem:s0+$0xA118], $0x1;
	_ =	sdelay $0x1  }
0x234: {  	v1 =	vld.msk @!p1 [tilespmem:$0xA118], $0x1;
	_ =	sdelay $0x2  }
0x235: {  	p2 =	seq.s32 @!p1 s0, $0x0;
	v0 =	vbroadcast @!p1 v0, $0x0  }
0x236: {  	vm0 =	vmmov @!p1 $0x1;
	p2 =	por !p2, p1  }
0x237: {  	v1 =	vnsel @!p1 vm0, $0xFFFFFFFF, v1;
	vm0 =	vcmask @!p1 $0x308;
	v0 =	vpsel !p2, $0xFFFFFFFF, v0  }
0x238: {  	p2 =	sne.s32 @!p1 s8, s7;
	v0 =	vsel @!p1 vm0, v1, v0  }
0x239: {  	s2 =	simm.s32 @!p1 $0xA138;
	s3 =	simm.s32 @!p1 $0x0;
	p3 =	por !p2, p1;
	[tilespmem:$0xA938] =	vst @!p1 v0  }
0x23a: {  	[spmem:s3] =	stream.linear.scatter @!p1 [tilespmem:s2], [sflag:$0x1], $0x40, $0x38;
	[tilespmem:$0x1EF88] =	vst v63  }
0x23b: {  	s2 =	sshll.u32 @!p3 s0, $0x8  }
0x23c: {  	s2 =	sshra.s32 @!p3 s2, $0x2  }
0x23d: {  	s3 =	simm.s32 @!p3 $0x40;
	s2 =	sadd.s32 @!p3 $0xA138, s2  }
0x23e: {  	[spmem:s3] =	stream.linear.scatter @!p3 [tilespmem:s2], [sflag:$0x1], $0x40, $0x38;
	[tilespmem:$0x1EF88] =	vst v63  }
0x23f: {  	s2 =	simm.s32 @!p3 $0x1  }
0x240: {  	_ =	swait.ge @!p3 [sflag:s2], $0x80  }
0x241: {  	p1 =	por p2, p1;
	[sflag:s2] =	ssyncset.done @!p3 $0x0  }
0x242: {  	[sflag:s2] =	ssyncadd.s32 @!p3 $0xFFFFFF80;
	s2 =	simm.s32 @!p1 $0x1  }
0x243: {  	_ =	swait.ge @!p1 [sflag:s2], $0x40  }
0x244: {  	s29 =	simm.s32 $0xA938;
	[sflag:s2] =	ssyncset.done @!p1 $0x0  }
0x245: {  	s30 =	simm.s32 $0x800;
	s31 =	simm.s32 $0x1;
	[sflag:s2] =	ssyncadd.s32 @!p1 $0xFFFFFFC0  }
0x246: {  	[spmem:s30] =	stream.linear.scatter [tilespmem:s29], [sflag:$0x1], $0x10, $0x38;
	[tilespmem:$0x1EF88] =	vst v63  }
0x247: {  	_ =	swait.ge [sflag:s31], $0x10  }
0x248: {  	[sflag:s31] =	ssyncset.done $0x0  }
0x249: {  	p1 =	seq.s32 s13, $0x0;
	s9 =	rddreg [dreg:$0x1];
	[sflag:s31] =	ssyncadd.s32 $0xFFFFFFF0  }
0x24a: {  	s3 =	sshll.u32 @p1 s9, $0xE;
	s8 =	rddreg [dreg:$0x2]  }
0x24b: {  	s2 =	sadd.s32 @p1 $0x15C3C, s3;
	s3 =	sshll.u32 @p1 s8, $0x11  }
0x24c: {  	_ =	sfence.stream.spmem;
	s2 =	sor.u32 @p1 s3, s2  }
0x24d: {  	[sflag:s2] =	ssyncadd.remote.s32 @p1 $0x1;
	s2 =	simm.s32 @p1 $0x4  }
0x24e: {  	s4 =	simm.s32 @!p1 $0x3C;
	s3 =	sand.u32 $0xFFFFFFFE, s9;
	_ =	swait.ge @p1 [sflag:s2], $0x12  }
0x24f: {  	s5 =	simm.s32 @!p1 $0x0;
	s3 =	sadd.s32 @!p1 $0x4, s3;
	[sflag:s2] =	ssyncset.done @p1 $0x0  }
0x250: {  	s7 =	simm.s32 @!p1 $0x80;
	[sflag:s2] =	ssyncadd.s32 @p1 $0xFFFFFFEE;
	s2 =	sshll.u32 @!p1 s3, $0x1A  }
0x251: {  	s3 =	sshll.u32 @!p1 s3, $0xD;
	s2 =	sor.u32 @!p1 s2, s8;
	_ =	swait.eq @!p1 [sflag:s4], $0x1  }
0x252: {  	s3 =	sor.u32 @!p1 $0x1C04, s3;
	s4 =	simm.s32 @!p1 $0x1C03;
	s2 =	sor.u32 @!p1 $0x80004000, s2  }
0x253: {  	[spmem:s7], [sflag:s3] =	dma.general @!p1 [spmem:s5], [sflag:s4], length:$0x10, [dreg:$0x0], stride_count:$0x0, ici_dest:s2, dma_misc:DstOpCode:WRITE  }
0x254: {  	p2 =	slt.s32 s0, $0x2;
	s5 =	simm.s32 @!p1 $0x100;
	s7 =	simm.s32 @!p1 $0x102  }
0x255: {  	[spmem:s7], [sflag:s3] =	dma.general @!p1 [spmem:s5], [sflag:s4], length:$0x2, [dreg:$0x0], stride_count:$0x0, ici_dest:s2, dma_misc:DstOpCode:WRITE  }
.Ltmp34:
0x256: {  	s2 =	simm.s32 @!p1 $0x3;
	(pc) =	sbr.rel @p2 .LBB3_42-.Ltmp34, $4  }
0x257: {  	s3 =	sshll.u32 @!p1 s9, $0xE;
	_ =	swait.ge @!p1 [sflag:s2], $0x12  }
0x258: {  	s4 =	sshll.u32 @!p1 s8, $0x11;
	s3 =	sadd.s32 @!p1 $0x11C3C, s3;
	[sflag:s2] =	ssyncset.done @!p1 $0x0  }
0x259: {  	[sflag:s2] =	ssyncadd.s32 @!p1 $0xFFFFFFEE;
	s2 =	sor.u32 @!p1 s4, s3  }
0x25a: {  	s0 =	simm.s32 $0x0;
	[sflag:s2] =	ssyncadd.remote.s32 @!p1 $0xFFFFFFFF  }
0x25b: {  	s0 =	simm.s32 $0xA119  }
0x25c: {  	v0 =	vld.msk [tilespmem:s0+$0x0], $0x1;
	_ =	sdelay $0x4  }
0x25d: {  	(v2sf) =	vpush v0, $0x0;
	_ =	sdelay $0xc  }
0x25e: {  	s2 =	sadd.s32 $0xFFFFFFFE, s6  }
0x25f: {  	s2 =	sadd.s32 $0xFFFFFFFF, s2  }
0x260: {  	p2 =	sne.s32 s2, $0x0;
	s3 =	spop (v2sf)  }
.Ltmp35:
0x261: {  	p1 =	sgt.u32 s3, $0x270FF8;
	(pc) =	sbr.rel @!p2 .LBB3_41-.Ltmp35, $4  }
0x262: {  	s5 =	simm.s32 $0x0;
	s4 =	sand.u32 @!p1 $0x3FFFF8, s3  }
0x263: {  	s0 =	simm.s32 $0xA178;
	s3 =	sand.u32 @!p1 $0x7, s3;
	s4 =	sadd.s32 @!p1 s1, s4  }
0x264: {  	[hbm4b:s4+s3] =	stream.linear.scatter @!p1 [tilespmem:s0], [sflag:$0x5], $0x40, $0x38;
	[tilespmem:$0x1EF88] =	vst v63  }
0x265: {  	s5 =	simm.s32 @!p1 $0x100;
	s3 =	simm.s32 $0x0;
	s4 =	simm.s32 $0xA11A  }
.LBB3_40:
0x266: {  	v0 =	vld.msk [tilespmem:s4+$0x0], $0x1;
	s2 =	sadd.s32 $0xFFFFFFFF, s2;
	s3 =	sadd.s32 s3, s5  }
0x267: {  	p1 =	sne.s32 s2, $0x0;
	_ =	sdelay $0x3  }
0x268: {  	(v2sf) =	vpush v0, $0x0;
	_ =	sdelay $0xe  }
.Ltmp36:
0x269: {  	s6 =	spop (v2sf);
	(pc) =	sbr.rel @p1 .LBB3_40-.Ltmp36, $4  }
0x26a: {  	s5 =	simm.s32 $0x0;
	p2 =	sgt.u32 s6, $0x270FF8  }
0x26b: {  	s0 =	sadd.s32 $0x40, s0;
	s5 =	simm.s32 @!p2 $0x100;
	s7 =	sand.u32 @!p2 $0x3FFFF8, s6  }
0x26c: {  	s4 =	sadd.s32 $0x1, s4;
	s6 =	sand.u32 @!p2 $0x7, s6;
	s7 =	sadd.s32 @!p2 s1, s7  }
0x26d: {  	[hbm4b:s7+s6] =	stream.linear.scatter @!p2 [tilespmem:s0], [sflag:$0x5], $0x40, $0x38;
	[tilespmem:$0x1EF88] =	vst v63  }
.LBB3_41:
0x26e: {  	s0 =	sadd.s32 s3, s5  }
0x26f: {  	s0 =	sshrl.u32 s0, $0x2  }
.LBB3_42:
0x270: {  	s2 =	simm.s32 $0x5  }
0x271: {  	_ =	swait.ge [sflag:s2], s0  }
0x272: {  	s31 =	ssub.s32 $0x0, s0;
	[sflag:s2] =	ssyncset.done $0x0  }
0x273: {  	[sflag:s2] =	ssyncadd.s32 s31  }
0x274: {  	[sflag:s2] =	ssyncpa.u1 $0x1  }
.LBB3_43:
0x275: {  	s0 =	sor.u32 s13, s14  }
0x276: {  	p1 =	sne.s32 s0, $0x0  }
.Ltmp37:
0x277: {  	_ = 	snop;
	(pc) =	sbr.rel @p1 .LBB3_58-.Ltmp37, $3  }
0x278: {  	_ =	sdelay $0x1  }
0x279: {  	[bflag:$0x0] =	sbarrier.arrive $0xFFFF  }
0x27a: {  	_ =	sfence  }
0x27b: {  	s2 =	simm.s32 $0x7  }
0x27c: {  	s0 =	simm.s32 $0x800;
	s3 =	simm.s32 $0xA118;
	[sflag:s2] =	ssyncpa.u1 $0x0  }
0x27d: {  	[tilespmem:s3], [sflag:$0x7] =	stream.linear.gather [spmem:s0], $0x20, $0x38;
	[tilespmem:$0x1EF88] =	vst v63  }
0x27e: {  	s30 =	simm.s32 $0xA138;
	s0 =	simm.s32 $0x0  }
0x27f: {  	[tilespmem:s30], [sflag:$0x7] =	stream.linear.gather [spmem:s0], $0x800, $0x38;
	[tilespmem:$0x1EF88] =	vst v63  }
.Ltmp38:
0x280: {  	_ = 	snop;
	(pc) =	sbr.rel .LBB3_45-.Ltmp38, $4  }
0x281: {  	_ =	swait.ge [sflag:s2], $0x820  }
0x282: {  	[sflag:s2] =	ssyncset.done $0x0  }
0x283: {  	s31 =	simm.s32 $0x8;
	[sflag:s2] =	ssyncadd.s32 $0xFFFFF7E0  }
0x284: {  	s2 =	simm.s32 $0x0;
	[sflag:s31] =	ssyncpa.u1 $0x0  }
.LBB3_51:
0x285: {  	p1 =	slt.u32 s3, $0x270FF9  }
0x286: {  	s4 =	sand.u32 @p1 $0x3FFFF8, s3  }
0x287: {  	s3 =	sand.u32 @p1 $0x7, s3;
	s5 =	simm.s32 @p1 $0xA0C8;
	s4 =	sadd.s32 @p1 s1, s4  }
0x288: {  	[tilespmem:s5], [sflag:$0x8] =	stream.linear.gather @p1 [hbm4b:s4+s3], $0x40, $0x38;
	[tilespmem:$0x1EF88] =	vst v63  }
0x289: {  	s3 =	simm.s32 @p1 $0x8  }
0x28a: {  	_ =	swait.ge @p1 [sflag:s3], $0x40  }
0x28b: {  	[sflag:s3] =	ssyncset.done @p1 $0x0  }
0x28c: {  	[sflag:s3] =	ssyncadd.s32 @p1 $0xFFFFFFC0  }
0x28d: {  	v1 =	vld @p1 [tilespmem:$0xA0C8];
	_ =	sdelay $0x2  }
0x28e: {  	s3 =	sshll.u32 @p1 s2, $0x8  }
0x28f: {  	s4 =	sshrl.u32 @p1 s3, $0x2  }
0x290: {  	[tilespmem:s4+$0xA138] =	vst.add.f32.msk @p1 $0xffff, v1  }
0x291: {  	v1 =	vld @p1 [tilespmem:$0xA0D8];
	_ =	sdelay $0x4  }
0x292: {  	[tilespmem:s4+$0xA148] =	vst.add.f32.msk @p1 $0xffff, v1  }
0x293: {  	v1 =	vld @p1 [tilespmem:$0xA0E8];
	_ =	sdelay $0x4  }
0x294: {  	[tilespmem:s4+$0xA158] =	vst.add.f32.msk @p1 $0xffff, v1  }
0x295: {  	v1 =	vld @p1 [tilespmem:$0xA0F8];
	_ =	sdelay $0x3  }
0x296: {  	s5 =	sshll.u32 @!p1 s2, $0x8  }
0x297: {  	s5 =	smov.u32 @p1 s3;
	[tilespmem:s4+$0xA168] =	vst.add.f32.msk @p1 $0xffff, v1  }
0x298: {  	s3 =	sshrl.u32 s5, $0x2;
	[tilespmem:s0+$0xA118] =	vst.msk $0x1, v0  }
0x299: {  	v0 =	vld [tilespmem:s3+$0xA138];
	_ =	sdelay $0x2  }
0x29a: {  	s31 =	sshll.u32 s0, $0x8  }
0x29b: {  	s4 =	sshra.s32 s31, $0x2  }
0x29c: {  	[tilespmem:s4+$0xA138] =	vst v0  }
0x29d: {  	v0 =	vld [tilespmem:s3+$0xA148];
	_ =	sdelay $0x4  }
0x29e: {  	[tilespmem:s4+$0xA148] =	vst v0  }
0x29f: {  	v0 =	vld [tilespmem:s3+$0xA158];
	_ =	sdelay $0x4  }
0x2a0: {  	[tilespmem:s4+$0xA158] =	vst v0  }
0x2a1: {  	v0 =	vld [tilespmem:s3+$0xA168];
	_ =	sdelay $0x4  }
0x2a2: {  	s0 =	sadd.s32 $0x1, s0;
	[tilespmem:s4+$0xA168] =	vst v0  }
.LBB3_52:
0x2a3: {  	s2 =	sadd.s32 $0x1, s2  }
0x2a4: {  	p1 =	sne.s32 s2, $0x20  }
.Ltmp39:
0x2a5: {  	_ = 	snop;
	(pc) =	sbr.rel @!p1 .LBB3_53-.Ltmp39, $1  }
0x2a6: {  	_ =	sdelay $0x3  }
.LBB3_45:
0x2a7: {  	v0 =	vld.msk [tilespmem:s2+$0xA118], $0x1;
	_ =	sdelay $0x4  }
0x2a8: {  	(v2sf) =	vpush v0, $0x0;
	_ =	sdelay $0xe  }
0x2a9: {  	s3 =	spop (v2sf)  }
0x2aa: {  	p1 =	seq.s32 s3, $0xFFFFFFFF  }
.Ltmp40:
0x2ab: {  	_ = 	snop;
	(pc) =	sbr.rel @p1 .LBB3_52-.Ltmp40, $1  }
0x2ac: {  	_ =	sdelay $0x3  }
0x2ad: {  	p1 =	slt.s32 s0, $0x1  }
.Ltmp41:
0x2ae: {  	_ = 	snop;
	(pc) =	sbr.rel @p1 .LBB3_51-.Ltmp41, $1  }
0x2af: {  	_ =	sdelay $0x3  }
0x2b0: {  	s4 =	simm.s32 $0xA118;
	p1 =	por $0x0, $0x0  }
0x2b1: {  	v1 =	vld.msk @!p1 [tilespmem:s4+$0x0], $0x1;
	_ =	sdelay $0x4  }
0x2b2: {  	(v2sf) =	vpush @!p1 v1, $0x0;
	_ =	sdelay $0xd  }
0x2b3: {  	p3 =	sne.s32 s0, $0x1  }
.Ltmp42:
0x2b4: {  	s5 =	spop @!p1 (v2sf);
	(pc) =	sbr.rel @!p3 .LBB3_49-.Ltmp42, $4  }
0x2b5: {  	p2 =	seq.s32 @!p1 s3, s5  }
0x2b6: {  	s5 =	simm.s32 $0x0;
	p2 =	por !p2, p1  }
0x2b7: {  	s7 =	simm.s32 $0xFFFFFFFF;
	s5 =	simm.s32 @p2 $0xFFFFFFFF  }
0x2b8: {  	s6 =	simm.s32 $0x1;
	s5 =	smov.u32 @p1 s7  }
.LBB3_48:
0x2b9: {  	s7 =	smov.u32 s5;
	p1 =	sne.s32 s5, $0xFFFFFFFF  }
0x2ba: {  	s4 =	sadd.s32 $0x1, s4;
	s5 =	smov.u32 s6;
	s6 =	sadd.s32 $0x1, s6  }
0x2bb: {  	p2 =	sne.s32 s0, s6;
	v1 =	vld.msk @!p1 [tilespmem:s4+$0x0], $0x1;
	_ =	sdelay $0x4  }
0x2bc: {  	(v2sf) =	vpush @!p1 v1, $0x0;
	_ =	sdelay $0xe  }
.Ltmp43:
0x2bd: {  	s8 =	spop @!p1 (v2sf);
	(pc) =	sbr.rel @p2 .LBB3_48-.Ltmp43, $4  }
0x2be: {  	p3 =	seq.s32 @!p1 s3, s8  }
0x2bf: {  	p3 =	por !p3, p1  }
0x2c0: {  	s5 =	simm.s32 @p3 $0xFFFFFFFF  }
0x2c1: {  	s5 =	smov.u32 @p1 s7  }
.LBB3_49:
0x2c2: {  	p1 =	seq.s32 s5, $0xFFFFFFFF  }
.Ltmp44:
0x2c3: {  	_ = 	snop;
	(pc) =	sbr.rel @p1 .LBB3_51-.Ltmp44, $1  }
0x2c4: {  	_ =	sdelay $0x3  }
0x2c5: {  	s3 =	sshll.u32 s2, $0x6  }
0x2c6: {  	s3 =	sand.u32 $0x3FFFFFC0, s3  }
0x2c7: {  	v0 =	vld [tilespmem:s3+$0xA138];
	_ =	sdelay $0x2  }
0x2c8: {  	s4 =	sshll.u32 s5, $0x8  }
0x2c9: {  	s4 =	sshra.s32 s4, $0x2  }
0x2ca: {  	[tilespmem:s4+$0xA138] =	vst.add.f32.msk $0xffff, v0  }
0x2cb: {  	v0 =	vld [tilespmem:s3+$0xA148];
	_ =	sdelay $0x4  }
0x2cc: {  	[tilespmem:s4+$0xA148] =	vst.add.f32.msk $0xffff, v0  }
0x2cd: {  	v0 =	vld [tilespmem:s3+$0xA158];
	_ =	sdelay $0x4  }
0x2ce: {  	[tilespmem:s4+$0xA158] =	vst.add.f32.msk $0xffff, v0  }
0x2cf: {  	v0 =	vld [tilespmem:s3+$0xA168]  }
.Ltmp45:
0x2d0: {  	_ = 	snop;
	(pc) =	sbr.rel .LBB3_52-.Ltmp45, $2  }
0x2d1: {  	_ =	sdelay $0x2  }
0x2d2: {  	[tilespmem:s4+$0xA168] =	vst.add.f32.msk $0xffff, v0  }
.LBB3_53:
0x2d3: {  	p1 =	slt.s32 s0, $0x1  }
.Ltmp46:
0x2d4: {  	_ = 	snop;
	(pc) =	sbr.rel @p1 .LBB3_57-.Ltmp46, $3  }
0x2d5: {  	_ =	sdelay $0x1  }
0x2d6: {  	s2 =	simm.s32 $0x8  }
0x2d7: {  	[sflag:s2] =	ssyncpa.u1 $0x1;
	s2 =	simm.s32 $0x0  }
0x2d8: {  	s3 =	simm.s32 $0xA118  }
0x2d9: {  	v0 =	vld.msk [tilespmem:s3+$0x0], $0x1;
	_ =	sdelay $0x4  }
0x2da: {  	(v2sf) =	vpush v0, $0x0;
	_ =	sdelay $0xe  }
0x2db: {  	s0 =	sadd.s32 $0xFFFFFFFF, s0;
	s4 =	spop (v2sf)  }
0x2dc: {  	p2 =	sne.s32 s0, $0x0;
	p1 =	sgt.u32 s4, $0x270FF8  }
.Ltmp47:
0x2dd: {  	s5 =	sand.u32 @!p1 $0x3FFFF8, s4;
	(pc) =	sbr.rel @!p2 .LBB3_56-.Ltmp47, $4  }
0x2de: {  	s3 =	simm.s32 $0xA138;
	s4 =	sand.u32 @!p1 $0x7, s4;
	s5 =	sadd.s32 @!p1 s1, s5  }
0x2df: {  	[hbm4b:s5+s4] =	stream.linear.scatter @!p1 [tilespmem:s3], [sflag:$0x7], $0x40, $0x38;
	[tilespmem:$0x1EF88] =	vst v63  }
0x2e0: {  	s5 =	simm.s32 $0x0  }
0x2e1: {  	s4 =	simm.s32 $0xA119;
	s5 =	simm.s32 @!p1 $0x100  }
.LBB3_55:
0x2e2: {  	v0 =	vld.msk [tilespmem:s4+$0x0], $0x1;
	s0 =	sadd.s32 $0xFFFFFFFF, s0;
	s2 =	sadd.s32 s2, s5  }
0x2e3: {  	p1 =	sne.s32 s0, $0x0;
	_ =	sdelay $0x3  }
0x2e4: {  	(v2sf) =	vpush v0, $0x0;
	_ =	sdelay $0xe  }
.Ltmp48:
0x2e5: {  	s6 =	spop (v2sf);
	(pc) =	sbr.rel @p1 .LBB3_55-.Ltmp48, $4  }
0x2e6: {  	s5 =	simm.s32 $0x0;
	p2 =	sgt.u32 s6, $0x270FF8  }
0x2e7: {  	s3 =	sadd.s32 $0x40, s3;
	s5 =	simm.s32 @!p2 $0x100;
	s7 =	sand.u32 @!p2 $0x3FFFF8, s6  }
0x2e8: {  	s4 =	sadd.s32 $0x1, s4;
	s6 =	sand.u32 @!p2 $0x7, s6;
	s7 =	sadd.s32 @!p2 s1, s7  }
0x2e9: {  	[hbm4b:s7+s6] =	stream.linear.scatter @!p2 [tilespmem:s3], [sflag:$0x7], $0x40, $0x38;
	[tilespmem:$0x1EF88] =	vst v63  }
.LBB3_56:
0x2ea: {  	s0 =	sadd.s32 s2, s5  }
0x2eb: {  	s2 =	sshrl.u32 s0, $0x2  }
.LBB3_57:
0x2ec: {  	s0 =	simm.s32 $0x7  }
0x2ed: {  	_ =	swait.ge [sflag:s0], s2  }
0x2ee: {  	s1 =	ssub.s32 $0x0, s2;
	[sflag:s0] =	ssyncset.done $0x0  }
0x2ef: {  	[sflag:s0] =	ssyncadd.s32 s1  }
0x2f0: {  	[sflag:s0] =	ssyncpa.u1 $0x1  }
.LBB3_58:
0x2f1: {  	_ =	sfence;
	s0 =	simm.s32 $0x1  }
0x2f2: {  	[sflag:s0] =	ssyncpa.u1 $0x1  }
0x2f3: {  	_ =	strace $0x90000053  }
0x2f4: {  	[bflag:$0x2] =	sbarrier.arrive $0xFFFF  }
0x2f5: {  	s0 =	rddreg [dreg:$0x3]  }
0x2f6: {  	s0 =	sadd.s32 @!p0 $0x100000, s0  }
0x2f7: {  	[sflag:s0] =	ssyncadd.tile.s32 @!p0 $0x1;
	_ =	shalt  }
.Lfunc_end3:
_tile_overlayer_lowered:
.L_overlay_start_3:
0x2f8: {  	(tag) =	ssettag $0x3  }
0x2f9: {  	s0 =	rddreg [dreg:$0x0];
	s2 =	stileid.u32  }
0x2fa: {  	s1 =	rddreg [dreg:$0x1];
	p0 =	sne.s32 s2, $0x0  }
0x2fb: {  	s3 =	rddreg [dreg:$0x2];
	[bflag:$0x3] =	sbarrier.arrive $0xFFFF;
	s2 =	simm.s32 @!p0 $0x1C01  }
0x2fc: {  	[timem:s3], [sflag:s2] =	dma.local @!p0 [hbm:s0], s1  }
0x2fd: {  	s0 =	simm.s32 @!p0 $0x1  }
0x2fe: {  	_ =	swait.ge @!p0 [sflag:s0], s1  }
0x2ff: {  	s1 =	ssub.s32 @!p0 $0x0, s1;
	[sflag:s0] =	ssyncset.done @!p0 $0x0  }
0x300: {  	[sflag:s0] =	ssyncadd.s32 @!p0 s1  }
0x301: {  	[bflag:$0x3] =	sbarrier.arrive $0xFFFF  }
0x302: {  	_ =	shalt  }

</sc_bundles>
